<compile_context>
chip_gen: v7x
topology: tpu7x:2x2x1
jax: 0.10.2.dev20260603
libtpu: 0.0.44.dev20260713+nightly
codegen_flags: <defaults>
</compile_context>

<pallas_src>
import functools
import math

import jax
import jax.numpy as jnp
from jax import lax
from jax.experimental import pallas as pl
from jax.experimental.pallas import tpu as pltpu
from jax.experimental.pallas import tpu_sc as plsc

N = 10000
DIM = 128
NG = 32
MAXN = 625
SEEDS1 = 75
E = 320000

NP = 10752
RB = NP // 8
NW = 32
CH = 79
EP = NW * CH * 128
RPT = NP // 16
NEG = -1e9
ISQ = 1.0 / math.sqrt(128.0)



def _sc_body_factory(with_cnt):
    def body(*refs):
        if with_cnt:
            (feat, init0, init1, zvec, ones_hbm, srcp, dstp,
             agg_out, cnt_out,
             idx_s, idx_d, rows, ones_v, acc_sp, cnt_sp, sem) = refs
        else:
            (feat, init0, init1, srcp, dstp,
             agg_out,
             idx_s, idx_d, rows, acc_sp, sem) = refs
        cid = lax.axis_index("c")
        sid = lax.axis_index("s")
        wid = sid * 2 + cid
        rng = pl.ds(sid * RPT, RPT)

        def cnt_ranges(fn):
            @pl.when(sid < 4)
            def _():
                fn(pl.ds(sid * 768, 768))

            @pl.when(sid >= 4)
            def _():
                fn(pl.ds(3072 + (sid - 4) * 640, 640))

        @pl.when(cid == 0)
        def _():
            pltpu.sync_copy(init0.at[rng], acc_sp.at[rng])

        @pl.when(cid == 1)
        def _():
            pltpu.sync_copy(init1.at[rng], acc_sp.at[rng])

        pltpu.sync_copy(srcp.at[wid], idx_s)
        pltpu.sync_copy(dstp.at[wid], idx_d)
        if with_cnt:
            cnt_ranges(lambda r: pltpu.sync_copy(zvec.at[r], cnt_sp.at[r]))
            pltpu.sync_copy(ones_hbm, ones_v)
        plsc.subcore_barrier()

        def chunk(j, carry):
            pltpu.async_copy(feat.at[idx_s.at[j]], rows, sem).wait()
            pltpu.sync_copy(rows, acc_sp.at[idx_d.at[j]], add=True)
            if with_cnt:
                pltpu.sync_copy(ones_v, cnt_sp.at[idx_d.at[j]], add=True)
            return carry

        lax.fori_loop(0, CH, chunk, 0)
        plsc.subcore_barrier()
        pltpu.sync_copy(acc_sp.at[rng], agg_out.at[cid].at[rng])
        if with_cnt:
            cnt_ranges(lambda r: pltpu.sync_copy(cnt_sp.at[r],
                                                 cnt_out.at[cid].at[r]))
    return body


def _sc_pass(feat, init0, init1, srcp, dstp, zvec=None, ones=None):
    with_cnt = zvec is not None
    mesh = plsc.VectorSubcoreMesh(core_axis_name="c", subcore_axis_name="s")
    outs = [jax.ShapeDtypeStruct((2, NP, DIM), jnp.float32)]
    scratch = [
        pltpu.VMEM((CH, 128), jnp.int32),
        pltpu.VMEM((CH, 128), jnp.int32),
        pltpu.VMEM((128, DIM), jnp.float32),
    ]
    if with_cnt:
        outs.append(jax.ShapeDtypeStruct((2, NP), jnp.float32))
        scratch.append(pltpu.VMEM((128,), jnp.float32))
    scratch.append(pltpu.VMEM_SHARED((NP, DIM), jnp.float32))
    if with_cnt:
        scratch.append(pltpu.VMEM_SHARED((NP,), jnp.float32))
    scratch.append(pltpu.SemaphoreType.DMA)

    k = pl.kernel(
        _sc_body_factory(with_cnt),
        mesh=mesh,
        out_type=outs if with_cnt else outs[0],
        scratch_types=scratch,
    )
    if with_cnt:
        return k(feat, init0, init1, zvec, ones, srcp, dstp)
    return k(feat, init0, init1, srcp, dstp)



def _full(shape):
    return pl.BlockSpec(shape, lambda i: tuple(0 for _ in shape))


def _rows(shape):
    if len(shape) == 2:
        return pl.BlockSpec(shape, lambda i: (i, 0))
    return pl.BlockSpec(shape, lambda i: (0, i, 0))


def _stage_a(xp, W, b):
    def body(x_ref, w_ref, b_ref, o_ref):
        o_ref[...] = jnp.maximum(
            jnp.dot(x_ref[...], w_ref[...],
                    preferred_element_type=jnp.float32) + b_ref[...], 0.0)
    return pl.pallas_call(
        body,
        grid=(8,),
        in_specs=[_rows((RB, DIM)), _full((DIM, DIM)), _full((1, DIM))],
        out_specs=_rows((RB, DIM)),
        out_shape=jax.ShapeDtypeStruct((NP, DIM), jnp.float32),
    )(xp, W, b)


def _prep(cntp):
    def body(c_ref, rc_ref, di_ref):
        c = c_ref[0] + c_ref[1]
        rc_ref[...] = 1.0 / jnp.maximum(c, 1.0)
        di_ref[...] = lax.rsqrt(c + 1.0)
    return pl.pallas_call(
        body,
        grid=(1,),
        in_specs=[_full((2, NP, 1))],
        out_specs=[_full((NP, 1)), _full((NP, 1))],
        out_shape=[jax.ShapeDtypeStruct((NP, 1), jnp.float32),
                   jax.ShapeDtypeStruct((NP, 1), jnp.float32)],
    )(cntp)


def _stage_b(aggp, h, rc, W_l, b_l, W_r):
    def body(a_ref, h_ref, rc_ref, wl_ref, bl_ref, wr_ref, o_ref):
        mean = (a_ref[0] + a_ref[1]) * rc_ref[...]
        o_ref[...] = jnp.maximum(
            jnp.dot(mean, wl_ref[...], preferred_element_type=jnp.float32)
            + bl_ref[...]
            + jnp.dot(h_ref[...], wr_ref[...],
                      preferred_element_type=jnp.float32), 0.0)
    return pl.pallas_call(
        body,
        grid=(8,),
        in_specs=[_rows((2, RB, DIM)), _rows((RB, DIM)), _rows((RB, 1)),
                  _full((DIM, DIM)), _full((1, DIM)), _full((DIM, DIM))],
        out_specs=_rows((RB, DIM)),
        out_shape=jax.ShapeDtypeStruct((NP, DIM), jnp.float32),
    )(aggp, h, rc, W_l, b_l, W_r)


def _stage_c(aggp, h, rc, dinv, W_l, b_l, W_r, lin1W, lin1b, Wk, Wv):
    def body(a_ref, h_ref, rc_ref, di_ref, wl_ref, bl_ref, wr_ref,
             l1w_ref, l1b_ref, wk_ref, wv_ref, hk_ref, hv_ref):
        mean = (a_ref[0] + a_ref[1]) * rc_ref[...]
        h3 = jnp.maximum(
            jnp.dot(mean, wl_ref[...], preferred_element_type=jnp.float32)
            + bl_ref[...]
            + jnp.dot(h_ref[...], wr_ref[...],
                      preferred_element_type=jnp.float32), 0.0)
        xpv = jnp.dot(h3, l1w_ref[...],
                      preferred_element_type=jnp.float32) + l1b_ref[...]
        di = di_ref[...]
        hk_ref[...] = jnp.dot(xpv, wk_ref[...],
                              preferred_element_type=jnp.float32) * di
        hv_ref[...] = jnp.dot(xpv, wv_ref[...],
                              preferred_element_type=jnp.float32) * di
    return pl.pallas_call(
        body,
        grid=(8,),
        in_specs=[_rows((2, RB, DIM)), _rows((RB, DIM)), _rows((RB, 1)),
                  _rows((RB, 1)), _full((DIM, DIM)), _full((1, DIM)),
                  _full((DIM, DIM)), _full((DIM, DIM)), _full((1, DIM)),
                  _full((DIM, DIM)), _full((DIM, DIM))],
        out_specs=[_rows((RB, DIM)), _rows((RB, DIM))],
        out_shape=[jax.ShapeDtypeStruct((NP, DIM), jnp.float32),
                   jax.ShapeDtypeStruct((NP, DIM), jnp.float32)],
    )(aggp, h, rc, dinv, W_l, b_l, W_r, lin1W, lin1b, Wk, Wv)


def _softmax_rows(s):
    m = jnp.max(s, axis=1, keepdims=True)
    e = jnp.exp(s - m)
    return e / jnp.sum(e, axis=1, keepdims=True)


def _heads_attn(Qp, K, V, maskrow=None):
    outs = []
    for h in range(4):
        qh = Qp[:, h * 32:(h + 1) * 32]
        kh = K[:, h * 32:(h + 1) * 32]
        vh = V[:, h * 32:(h + 1) * 32]
        s = lax.dot_general(qh, kh, (((1,), (1,)), ((), ())),
                            preferred_element_type=jnp.float32) * ISQ
        if maskrow is not None:
            s = s + maskrow
        a = _softmax_rows(s)
        outs.append(jnp.dot(a, vh, preferred_element_type=jnp.float32))
    return Qp + jnp.concatenate(outs, axis=1)


def _attention(kn0, kn1, vn0, vn1, dinv, batch2d, wts):
    (S1, Wq1, bq1, Wo1, bo1, bk1, bv1,
     Wq2, bq2, Wk2, bk2, Wv2, bv2, Wo2, bo2,
     S3, Wq3, bq3, Wk3, bk3, Wv3, bv3, Wo3, bo3,
     l2W, l2b) = wts

    def body(k0_ref, k1_ref, v0_ref, v1_ref, di_ref, b_ref,
             s1_ref, wq1_ref, bq1_ref, wo1_ref, bo1_ref, bk1_ref, bv1_ref,
             wq2_ref, bq2_ref, wk2_ref, bk2_ref, wv2_ref, bv2_ref,
             wo2_ref, bo2_ref,
             s3_ref, wq3_ref, bq3_ref, wk3_ref, bk3_ref, wv3_ref, bv3_ref,
             wo3_ref, bo3_ref, l2w_ref, l2b_ref, o_ref):
        g = pl.program_id(0)
        b2 = b_ref[...]
        cntg = jnp.sum((b2 == g).astype(jnp.int32))
        startg = jnp.sum((b2 < g).astype(jnp.int32))
        sl = pl.ds(startg, 640)
        di = di_ref[sl, :]
        K = di * (k0_ref[sl, :] + k1_ref[sl, :]) + bk1_ref[...]
        V = di * (v0_ref[sl, :] + v1_ref[sl, :]) + bv1_ref[...]
        kmax = jnp.minimum(cntg, MAXN)
        vcol = lax.broadcasted_iota(jnp.int32, (640, 1), 0) < kmax
        vrow = lax.broadcasted_iota(jnp.int32, (1, 640), 1) < kmax
        V = jnp.where(vcol, V, 0.0)
        maskrow = jnp.where(vrow, 0.0, NEG)

        Qp = jnp.dot(s1_ref[...], wq1_ref[...],
                     preferred_element_type=jnp.float32) + bq1_ref[...]
        X = _heads_attn(Qp, K, V, maskrow)
        X = X + jnp.maximum(
            jnp.dot(X, wo1_ref[...], preferred_element_type=jnp.float32)
            + bo1_ref[...], 0.0)

        Q2 = jnp.dot(X, wq2_ref[...],
                     preferred_element_type=jnp.float32) + bq2_ref[...]
        K2 = jnp.dot(X, wk2_ref[...],
                     preferred_element_type=jnp.float32) + bk2_ref[...]
        V2 = jnp.dot(X, wv2_ref[...],
                     preferred_element_type=jnp.float32) + bv2_ref[...]
        X2 = _heads_attn(Q2, K2, V2)
        X2 = X2 + jnp.maximum(
            jnp.dot(X2, wo2_ref[...], preferred_element_type=jnp.float32)
            + bo2_ref[...], 0.0)

        Q3 = jnp.dot(s3_ref[...], wq3_ref[...],
                     preferred_element_type=jnp.float32) + bq3_ref[...]
        K3 = jnp.dot(X2, wk3_ref[...],
                     preferred_element_type=jnp.float32) + bk3_ref[...]
        V3 = jnp.dot(X2, wv3_ref[...],
                     preferred_element_type=jnp.float32) + bv3_ref[...]
        X3 = _heads_attn(Q3, K3, V3)
        X3 = X3 + jnp.maximum(
            jnp.dot(X3, wo3_ref[...], preferred_element_type=jnp.float32)
            + bo3_ref[...], 0.0)
        y = jnp.dot(X3, l2w_ref[...],
                    preferred_element_type=jnp.float32) + l2b_ref[...]
        o_ref[...] = jnp.broadcast_to(y[None], (1, 8, DIM))

    nspecs = [_full((NP, DIM))] * 4 + [_full((NP, 1)), _full((84, 128))]
    wspecs = [_full(w.shape) for w in wts]
    return pl.pallas_call(
        body,
        grid=(NG,),
        in_specs=nspecs + wspecs,
        out_specs=pl.BlockSpec((1, 8, DIM), lambda i: (i, 0, 0)),
        out_shape=jax.ShapeDtypeStruct((NG, 8, DIM), jnp.float32),
    )(kn0, kn1, vn0, vn1, dinv, batch2d, *wts)



def kernel(x, edge_index, batch, params):
    p = params
    xpad = jnp.pad(x, ((0, NP - N), (0, 0)))
    srcp = jnp.pad(edge_index[0], (0, EP - E),
                   constant_values=N).reshape(NW, CH, 128)
    dstp = jnp.pad(edge_index[1], (0, EP - E),
                   constant_values=N).reshape(NW, CH, 128)
    batch2d = jnp.pad(batch, (0, NP - N),
                      constant_values=NG).reshape(84, 128)
    z128 = jnp.zeros((NP, DIM), jnp.float32)
    zvec = jnp.zeros((NP,), jnp.float32)
    ones = jnp.ones((128,), jnp.float32)

    def r2(b):
        return b.reshape(1, DIM)

    h0 = _stage_a(xpad, p["W_in"], r2(p["b_in"]))
    agg0, cntp = _sc_pass(h0, z128, z128, srcp, dstp, zvec=zvec, ones=ones)
    rc, dinv = _prep(cntp.reshape(2, NP, 1))
    h1 = _stage_b(agg0, h0, rc, p["W_l0"], r2(p["b_l0"]), p["W_r0"])
    agg1 = _sc_pass(h1, z128, z128, srcp, dstp)
    h2 = _stage_b(agg1, h1, rc, p["W_l1"], r2(p["b_l1"]), p["W_r1"])
    agg2 = _sc_pass(h2, z128, z128, srcp, dstp)
    hk, hv = _stage_c(agg2, h2, rc, dinv, p["W_l2"], r2(p["b_l2"]),
                      p["W_r2"], p["lin1_W"], r2(p["lin1_b"]),
                      p["p1"]["Wk"], p["p1"]["Wv"])
    kp = _sc_pass(hk, hk, z128, srcp, dstp)
    vp = _sc_pass(hv, hv, z128, srcp, dstp)

    m1, m2, m3 = p["p1"], p["p2"], p["p3"]
    wts = (p["S1"][0], m1["Wq"], r2(m1["bq"]), m1["Wo"], r2(m1["bo"]),
           r2(m1["bk"]), r2(m1["bv"]),
           m2["Wq"], r2(m2["bq"]), m2["Wk"], r2(m2["bk"]),
           m2["Wv"], r2(m2["bv"]), m2["Wo"], r2(m2["bo"]),
           p["S3"][0], m3["Wq"], r2(m3["bq"]), m3["Wk"], r2(m3["bk"]),
           m3["Wv"], r2(m3["bv"]), m3["Wo"], r2(m3["bo"]),
           p["lin2_W"], p["lin2_b"].reshape(1, 1))
    y = _attention(kp[0], kp[1], vp[0], vp[1], dinv, batch2d, wts)
    return y[:, 0, 0]

# --- scband reference (transcript-rebuilt; emitter-appended) ---
"""Pipeline reference for scband-game-net-1924145349063 (READ-ONLY COPY).

The authoritative reference and input builder live on the scoring server;
editing this copy changes nothing except your own understanding.
"""

import math
import jax, jax.numpy as jnp
import numpy as np

N = 10000
E = 320000
DIM = 128
IN_F = 128
NG = 32
MAXN = 625
HEADS = 4
SEEDS1 = 75  # ceil(0.25 * num_nodes=300)

def _lin(key, fin, fout):
    k1, k2 = jax.random.split(key)
    bound = 1.0 / math.sqrt(fin)
    W = jax.random.uniform(k1, (fin, fout), minval=-bound, maxval=bound, dtype=jnp.float32)
    b = jax.random.uniform(k2, (fout,), minval=-bound, maxval=bound, dtype=jnp.float32)
    return W, b

def _mab_params(key):
    ks = jax.random.split(key, 4)
    Wq, bq = _lin(ks[0], DIM, DIM)
    Wk, bk = _lin(ks[1], DIM, DIM)
    Wv, bv = _lin(ks[2], DIM, DIM)
    Wo, bo = _lin(ks[3], DIM, DIM)
    return {"Wq": Wq, "bq": bq, "Wk": Wk, "bk": bk, "Wv": Wv, "bv": bv, "Wo": Wo, "bo": bo}

def _make_params(key):
    ks = jax.random.split(key, 16)
    p = {}
    p["W_in"], p["b_in"] = _lin(ks[0], IN_F, DIM)
    for i in range(3):
        p["W_l%d" % i], p["b_l%d" % i] = _lin(ks[1 + i], DIM, DIM)
        p["W_r%d" % i], _ = _lin(ks[4 + i], DIM, DIM)
    p["lin1_W"], p["lin1_b"] = _lin(ks[7], DIM, DIM)
    xb = math.sqrt(6.0 / (SEEDS1 + DIM))
    p["S1"] = jax.random.uniform(ks[8], (1, SEEDS1, DIM), minval=-xb, maxval=xb, dtype=jnp.float32)
    p["p1"] = _mab_params(ks[9])
    p["p2"] = _mab_params(ks[10])
    xb3 = math.sqrt(6.0 / (1 + DIM))
    p["S3"] = jax.random.uniform(ks[11], (1, 1, DIM), minval=-xb3, maxval=xb3, dtype=jnp.float32)
    p["p3"] = _mab_params(ks[12])
    p["lin2_W"], p["lin2_b"] = _lin(ks[13], DIM, 1)
    return p

def setup_inputs(seed: int = 0):
    key = jax.random.key(seed)
    ks = jax.random.split(key, 4)
    x = jax.random.normal(ks[0], (N, IN_F), dtype=jnp.float32)
    edge_index = jax.random.randint(ks[1], (2, E), 0, N, dtype=jnp.int32)
    batch = jnp.sort(jax.random.randint(ks[2], (N,), 0, NG, dtype=jnp.int32))
    params = _make_params(ks[3])
    return {"x": x, "edge_index": edge_index, "batch": batch, "params": params}

def _sage_conv(x, src, dst, W_l, b_l, W_r):
    s = jnp.zeros_like(x).at[dst].add(x[src])
    cnt = jnp.zeros((x.shape[0],), x.dtype).at[dst].add(1.0)
    mean = s / jnp.maximum(cnt, 1.0)[:, None]
    return mean @ W_l + b_l + x @ W_r

def _gcn_conv(x, src, dst, W, b):
    n = x.shape[0]
    h = x @ W
    loop = jnp.arange(n, dtype=src.dtype)
    s = jnp.concatenate([src, loop])
    d = jnp.concatenate([dst, loop])
    deg = jnp.zeros((n,), x.dtype).at[d].add(1.0)
    dinv = jax.lax.rsqrt(jnp.maximum(deg, 1.0))
    norm = dinv[s] * dinv[d]
    out = jnp.zeros_like(h).at[d].add(h[s] * norm[:, None])
    return out + b

def _to_dense_batch(x, batch):
    n = x.shape[0]
    counts = jnp.bincount(batch, length=NG)
    starts = jnp.concatenate([jnp.zeros((1,), counts.dtype), jnp.cumsum(counts)[:-1]])
    pos = jnp.arange(n, dtype=jnp.int32) - starts[batch].astype(jnp.int32)
    dense = jnp.zeros((NG, MAXN, x.shape[1]), x.dtype).at[batch, pos].set(x)
    mask = jnp.zeros((NG, MAXN), dtype=bool).at[batch, pos].set(True)
    return dense, mask

def _mab(Q, Kin, p, mask=None, graph=None):
    Qp = Q @ p["Wq"] + p["bq"]
    if graph is not None:
        xf, src, dst, batch = graph
        K, _ = _to_dense_batch(_gcn_conv(xf, src, dst, p["Wk"], p["bk"]), batch)
        V, _ = _to_dense_batch(_gcn_conv(xf, src, dst, p["Wv"], p["bv"]), batch)
    else:
        K = Kin @ p["Wk"] + p["bk"]
        V = Kin @ p["Wv"] + p["bv"]
    B, Sq, dimV = Qp.shape
    Sk = K.shape[1]
    dh = dimV // HEADS
    Q_ = Qp.reshape(B, Sq, HEADS, dh).transpose(0, 2, 1, 3)
    K_ = K.reshape(B, Sk, HEADS, dh).transpose(0, 2, 1, 3)
    V_ = V.reshape(B, Sk, HEADS, dh).transpose(0, 2, 1, 3)
    scores = jnp.einsum("bhqd,bhkd->bhqk", Q_, K_) / math.sqrt(dimV)
    if mask is not None:
        scores = scores + mask[:, None, :, :]
    A = jax.nn.softmax(scores, axis=-1)
    out = Q_ + jnp.einsum("bhqk,bhkd->bhqd", A, V_)
    out = out.transpose(0, 2, 1, 3).reshape(B, Sq, dimV)
    out = out + jax.nn.relu(out @ p["Wo"] + p["bo"])
    return out

def _forward(x, params, src, dst, batch):
    out = jax.nn.relu(x @ params["W_in"] + params["b_in"])
    for i in range(3):
        out = jax.nn.relu(_sage_conv(out, src, dst, params["W_l%d" % i], params["b_l%d" % i], params["W_r%d" % i]))
    xp = out @ params["lin1_W"] + params["lin1_b"]
    batch_x, node_mask = _to_dense_batch(xp, batch)
    mask = jnp.where(node_mask, 0.0, -1e9).astype(xp.dtype)[:, None, :]
    Q1 = jnp.tile(params["S1"], (NG, 1, 1))
    batch_x = _mab(Q1, batch_x, params["p1"], mask=mask, graph=(xp, src, dst, batch))
    batch_x = _mab(batch_x, batch_x, params["p2"])
    Q3 = jnp.tile(params["S3"], (NG, 1, 1))
    batch_x = _mab(Q3, batch_x, params["p3"])
    out = batch_x[:, 0, :] @ params["lin2_W"] + params["lin2_b"]
    return out.reshape(-1)

def reference(x, edge_index, batch, params):
    return _forward(x, params, edge_index[0], edge_index[1], batch)

if __name__ == "__main__":
    import jax
    _d = setup_inputs()
    print(jax.jit(kernel)(*tuple(_d.values())))

</pallas_src>

<mosaic_0001>
#map = affine_map<(d0, d1) -> (0, 0)>
#map1 = affine_map<(d0, d1) -> (0, 0, 0)>
module attributes {stable_mosaic.version = 14 : i64} {
  func.func @body(%arg0: i32, %arg1: i32, %arg2: memref<10752x128xf32, #tpu.memory_space<hbm>>, %arg3: memref<10752x128xf32, #tpu.memory_space<hbm>>, %arg4: memref<10752x128xf32, #tpu.memory_space<hbm>>, %arg5: memref<32x79x128xi32, #tpu.memory_space<hbm>>, %arg6: memref<32x79x128xi32, #tpu.memory_space<hbm>>, %arg7: memref<2x10752x128xf32, #tpu.memory_space<hbm>>, %arg8: memref<79x128xi32, #tpu.memory_space<vmem>>, %arg9: memref<79x128xi32, #tpu.memory_space<vmem>>, %arg10: memref<128x128xf32, #tpu.memory_space<vmem>>, %arg11: memref<10752x128xf32, #tpu.memory_space<vmem_shared>>, %arg12: memref<!tpu.dma_semaphore, #tpu.memory_space<semaphore_mem>>) attributes {dimension_semantics = [#tpu.dimension_semantics<core_parallel>, #tpu.dimension_semantics<subcore_parallel>], iteration_bounds = array<i64: 2, 16>, scalar_prefetch = 0 : i64, scratch_operands = 5 : i64, tpu.core_type = #tpu.core_type<sc_vector_subcore>, window_params = [{transform_indices = #map}, {transform_indices = #map}, {transform_indices = #map}, {transform_indices = #map1}, {transform_indices = #map1}, {transform_indices = #map1}]} {
    %mul3A = arith.constant 2 : i32
    %mul3A_0 = arith.muli %arg1, %mul3A : i32
    %add3A = arith.addi %mul3A_0, %arg0 : i32
    %mul3A_1 = arith.constant 672 : i32
    %mul3A_2 = arith.muli %arg1, %mul3A_1 : i32
    %eq3A = arith.constant 0 : i32
    %eq3A_3 = arith.cmpi eq, %arg0, %eq3A : i32
    %convert_element_type3A = arith.extui %eq3A_3 : i1 to i32
    %cond3A = arith.constant 0 : i32
    %cond3A_4 = arith.cmpi ne, %convert_element_type3A, %cond3A : i32
    scf.if %cond3A_4 {
      "tpu.region"() ({
        %run_scoped3A = tpu.sem_alloc : memref<!tpu.dma_semaphore, #tpu.memory_space<semaphore_mem>>
        %dma_start3A = arith.constant 0 : i32
        %dma_start3A_16 = tpu.memref_slice %arg11[%mul3A_2, %dma_start3A] : memref<10752x128xf32, #tpu.memory_space<vmem_shared>> -> memref<672x128xf32, #tpu.memory_space<vmem_shared>>
        %dma_start3A_17 = arith.constant 0 : i32
        %dma_start3A_18 = tpu.memref_slice %arg3[%mul3A_2, %dma_start3A_17] : memref<10752x128xf32, #tpu.memory_space<hbm>> -> memref<672x128xf32, #tpu.memory_space<hbm>>
        tpu.enqueue_dma source(%dma_start3A_18 : memref<672x128xf32, #tpu.memory_space<hbm>>) target(%dma_start3A_16 : memref<672x128xf32, #tpu.memory_space<vmem_shared>>) target_semaphore(%run_scoped3A : memref<!tpu.dma_semaphore, #tpu.memory_space<semaphore_mem>>)
        %dma_wait3A = arith.constant 0 : i32
        %dma_wait3A_19 = tpu.memref_slice %arg11[%mul3A_2, %dma_wait3A] : memref<10752x128xf32, #tpu.memory_space<vmem_shared>> -> memref<672x128xf32, #tpu.memory_space<vmem_shared>>
        %dma_wait3A_20 = arith.constant 0 : i32
        %dma_wait3A_21 = tpu.memref_slice %arg3[%mul3A_2, %dma_wait3A_20] : memref<10752x128xf32, #tpu.memory_space<hbm>> -> memref<672x128xf32, #tpu.memory_space<hbm>>
        tpu.wait_dma2 semaphore(%run_scoped3A : memref<!tpu.dma_semaphore, #tpu.memory_space<semaphore_mem>>) src(%dma_wait3A_21 : memref<672x128xf32, #tpu.memory_space<hbm>>) dst(%dma_wait3A_19 : memref<672x128xf32, #tpu.memory_space<vmem_shared>>)
        tpu.yield
      }) : () -> ()
    } else {
    }
    %eq3A_5 = arith.constant 1 : i32
    %eq3A_6 = arith.cmpi eq, %arg0, %eq3A_5 : i32
    %convert_element_type3A_7 = arith.extui %eq3A_6 : i1 to i32
    %cond3A_8 = arith.constant 0 : i32
    %cond3A_9 = arith.cmpi ne, %convert_element_type3A_7, %cond3A_8 : i32
    scf.if %cond3A_9 {
      "tpu.region"() ({
        %run_scoped3A = tpu.sem_alloc : memref<!tpu.dma_semaphore, #tpu.memory_space<semaphore_mem>>
        %dma_start3A = arith.constant 0 : i32
        %dma_start3A_16 = tpu.memref_slice %arg11[%mul3A_2, %dma_start3A] : memref<10752x128xf32, #tpu.memory_space<vmem_shared>> -> memref<672x128xf32, #tpu.memory_space<vmem_shared>>
        %dma_start3A_17 = arith.constant 0 : i32
        %dma_start3A_18 = tpu.memref_slice %arg4[%mul3A_2, %dma_start3A_17] : memref<10752x128xf32, #tpu.memory_space<hbm>> -> memref<672x128xf32, #tpu.memory_space<hbm>>
        tpu.enqueue_dma source(%dma_start3A_18 : memref<672x128xf32, #tpu.memory_space<hbm>>) target(%dma_start3A_16 : memref<672x128xf32, #tpu.memory_space<vmem_shared>>) target_semaphore(%run_scoped3A : memref<!tpu.dma_semaphore, #tpu.memory_space<semaphore_mem>>)
        %dma_wait3A = arith.constant 0 : i32
        %dma_wait3A_19 = tpu.memref_slice %arg11[%mul3A_2, %dma_wait3A] : memref<10752x128xf32, #tpu.memory_space<vmem_shared>> -> memref<672x128xf32, #tpu.memory_space<vmem_shared>>
        %dma_wait3A_20 = arith.constant 0 : i32
        %dma_wait3A_21 = tpu.memref_slice %arg4[%mul3A_2, %dma_wait3A_20] : memref<10752x128xf32, #tpu.memory_space<hbm>> -> memref<672x128xf32, #tpu.memory_space<hbm>>
        tpu.wait_dma2 semaphore(%run_scoped3A : memref<!tpu.dma_semaphore, #tpu.memory_space<semaphore_mem>>) src(%dma_wait3A_21 : memref<672x128xf32, #tpu.memory_space<hbm>>) dst(%dma_wait3A_19 : memref<672x128xf32, #tpu.memory_space<vmem_shared>>)
        tpu.yield
      }) : () -> ()
    } else {
    }
    "tpu.region"() ({
      %run_scoped3A = tpu.sem_alloc : memref<!tpu.dma_semaphore, #tpu.memory_space<semaphore_mem>>
      %dma_start3A = arith.constant 0 : i32
      %dma_start3A_16 = arith.constant 0 : i32
      %dma_start3A_17 = tpu.memref_slice %arg5[%add3A, %dma_start3A, %dma_start3A_16] : memref<32x79x128xi32, #tpu.memory_space<hbm>> -> memref<1x79x128xi32, #tpu.memory_space<hbm>>
      %dma_start3A_18 = tpu.memref_squeeze %dma_start3A_17 : memref<1x79x128xi32, #tpu.memory_space<hbm>> -> memref<79x128xi32, #tpu.memory_space<hbm>>
      %dma_start3A_19 = arith.constant 0 : i32
      %dma_start3A_20 = arith.constant 0 : i32
      %dma_start3A_21 = tpu.memref_slice %arg5[%add3A, %dma_start3A_19, %dma_start3A_20] : memref<32x79x128xi32, #tpu.memory_space<hbm>> -> memref<1x79x128xi32, #tpu.memory_space<hbm>>
      %dma_start3A_22 = tpu.memref_squeeze %dma_start3A_21 : memref<1x79x128xi32, #tpu.memory_space<hbm>> -> memref<79x128xi32, #tpu.memory_space<hbm>>
      tpu.enqueue_dma source(%dma_start3A_22 : memref<79x128xi32, #tpu.memory_space<hbm>>) target(%arg8 : memref<79x128xi32, #tpu.memory_space<vmem>>) target_semaphore(%run_scoped3A : memref<!tpu.dma_semaphore, #tpu.memory_space<semaphore_mem>>)
      %dma_wait3A = arith.constant 0 : i32
      %dma_wait3A_23 = arith.constant 0 : i32
      %dma_wait3A_24 = tpu.memref_slice %arg5[%add3A, %dma_wait3A, %dma_wait3A_23] : memref<32x79x128xi32, #tpu.memory_space<hbm>> -> memref<1x79x128xi32, #tpu.memory_space<hbm>>
      %dma_wait3A_25 = tpu.memref_squeeze %dma_wait3A_24 : memref<1x79x128xi32, #tpu.memory_space<hbm>> -> memref<79x128xi32, #tpu.memory_space<hbm>>
      %dma_wait3A_26 = arith.constant 0 : i32
      %dma_wait3A_27 = arith.constant 0 : i32
      %dma_wait3A_28 = tpu.memref_slice %arg5[%add3A, %dma_wait3A_26, %dma_wait3A_27] : memref<32x79x128xi32, #tpu.memory_space<hbm>> -> memref<1x79x128xi32, #tpu.memory_space<hbm>>
      %dma_wait3A_29 = tpu.memref_squeeze %dma_wait3A_28 : memref<1x79x128xi32, #tpu.memory_space<hbm>> -> memref<79x128xi32, #tpu.memory_space<hbm>>
      tpu.wait_dma2 semaphore(%run_scoped3A : memref<!tpu.dma_semaphore, #tpu.memory_space<semaphore_mem>>) src(%dma_wait3A_29 : memref<79x128xi32, #tpu.memory_space<hbm>>) dst(%arg8 : memref<79x128xi32, #tpu.memory_space<vmem>>)
      tpu.yield
    }) : () -> ()
    "tpu.region"() ({
      %run_scoped3A = tpu.sem_alloc : memref<!tpu.dma_semaphore, #tpu.memory_space<semaphore_mem>>
      %dma_start3A = arith.constant 0 : i32
      %dma_start3A_16 = arith.constant 0 : i32
      %dma_start3A_17 = tpu.memref_slice %arg6[%add3A, %dma_start3A, %dma_start3A_16] : memref<32x79x128xi32, #tpu.memory_space<hbm>> -> memref<1x79x128xi32, #tpu.memory_space<hbm>>
      %dma_start3A_18 = tpu.memref_squeeze %dma_start3A_17 : memref<1x79x128xi32, #tpu.memory_space<hbm>> -> memref<79x128xi32, #tpu.memory_space<hbm>>
      %dma_start3A_19 = arith.constant 0 : i32
      %dma_start3A_20 = arith.constant 0 : i32
      %dma_start3A_21 = tpu.memref_slice %arg6[%add3A, %dma_start3A_19, %dma_start3A_20] : memref<32x79x128xi32, #tpu.memory_space<hbm>> -> memref<1x79x128xi32, #tpu.memory_space<hbm>>
      %dma_start3A_22 = tpu.memref_squeeze %dma_start3A_21 : memref<1x79x128xi32, #tpu.memory_space<hbm>> -> memref<79x128xi32, #tpu.memory_space<hbm>>
      tpu.enqueue_dma source(%dma_start3A_22 : memref<79x128xi32, #tpu.memory_space<hbm>>) target(%arg9 : memref<79x128xi32, #tpu.memory_space<vmem>>) target_semaphore(%run_scoped3A : memref<!tpu.dma_semaphore, #tpu.memory_space<semaphore_mem>>)
      %dma_wait3A = arith.constant 0 : i32
      %dma_wait3A_23 = arith.constant 0 : i32
      %dma_wait3A_24 = tpu.memref_slice %arg6[%add3A, %dma_wait3A, %dma_wait3A_23] : memref<32x79x128xi32, #tpu.memory_space<hbm>> -> memref<1x79x128xi32, #tpu.memory_space<hbm>>
      %dma_wait3A_25 = tpu.memref_squeeze %dma_wait3A_24 : memref<1x79x128xi32, #tpu.memory_space<hbm>> -> memref<79x128xi32, #tpu.memory_space<hbm>>
      %dma_wait3A_26 = arith.constant 0 : i32
      %dma_wait3A_27 = arith.constant 0 : i32
      %dma_wait3A_28 = tpu.memref_slice %arg6[%add3A, %dma_wait3A_26, %dma_wait3A_27] : memref<32x79x128xi32, #tpu.memory_space<hbm>> -> memref<1x79x128xi32, #tpu.memory_space<hbm>>
      %dma_wait3A_29 = tpu.memref_squeeze %dma_wait3A_28 : memref<1x79x128xi32, #tpu.memory_space<hbm>> -> memref<79x128xi32, #tpu.memory_space<hbm>>
      tpu.wait_dma2 semaphore(%run_scoped3A : memref<!tpu.dma_semaphore, #tpu.memory_space<semaphore_mem>>) src(%dma_wait3A_29 : memref<79x128xi32, #tpu.memory_space<hbm>>) dst(%arg9 : memref<79x128xi32, #tpu.memory_space<vmem>>)
      tpu.yield
    }) : () -> ()
    %barrier3A = arith.constant 0 : index
    tpu.barrier barrier_id(%barrier3A)
    %scan3A = arith.constant 0 : i32
    %scan3A_10 = arith.constant 0 : i32
    %scan3A_11 = arith.constant 79 : i32
    %scan3A_12 = arith.addi %scan3A_10, %scan3A_11 : i32
    %scan3A_13 = arith.constant 1 : i32
    scf.for %scan3A_16 = %scan3A_10 to %scan3A_12 step %scan3A_13  : i32 {
      %dma_start3A = arith.constant 0 : i32
      %dma_start3A_17 = tpu.memref_slice %arg8[%scan3A_16, %dma_start3A] : memref<79x128xi32, #tpu.memory_space<vmem>> -> memref<1x128xi32, #tpu.memory_space<vmem>>
      %dma_start3A_18 = tpu.memref_squeeze %dma_start3A_17 : memref<1x128xi32, #tpu.memory_space<vmem>> -> memref<128xi32, #tpu.memory_space<vmem>>
      %dma_start3A_19 = arith.constant 0 : i32
      %dma_start3A_20 = arith.constant 0 : i32
      %dma_start3A_21 = tpu.memref_slice %arg2[%dma_start3A_19, %dma_start3A_20] : memref<10752x128xf32, #tpu.memory_space<hbm>> -> memref<10752x128xf32, #tpu.memory_space<hbm>>
      tpu.enqueue_indirect_dma source(%dma_start3A_21 : memref<10752x128xf32, #tpu.memory_space<hbm>>) target(%arg10 : memref<128x128xf32, #tpu.memory_space<vmem>>) offsets(%dma_start3A_18 : memref<128xi32, #tpu.memory_space<vmem>>) semaphore(%arg12 : memref<!tpu.dma_semaphore, #tpu.memory_space<semaphore_mem>>)
      %dma_wait3A = arith.constant 0 : i32
      %dma_wait3A_22 = tpu.memref_slice %arg8[%scan3A_16, %dma_wait3A] : memref<79x128xi32, #tpu.memory_space<vmem>> -> memref<1x128xi32, #tpu.memory_space<vmem>>
      %dma_wait3A_23 = tpu.memref_squeeze %dma_wait3A_22 : memref<1x128xi32, #tpu.memory_space<vmem>> -> memref<128xi32, #tpu.memory_space<vmem>>
      %dma_wait3A_24 = arith.constant 0 : i32
      %dma_wait3A_25 = arith.constant 0 : i32
      %dma_wait3A_26 = tpu.memref_slice %arg2[%dma_wait3A_24, %dma_wait3A_25] : memref<10752x128xf32, #tpu.memory_space<hbm>> -> memref<10752x128xf32, #tpu.memory_space<hbm>>
      tpu.wait_indirect_dma semaphore(%arg12 : memref<!tpu.dma_semaphore, #tpu.memory_space<semaphore_mem>>) src(%dma_wait3A_26 : memref<10752x128xf32, #tpu.memory_space<hbm>>) dst(%arg10 : memref<128x128xf32, #tpu.memory_space<vmem>>)
      "tpu.region"() ({
        %run_scoped3A = tpu.sem_alloc : memref<!tpu.dma_semaphore, #tpu.memory_space<semaphore_mem>>
        %dma_start3A_27 = arith.constant 0 : i32
        %dma_start3A_28 = tpu.memref_slice %arg9[%scan3A_16, %dma_start3A_27] : memref<79x128xi32, #tpu.memory_space<vmem>> -> memref<1x128xi32, #tpu.memory_space<vmem>>
        %dma_start3A_29 = tpu.memref_squeeze %dma_start3A_28 : memref<1x128xi32, #tpu.memory_space<vmem>> -> memref<128xi32, #tpu.memory_space<vmem>>
        %dma_start3A_30 = arith.constant 0 : i32
        %dma_start3A_31 = arith.constant 0 : i32
        %dma_start3A_32 = tpu.memref_slice %arg11[%dma_start3A_30, %dma_start3A_31] : memref<10752x128xf32, #tpu.memory_space<vmem_shared>> -> memref<10752x128xf32, #tpu.memory_space<vmem_shared>>
        tpu.enqueue_indirect_dma source(%arg10 : memref<128x128xf32, #tpu.memory_space<vmem>>) target(%dma_start3A_32 : memref<10752x128xf32, #tpu.memory_space<vmem_shared>>) offsets(%dma_start3A_29 : memref<128xi32, #tpu.memory_space<vmem>>) semaphore(%run_scoped3A : memref<!tpu.dma_semaphore, #tpu.memory_space<semaphore_mem>>) {add = true}
        %dma_wait3A_33 = arith.constant 0 : i32
        %dma_wait3A_34 = tpu.memref_slice %arg9[%scan3A_16, %dma_wait3A_33] : memref<79x128xi32, #tpu.memory_space<vmem>> -> memref<1x128xi32, #tpu.memory_space<vmem>>
        %dma_wait3A_35 = tpu.memref_squeeze %dma_wait3A_34 : memref<1x128xi32, #tpu.memory_space<vmem>> -> memref<128xi32, #tpu.memory_space<vmem>>
        %dma_wait3A_36 = arith.constant 0 : i32
        %dma_wait3A_37 = arith.constant 0 : i32
        %dma_wait3A_38 = tpu.memref_slice %arg11[%dma_wait3A_36, %dma_wait3A_37] : memref<10752x128xf32, #tpu.memory_space<vmem_shared>> -> memref<10752x128xf32, #tpu.memory_space<vmem_shared>>
        tpu.wait_indirect_dma semaphore(%run_scoped3A : memref<!tpu.dma_semaphore, #tpu.memory_space<semaphore_mem>>) src(%arg10 : memref<128x128xf32, #tpu.memory_space<vmem>>) dst(%dma_wait3A_38 : memref<10752x128xf32, #tpu.memory_space<vmem_shared>>)
        tpu.yield
      }) : () -> ()
    }
    %scan3A_14 = arith.constant 79 : i32
    %barrier3A_15 = arith.constant 0 : index
    tpu.barrier barrier_id(%barrier3A_15)
    "tpu.region"() ({
      %run_scoped3A = tpu.sem_alloc : memref<!tpu.dma_semaphore, #tpu.memory_space<semaphore_mem>>
      %dma_start3A = arith.constant 0 : i32
      %dma_start3A_16 = arith.constant 0 : i32
      %dma_start3A_17 = tpu.memref_slice %arg7[%arg0, %dma_start3A, %dma_start3A_16] : memref<2x10752x128xf32, #tpu.memory_space<hbm>> -> memref<1x10752x128xf32, #tpu.memory_space<hbm>>
      %dma_start3A_18 = tpu.memref_squeeze %dma_start3A_17 : memref<1x10752x128xf32, #tpu.memory_space<hbm>> -> memref<10752x128xf32, #tpu.memory_space<hbm>>
      %dma_start3A_19 = arith.constant 0 : i32
      %dma_start3A_20 = tpu.memref_slice %dma_start3A_18[%mul3A_2, %dma_start3A_19] : memref<10752x128xf32, #tpu.memory_space<hbm>> -> memref<672x128xf32, #tpu.memory_space<hbm>>
      %dma_start3A_21 = arith.constant 0 : i32
      %dma_start3A_22 = tpu.memref_slice %arg11[%mul3A_2, %dma_start3A_21] : memref<10752x128xf32, #tpu.memory_space<vmem_shared>> -> memref<672x128xf32, #tpu.memory_space<vmem_shared>>
      tpu.enqueue_dma source(%dma_start3A_22 : memref<672x128xf32, #tpu.memory_space<vmem_shared>>) target(%dma_start3A_20 : memref<672x128xf32, #tpu.memory_space<hbm>>) target_semaphore(%run_scoped3A : memref<!tpu.dma_semaphore, #tpu.memory_space<semaphore_mem>>)
      %dma_wait3A = arith.constant 0 : i32
      %dma_wait3A_23 = arith.constant 0 : i32
      %dma_wait3A_24 = tpu.memref_slice %arg7[%arg0, %dma_wait3A, %dma_wait3A_23] : memref<2x10752x128xf32, #tpu.memory_space<hbm>> -> memref<1x10752x128xf32, #tpu.memory_space<hbm>>
      %dma_wait3A_25 = tpu.memref_squeeze %dma_wait3A_24 : memref<1x10752x128xf32, #tpu.memory_space<hbm>> -> memref<10752x128xf32, #tpu.memory_space<hbm>>
      %dma_wait3A_26 = arith.constant 0 : i32
      %dma_wait3A_27 = tpu.memref_slice %dma_wait3A_25[%mul3A_2, %dma_wait3A_26] : memref<10752x128xf32, #tpu.memory_space<hbm>> -> memref<672x128xf32, #tpu.memory_space<hbm>>
      %dma_wait3A_28 = arith.constant 0 : i32
      %dma_wait3A_29 = tpu.memref_slice %arg11[%mul3A_2, %dma_wait3A_28] : memref<10752x128xf32, #tpu.memory_space<vmem_shared>> -> memref<672x128xf32, #tpu.memory_space<vmem_shared>>
      tpu.wait_dma2 semaphore(%run_scoped3A : memref<!tpu.dma_semaphore, #tpu.memory_space<semaphore_mem>>) src(%dma_wait3A_29 : memref<672x128xf32, #tpu.memory_space<vmem_shared>>) dst(%dma_wait3A_27 : memref<672x128xf32, #tpu.memory_space<hbm>>)
      tpu.yield
    }) : () -> ()
    return
  }
}

#map = affine_map<(d0, d1) -> (0, 0)>
#map1 = affine_map<(d0, d1) -> (0)>
#map2 = affine_map<(d0, d1) -> (0, 0, 0)>
module attributes {stable_mosaic.version = 14 : i64} {
  func.func @body(%arg0: i32, %arg1: i32, %arg2: memref<10752x128xf32, #tpu.memory_space<hbm>>, %arg3: memref<10752x128xf32, #tpu.memory_space<hbm>>, %arg4: memref<10752x128xf32, #tpu.memory_space<hbm>>, %arg5: memref<10752xf32, #tpu.memory_space<hbm>>, %arg6: memref<128xf32, #tpu.memory_space<hbm>>, %arg7: memref<32x79x128xi32, #tpu.memory_space<hbm>>, %arg8: memref<32x79x128xi32, #tpu.memory_space<hbm>>, %arg9: memref<2x10752x128xf32, #tpu.memory_space<hbm>>, %arg10: memref<2x10752xf32, #tpu.memory_space<hbm>>, %arg11: memref<79x128xi32, #tpu.memory_space<vmem>>, %arg12: memref<79x128xi32, #tpu.memory_space<vmem>>, %arg13: memref<128x128xf32, #tpu.memory_space<vmem>>, %arg14: memref<128xf32, #tpu.memory_space<vmem>>, %arg15: memref<10752x128xf32, #tpu.memory_space<vmem_shared>>, %arg16: memref<10752xf32, #tpu.memory_space<vmem_shared>>, %arg17: memref<!tpu.dma_semaphore, #tpu.memory_space<semaphore_mem>>) attributes {dimension_semantics = [#tpu.dimension_semantics<core_parallel>, #tpu.dimension_semantics<subcore_parallel>], iteration_bounds = array<i64: 2, 16>, scalar_prefetch = 0 : i64, scratch_operands = 7 : i64, tpu.core_type = #tpu.core_type<sc_vector_subcore>, window_params = [{transform_indices = #map}, {transform_indices = #map}, {transform_indices = #map}, {transform_indices = #map1}, {transform_indices = #map1}, {transform_indices = #map2}, {transform_indices = #map2}, {transform_indices = #map2}, {transform_indices = #map}]} {
    %mul3A = arith.constant 2 : i32
    %mul3A_0 = arith.muli %arg1, %mul3A : i32
    %add3A = arith.addi %mul3A_0, %arg0 : i32
    %mul3A_1 = arith.constant 672 : i32
    %mul3A_2 = arith.muli %arg1, %mul3A_1 : i32
    %eq3A = arith.constant 0 : i32
    %eq3A_3 = arith.cmpi eq, %arg0, %eq3A : i32
    %convert_element_type3A = arith.extui %eq3A_3 : i1 to i32
    %cond3A = arith.constant 0 : i32
    %cond3A_4 = arith.cmpi ne, %convert_element_type3A, %cond3A : i32
    scf.if %cond3A_4 {
      "tpu.region"() ({
        %run_scoped3A = tpu.sem_alloc : memref<!tpu.dma_semaphore, #tpu.memory_space<semaphore_mem>>
        %dma_start3A = arith.constant 0 : i32
        %dma_start3A_34 = tpu.memref_slice %arg15[%mul3A_2, %dma_start3A] : memref<10752x128xf32, #tpu.memory_space<vmem_shared>> -> memref<672x128xf32, #tpu.memory_space<vmem_shared>>
        %dma_start3A_35 = arith.constant 0 : i32
        %dma_start3A_36 = tpu.memref_slice %arg3[%mul3A_2, %dma_start3A_35] : memref<10752x128xf32, #tpu.memory_space<hbm>> -> memref<672x128xf32, #tpu.memory_space<hbm>>
        tpu.enqueue_dma source(%dma_start3A_36 : memref<672x128xf32, #tpu.memory_space<hbm>>) target(%dma_start3A_34 : memref<672x128xf32, #tpu.memory_space<vmem_shared>>) target_semaphore(%run_scoped3A : memref<!tpu.dma_semaphore, #tpu.memory_space<semaphore_mem>>)
        %dma_wait3A = arith.constant 0 : i32
        %dma_wait3A_37 = tpu.memref_slice %arg15[%mul3A_2, %dma_wait3A] : memref<10752x128xf32, #tpu.memory_space<vmem_shared>> -> memref<672x128xf32, #tpu.memory_space<vmem_shared>>
        %dma_wait3A_38 = arith.constant 0 : i32
        %dma_wait3A_39 = tpu.memref_slice %arg3[%mul3A_2, %dma_wait3A_38] : memref<10752x128xf32, #tpu.memory_space<hbm>> -> memref<672x128xf32, #tpu.memory_space<hbm>>
        tpu.wait_dma2 semaphore(%run_scoped3A : memref<!tpu.dma_semaphore, #tpu.memory_space<semaphore_mem>>) src(%dma_wait3A_39 : memref<672x128xf32, #tpu.memory_space<hbm>>) dst(%dma_wait3A_37 : memref<672x128xf32, #tpu.memory_space<vmem_shared>>)
        tpu.yield
      }) : () -> ()
    } else {
    }
    %eq3A_5 = arith.constant 1 : i32
    %eq3A_6 = arith.cmpi eq, %arg0, %eq3A_5 : i32
    %convert_element_type3A_7 = arith.extui %eq3A_6 : i1 to i32
    %cond3A_8 = arith.constant 0 : i32
    %cond3A_9 = arith.cmpi ne, %convert_element_type3A_7, %cond3A_8 : i32
    scf.if %cond3A_9 {
      "tpu.region"() ({
        %run_scoped3A = tpu.sem_alloc : memref<!tpu.dma_semaphore, #tpu.memory_space<semaphore_mem>>
        %dma_start3A = arith.constant 0 : i32
        %dma_start3A_34 = tpu.memref_slice %arg15[%mul3A_2, %dma_start3A] : memref<10752x128xf32, #tpu.memory_space<vmem_shared>> -> memref<672x128xf32, #tpu.memory_space<vmem_shared>>
        %dma_start3A_35 = arith.constant 0 : i32
        %dma_start3A_36 = tpu.memref_slice %arg4[%mul3A_2, %dma_start3A_35] : memref<10752x128xf32, #tpu.memory_space<hbm>> -> memref<672x128xf32, #tpu.memory_space<hbm>>
        tpu.enqueue_dma source(%dma_start3A_36 : memref<672x128xf32, #tpu.memory_space<hbm>>) target(%dma_start3A_34 : memref<672x128xf32, #tpu.memory_space<vmem_shared>>) target_semaphore(%run_scoped3A : memref<!tpu.dma_semaphore, #tpu.memory_space<semaphore_mem>>)
        %dma_wait3A = arith.constant 0 : i32
        %dma_wait3A_37 = tpu.memref_slice %arg15[%mul3A_2, %dma_wait3A] : memref<10752x128xf32, #tpu.memory_space<vmem_shared>> -> memref<672x128xf32, #tpu.memory_space<vmem_shared>>
        %dma_wait3A_38 = arith.constant 0 : i32
        %dma_wait3A_39 = tpu.memref_slice %arg4[%mul3A_2, %dma_wait3A_38] : memref<10752x128xf32, #tpu.memory_space<hbm>> -> memref<672x128xf32, #tpu.memory_space<hbm>>
        tpu.wait_dma2 semaphore(%run_scoped3A : memref<!tpu.dma_semaphore, #tpu.memory_space<semaphore_mem>>) src(%dma_wait3A_39 : memref<672x128xf32, #tpu.memory_space<hbm>>) dst(%dma_wait3A_37 : memref<672x128xf32, #tpu.memory_space<vmem_shared>>)
        tpu.yield
      }) : () -> ()
    } else {
    }
    "tpu.region"() ({
      %run_scoped3A = tpu.sem_alloc : memref<!tpu.dma_semaphore, #tpu.memory_space<semaphore_mem>>
      %dma_start3A = arith.constant 0 : i32
      %dma_start3A_34 = arith.constant 0 : i32
      %dma_start3A_35 = tpu.memref_slice %arg7[%add3A, %dma_start3A, %dma_start3A_34] : memref<32x79x128xi32, #tpu.memory_space<hbm>> -> memref<1x79x128xi32, #tpu.memory_space<hbm>>
      %dma_start3A_36 = tpu.memref_squeeze %dma_start3A_35 : memref<1x79x128xi32, #tpu.memory_space<hbm>> -> memref<79x128xi32, #tpu.memory_space<hbm>>
      %dma_start3A_37 = arith.constant 0 : i32
      %dma_start3A_38 = arith.constant 0 : i32
      %dma_start3A_39 = tpu.memref_slice %arg7[%add3A, %dma_start3A_37, %dma_start3A_38] : memref<32x79x128xi32, #tpu.memory_space<hbm>> -> memref<1x79x128xi32, #tpu.memory_space<hbm>>
      %dma_start3A_40 = tpu.memref_squeeze %dma_start3A_39 : memref<1x79x128xi32, #tpu.memory_space<hbm>> -> memref<79x128xi32, #tpu.memory_space<hbm>>
      tpu.enqueue_dma source(%dma_start3A_40 : memref<79x128xi32, #tpu.memory_space<hbm>>) target(%arg11 : memref<79x128xi32, #tpu.memory_space<vmem>>) target_semaphore(%run_scoped3A : memref<!tpu.dma_semaphore, #tpu.memory_space<semaphore_mem>>)
      %dma_wait3A = arith.constant 0 : i32
      %dma_wait3A_41 = arith.constant 0 : i32
      %dma_wait3A_42 = tpu.memref_slice %arg7[%add3A, %dma_wait3A, %dma_wait3A_41] : memref<32x79x128xi32, #tpu.memory_space<hbm>> -> memref<1x79x128xi32, #tpu.memory_space<hbm>>
      %dma_wait3A_43 = tpu.memref_squeeze %dma_wait3A_42 : memref<1x79x128xi32, #tpu.memory_space<hbm>> -> memref<79x128xi32, #tpu.memory_space<hbm>>
      %dma_wait3A_44 = arith.constant 0 : i32
      %dma_wait3A_45 = arith.constant 0 : i32
      %dma_wait3A_46 = tpu.memref_slice %arg7[%add3A, %dma_wait3A_44, %dma_wait3A_45] : memref<32x79x128xi32, #tpu.memory_space<hbm>> -> memref<1x79x128xi32, #tpu.memory_space<hbm>>
      %dma_wait3A_47 = tpu.memref_squeeze %dma_wait3A_46 : memref<1x79x128xi32, #tpu.memory_space<hbm>> -> memref<79x128xi32, #tpu.memory_space<hbm>>
      tpu.wait_dma2 semaphore(%run_scoped3A : memref<!tpu.dma_semaphore, #tpu.memory_space<semaphore_mem>>) src(%dma_wait3A_47 : memref<79x128xi32, #tpu.memory_space<hbm>>) dst(%arg11 : memref<79x128xi32, #tpu.memory_space<vmem>>)
      tpu.yield
    }) : () -> ()
    "tpu.region"() ({
      %run_scoped3A = tpu.sem_alloc : memref<!tpu.dma_semaphore, #tpu.memory_space<semaphore_mem>>
      %dma_start3A = arith.constant 0 : i32
      %dma_start3A_34 = arith.constant 0 : i32
      %dma_start3A_35 = tpu.memref_slice %arg8[%add3A, %dma_start3A, %dma_start3A_34] : memref<32x79x128xi32, #tpu.memory_space<hbm>> -> memref<1x79x128xi32, #tpu.memory_space<hbm>>
      %dma_start3A_36 = tpu.memref_squeeze %dma_start3A_35 : memref<1x79x128xi32, #tpu.memory_space<hbm>> -> memref<79x128xi32, #tpu.memory_space<hbm>>
      %dma_start3A_37 = arith.constant 0 : i32
      %dma_start3A_38 = arith.constant 0 : i32
      %dma_start3A_39 = tpu.memref_slice %arg8[%add3A, %dma_start3A_37, %dma_start3A_38] : memref<32x79x128xi32, #tpu.memory_space<hbm>> -> memref<1x79x128xi32, #tpu.memory_space<hbm>>
      %dma_start3A_40 = tpu.memref_squeeze %dma_start3A_39 : memref<1x79x128xi32, #tpu.memory_space<hbm>> -> memref<79x128xi32, #tpu.memory_space<hbm>>
      tpu.enqueue_dma source(%dma_start3A_40 : memref<79x128xi32, #tpu.memory_space<hbm>>) target(%arg12 : memref<79x128xi32, #tpu.memory_space<vmem>>) target_semaphore(%run_scoped3A : memref<!tpu.dma_semaphore, #tpu.memory_space<semaphore_mem>>)
      %dma_wait3A = arith.constant 0 : i32
      %dma_wait3A_41 = arith.constant 0 : i32
      %dma_wait3A_42 = tpu.memref_slice %arg8[%add3A, %dma_wait3A, %dma_wait3A_41] : memref<32x79x128xi32, #tpu.memory_space<hbm>> -> memref<1x79x128xi32, #tpu.memory_space<hbm>>
      %dma_wait3A_43 = tpu.memref_squeeze %dma_wait3A_42 : memref<1x79x128xi32, #tpu.memory_space<hbm>> -> memref<79x128xi32, #tpu.memory_space<hbm>>
      %dma_wait3A_44 = arith.constant 0 : i32
      %dma_wait3A_45 = arith.constant 0 : i32
      %dma_wait3A_46 = tpu.memref_slice %arg8[%add3A, %dma_wait3A_44, %dma_wait3A_45] : memref<32x79x128xi32, #tpu.memory_space<hbm>> -> memref<1x79x128xi32, #tpu.memory_space<hbm>>
      %dma_wait3A_47 = tpu.memref_squeeze %dma_wait3A_46 : memref<1x79x128xi32, #tpu.memory_space<hbm>> -> memref<79x128xi32, #tpu.memory_space<hbm>>
      tpu.wait_dma2 semaphore(%run_scoped3A : memref<!tpu.dma_semaphore, #tpu.memory_space<semaphore_mem>>) src(%dma_wait3A_47 : memref<79x128xi32, #tpu.memory_space<hbm>>) dst(%arg12 : memref<79x128xi32, #tpu.memory_space<vmem>>)
      tpu.yield
    }) : () -> ()
    %lt3A = arith.constant 4 : i32
    %lt3A_10 = arith.cmpi slt, %arg1, %lt3A : i32
    %convert_element_type3A_11 = arith.extui %lt3A_10 : i1 to i32
    %cond3A_12 = arith.constant 0 : i32
    %cond3A_13 = arith.cmpi ne, %convert_element_type3A_11, %cond3A_12 : i32
    scf.if %cond3A_13 {
      %mul3A_34 = arith.constant 768 : i32
      %mul3A_35 = arith.muli %arg1, %mul3A_34 : i32
      "tpu.region"() ({
        %run_scoped3A = tpu.sem_alloc : memref<!tpu.dma_semaphore, #tpu.memory_space<semaphore_mem>>
        %dma_start3A = tpu.memref_slice %arg16[%mul3A_35] : memref<10752xf32, #tpu.memory_space<vmem_shared>> -> memref<768xf32, #tpu.memory_space<vmem_shared>>
        %dma_start3A_36 = tpu.memref_slice %arg5[%mul3A_35] : memref<10752xf32, #tpu.memory_space<hbm>> -> memref<768xf32, #tpu.memory_space<hbm>>
        tpu.enqueue_dma source(%dma_start3A_36 : memref<768xf32, #tpu.memory_space<hbm>>) target(%dma_start3A : memref<768xf32, #tpu.memory_space<vmem_shared>>) target_semaphore(%run_scoped3A : memref<!tpu.dma_semaphore, #tpu.memory_space<semaphore_mem>>)
        %dma_wait3A = tpu.memref_slice %arg16[%mul3A_35] : memref<10752xf32, #tpu.memory_space<vmem_shared>> -> memref<768xf32, #tpu.memory_space<vmem_shared>>
        %dma_wait3A_37 = tpu.memref_slice %arg5[%mul3A_35] : memref<10752xf32, #tpu.memory_space<hbm>> -> memref<768xf32, #tpu.memory_space<hbm>>
        tpu.wait_dma2 semaphore(%run_scoped3A : memref<!tpu.dma_semaphore, #tpu.memory_space<semaphore_mem>>) src(%dma_wait3A_37 : memref<768xf32, #tpu.memory_space<hbm>>) dst(%dma_wait3A : memref<768xf32, #tpu.memory_space<vmem_shared>>)
        tpu.yield
      }) : () -> ()
    } else {
    }
    %ge3A = arith.constant 4 : i32
    %ge3A_14 = arith.cmpi sge, %arg1, %ge3A : i32
    %convert_element_type3A_15 = arith.extui %ge3A_14 : i1 to i32
    %cond3A_16 = arith.constant 0 : i32
    %cond3A_17 = arith.cmpi ne, %convert_element_type3A_15, %cond3A_16 : i32
    scf.if %cond3A_17 {
      %sub3A = arith.constant 4 : i32
      %sub3A_34 = arith.subi %arg1, %sub3A : i32
      %mul3A_35 = arith.constant 640 : i32
      %mul3A_36 = arith.muli %sub3A_34, %mul3A_35 : i32
      %add3A_37 = arith.constant 3072 : i32
      %add3A_38 = arith.addi %add3A_37, %mul3A_36 : i32
      "tpu.region"() ({
        %run_scoped3A = tpu.sem_alloc : memref<!tpu.dma_semaphore, #tpu.memory_space<semaphore_mem>>
        %dma_start3A = tpu.memref_slice %arg16[%add3A_38] : memref<10752xf32, #tpu.memory_space<vmem_shared>> -> memref<640xf32, #tpu.memory_space<vmem_shared>>
        %dma_start3A_39 = tpu.memref_slice %arg5[%add3A_38] : memref<10752xf32, #tpu.memory_space<hbm>> -> memref<640xf32, #tpu.memory_space<hbm>>
        tpu.enqueue_dma source(%dma_start3A_39 : memref<640xf32, #tpu.memory_space<hbm>>) target(%dma_start3A : memref<640xf32, #tpu.memory_space<vmem_shared>>) target_semaphore(%run_scoped3A : memref<!tpu.dma_semaphore, #tpu.memory_space<semaphore_mem>>)
        %dma_wait3A = tpu.memref_slice %arg16[%add3A_38] : memref<10752xf32, #tpu.memory_space<vmem_shared>> -> memref<640xf32, #tpu.memory_space<vmem_shared>>
        %dma_wait3A_40 = tpu.memref_slice %arg5[%add3A_38] : memref<10752xf32, #tpu.memory_space<hbm>> -> memref<640xf32, #tpu.memory_space<hbm>>
        tpu.wait_dma2 semaphore(%run_scoped3A : memref<!tpu.dma_semaphore, #tpu.memory_space<semaphore_mem>>) src(%dma_wait3A_40 : memref<640xf32, #tpu.memory_space<hbm>>) dst(%dma_wait3A : memref<640xf32, #tpu.memory_space<vmem_shared>>)
        tpu.yield
      }) : () -> ()
    } else {
    }
    "tpu.region"() ({
      %run_scoped3A = tpu.sem_alloc : memref<!tpu.dma_semaphore, #tpu.memory_space<semaphore_mem>>
      tpu.enqueue_dma source(%arg6 : memref<128xf32, #tpu.memory_space<hbm>>) target(%arg14 : memref<128xf32, #tpu.memory_space<vmem>>) target_semaphore(%run_scoped3A : memref<!tpu.dma_semaphore, #tpu.memory_space<semaphore_mem>>)
      tpu.wait_dma2 semaphore(%run_scoped3A : memref<!tpu.dma_semaphore, #tpu.memory_space<semaphore_mem>>) src(%arg6 : memref<128xf32, #tpu.memory_space<hbm>>) dst(%arg14 : memref<128xf32, #tpu.memory_space<vmem>>)
      tpu.yield
    }) : () -> ()
    %barrier3A = arith.constant 0 : index
    tpu.barrier barrier_id(%barrier3A)
    %scan3A = arith.constant 0 : i32
    %scan3A_18 = arith.constant 0 : i32
    %scan3A_19 = arith.constant 79 : i32
    %scan3A_20 = arith.addi %scan3A_18, %scan3A_19 : i32
    %scan3A_21 = arith.constant 1 : i32
    scf.for %scan3A_34 = %scan3A_18 to %scan3A_20 step %scan3A_21  : i32 {
      %dma_start3A = arith.constant 0 : i32
      %dma_start3A_35 = tpu.memref_slice %arg11[%scan3A_34, %dma_start3A] : memref<79x128xi32, #tpu.memory_space<vmem>> -> memref<1x128xi32, #tpu.memory_space<vmem>>
      %dma_start3A_36 = tpu.memref_squeeze %dma_start3A_35 : memref<1x128xi32, #tpu.memory_space<vmem>> -> memref<128xi32, #tpu.memory_space<vmem>>
      %dma_start3A_37 = arith.constant 0 : i32
      %dma_start3A_38 = arith.constant 0 : i32
      %dma_start3A_39 = tpu.memref_slice %arg2[%dma_start3A_37, %dma_start3A_38] : memref<10752x128xf32, #tpu.memory_space<hbm>> -> memref<10752x128xf32, #tpu.memory_space<hbm>>
      tpu.enqueue_indirect_dma source(%dma_start3A_39 : memref<10752x128xf32, #tpu.memory_space<hbm>>) target(%arg13 : memref<128x128xf32, #tpu.memory_space<vmem>>) offsets(%dma_start3A_36 : memref<128xi32, #tpu.memory_space<vmem>>) semaphore(%arg17 : memref<!tpu.dma_semaphore, #tpu.memory_space<semaphore_mem>>)
      %dma_wait3A = arith.constant 0 : i32
      %dma_wait3A_40 = tpu.memref_slice %arg11[%scan3A_34, %dma_wait3A] : memref<79x128xi32, #tpu.memory_space<vmem>> -> memref<1x128xi32, #tpu.memory_space<vmem>>
      %dma_wait3A_41 = tpu.memref_squeeze %dma_wait3A_40 : memref<1x128xi32, #tpu.memory_space<vmem>> -> memref<128xi32, #tpu.memory_space<vmem>>
      %dma_wait3A_42 = arith.constant 0 : i32
      %dma_wait3A_43 = arith.constant 0 : i32
      %dma_wait3A_44 = tpu.memref_slice %arg2[%dma_wait3A_42, %dma_wait3A_43] : memref<10752x128xf32, #tpu.memory_space<hbm>> -> memref<10752x128xf32, #tpu.memory_space<hbm>>
      tpu.wait_indirect_dma semaphore(%arg17 : memref<!tpu.dma_semaphore, #tpu.memory_space<semaphore_mem>>) src(%dma_wait3A_44 : memref<10752x128xf32, #tpu.memory_space<hbm>>) dst(%arg13 : memref<128x128xf32, #tpu.memory_space<vmem>>)
      "tpu.region"() ({
        %run_scoped3A = tpu.sem_alloc : memref<!tpu.dma_semaphore, #tpu.memory_space<semaphore_mem>>
        %dma_start3A_45 = arith.constant 0 : i32
        %dma_start3A_46 = tpu.memref_slice %arg12[%scan3A_34, %dma_start3A_45] : memref<79x128xi32, #tpu.memory_space<vmem>> -> memref<1x128xi32, #tpu.memory_space<vmem>>
        %dma_start3A_47 = tpu.memref_squeeze %dma_start3A_46 : memref<1x128xi32, #tpu.memory_space<vmem>> -> memref<128xi32, #tpu.memory_space<vmem>>
        %dma_start3A_48 = arith.constant 0 : i32
        %dma_start3A_49 = arith.constant 0 : i32
        %dma_start3A_50 = tpu.memref_slice %arg15[%dma_start3A_48, %dma_start3A_49] : memref<10752x128xf32, #tpu.memory_space<vmem_shared>> -> memref<10752x128xf32, #tpu.memory_space<vmem_shared>>
        tpu.enqueue_indirect_dma source(%arg13 : memref<128x128xf32, #tpu.memory_space<vmem>>) target(%dma_start3A_50 : memref<10752x128xf32, #tpu.memory_space<vmem_shared>>) offsets(%dma_start3A_47 : memref<128xi32, #tpu.memory_space<vmem>>) semaphore(%run_scoped3A : memref<!tpu.dma_semaphore, #tpu.memory_space<semaphore_mem>>) {add = true}
        %dma_wait3A_51 = arith.constant 0 : i32
        %dma_wait3A_52 = tpu.memref_slice %arg12[%scan3A_34, %dma_wait3A_51] : memref<79x128xi32, #tpu.memory_space<vmem>> -> memref<1x128xi32, #tpu.memory_space<vmem>>
        %dma_wait3A_53 = tpu.memref_squeeze %dma_wait3A_52 : memref<1x128xi32, #tpu.memory_space<vmem>> -> memref<128xi32, #tpu.memory_space<vmem>>
        %dma_wait3A_54 = arith.constant 0 : i32
        %dma_wait3A_55 = arith.constant 0 : i32
        %dma_wait3A_56 = tpu.memref_slice %arg15[%dma_wait3A_54, %dma_wait3A_55] : memref<10752x128xf32, #tpu.memory_space<vmem_shared>> -> memref<10752x128xf32, #tpu.memory_space<vmem_shared>>
        tpu.wait_indirect_dma semaphore(%run_scoped3A : memref<!tpu.dma_semaphore, #tpu.memory_space<semaphore_mem>>) src(%arg13 : memref<128x128xf32, #tpu.memory_space<vmem>>) dst(%dma_wait3A_56 : memref<10752x128xf32, #tpu.memory_space<vmem_shared>>)
        tpu.yield
      }) : () -> ()
      "tpu.region"() ({
        %run_scoped3A = tpu.sem_alloc : memref<!tpu.dma_semaphore, #tpu.memory_space<semaphore_mem>>
        %dma_start3A_45 = arith.constant 0 : i32
        %dma_start3A_46 = tpu.memref_slice %arg12[%scan3A_34, %dma_start3A_45] : memref<79x128xi32, #tpu.memory_space<vmem>> -> memref<1x128xi32, #tpu.memory_space<vmem>>
        %dma_start3A_47 = tpu.memref_squeeze %dma_start3A_46 : memref<1x128xi32, #tpu.memory_space<vmem>> -> memref<128xi32, #tpu.memory_space<vmem>>
        %dma_start3A_48 = arith.constant 0 : i32
        %dma_start3A_49 = tpu.memref_slice %arg16[%dma_start3A_48] : memref<10752xf32, #tpu.memory_space<vmem_shared>> -> memref<10752xf32, #tpu.memory_space<vmem_shared>>
        tpu.enqueue_indirect_dma source(%arg14 : memref<128xf32, #tpu.memory_space<vmem>>) target(%dma_start3A_49 : memref<10752xf32, #tpu.memory_space<vmem_shared>>) offsets(%dma_start3A_47 : memref<128xi32, #tpu.memory_space<vmem>>) semaphore(%run_scoped3A : memref<!tpu.dma_semaphore, #tpu.memory_space<semaphore_mem>>) {add = true}
        %dma_wait3A_50 = arith.constant 0 : i32
        %dma_wait3A_51 = tpu.memref_slice %arg12[%scan3A_34, %dma_wait3A_50] : memref<79x128xi32, #tpu.memory_space<vmem>> -> memref<1x128xi32, #tpu.memory_space<vmem>>
        %dma_wait3A_52 = tpu.memref_squeeze %dma_wait3A_51 : memref<1x128xi32, #tpu.memory_space<vmem>> -> memref<128xi32, #tpu.memory_space<vmem>>
        %dma_wait3A_53 = arith.constant 0 : i32
        %dma_wait3A_54 = tpu.memref_slice %arg16[%dma_wait3A_53] : memref<10752xf32, #tpu.memory_space<vmem_shared>> -> memref<10752xf32, #tpu.memory_space<vmem_shared>>
        tpu.wait_indirect_dma semaphore(%run_scoped3A : memref<!tpu.dma_semaphore, #tpu.memory_space<semaphore_mem>>) src(%arg14 : memref<128xf32, #tpu.memory_space<vmem>>) dst(%dma_wait3A_54 : memref<10752xf32, #tpu.memory_space<vmem_shared>>)
        tpu.yield
      }) : () -> ()
    }
    %scan3A_22 = arith.constant 79 : i32
    %barrier3A_23 = arith.constant 0 : index
    tpu.barrier barrier_id(%barrier3A_23)
    "tpu.region"() ({
      %run_scoped3A = tpu.sem_alloc : memref<!tpu.dma_semaphore, #tpu.memory_space<semaphore_mem>>
      %dma_start3A = arith.constant 0 : i32
      %dma_start3A_34 = arith.constant 0 : i32
      %dma_start3A_35 = tpu.memref_slice %arg9[%arg0, %dma_start3A, %dma_start3A_34] : memref<2x10752x128xf32, #tpu.memory_space<hbm>> -> memref<1x10752x128xf32, #tpu.memory_space<hbm>>
      %dma_start3A_36 = tpu.memref_squeeze %dma_start3A_35 : memref<1x10752x128xf32, #tpu.memory_space<hbm>> -> memref<10752x128xf32, #tpu.memory_space<hbm>>
      %dma_start3A_37 = arith.constant 0 : i32
      %dma_start3A_38 = tpu.memref_slice %dma_start3A_36[%mul3A_2, %dma_start3A_37] : memref<10752x128xf32, #tpu.memory_space<hbm>> -> memref<672x128xf32, #tpu.memory_space<hbm>>
      %dma_start3A_39 = arith.constant 0 : i32
      %dma_start3A_40 = tpu.memref_slice %arg15[%mul3A_2, %dma_start3A_39] : memref<10752x128xf32, #tpu.memory_space<vmem_shared>> -> memref<672x128xf32, #tpu.memory_space<vmem_shared>>
      tpu.enqueue_dma source(%dma_start3A_40 : memref<672x128xf32, #tpu.memory_space<vmem_shared>>) target(%dma_start3A_38 : memref<672x128xf32, #tpu.memory_space<hbm>>) target_semaphore(%run_scoped3A : memref<!tpu.dma_semaphore, #tpu.memory_space<semaphore_mem>>)
      %dma_wait3A = arith.constant 0 : i32
      %dma_wait3A_41 = arith.constant 0 : i32
      %dma_wait3A_42 = tpu.memref_slice %arg9[%arg0, %dma_wait3A, %dma_wait3A_41] : memref<2x10752x128xf32, #tpu.memory_space<hbm>> -> memref<1x10752x128xf32, #tpu.memory_space<hbm>>
      %dma_wait3A_43 = tpu.memref_squeeze %dma_wait3A_42 : memref<1x10752x128xf32, #tpu.memory_space<hbm>> -> memref<10752x128xf32, #tpu.memory_space<hbm>>
      %dma_wait3A_44 = arith.constant 0 : i32
      %dma_wait3A_45 = tpu.memref_slice %dma_wait3A_43[%mul3A_2, %dma_wait3A_44] : memref<10752x128xf32, #tpu.memory_space<hbm>> -> memref<672x128xf32, #tpu.memory_space<hbm>>
      %dma_wait3A_46 = arith.constant 0 : i32
      %dma_wait3A_47 = tpu.memref_slice %arg15[%mul3A_2, %dma_wait3A_46] : memref<10752x128xf32, #tpu.memory_space<vmem_shared>> -> memref<672x128xf32, #tpu.memory_space<vmem_shared>>
      tpu.wait_dma2 semaphore(%run_scoped3A : memref<!tpu.dma_semaphore, #tpu.memory_space<semaphore_mem>>) src(%dma_wait3A_47 : memref<672x128xf32, #tpu.memory_space<vmem_shared>>) dst(%dma_wait3A_45 : memref<672x128xf32, #tpu.memory_space<hbm>>)
      tpu.yield
    }) : () -> ()
    %lt3A_24 = arith.constant 4 : i32
    %lt3A_25 = arith.cmpi slt, %arg1, %lt3A_24 : i32
    %convert_element_type3A_26 = arith.extui %lt3A_25 : i1 to i32
    %cond3A_27 = arith.constant 0 : i32
    %cond3A_28 = arith.cmpi ne, %convert_element_type3A_26, %cond3A_27 : i32
    scf.if %cond3A_28 {
      %mul3A_34 = arith.constant 768 : i32
      %mul3A_35 = arith.muli %arg1, %mul3A_34 : i32
      "tpu.region"() ({
        %run_scoped3A = tpu.sem_alloc : memref<!tpu.dma_semaphore, #tpu.memory_space<semaphore_mem>>
        %dma_start3A = arith.constant 0 : i32
        %dma_start3A_36 = tpu.memref_slice %arg10[%arg0, %dma_start3A] : memref<2x10752xf32, #tpu.memory_space<hbm>> -> memref<1x10752xf32, #tpu.memory_space<hbm>>
        %dma_start3A_37 = tpu.memref_squeeze %dma_start3A_36 : memref<1x10752xf32, #tpu.memory_space<hbm>> -> memref<10752xf32, #tpu.memory_space<hbm>>
        %dma_start3A_38 = tpu.memref_slice %dma_start3A_37[%mul3A_35] : memref<10752xf32, #tpu.memory_space<hbm>> -> memref<768xf32, #tpu.memory_space<hbm>>
        %dma_start3A_39 = tpu.memref_slice %arg16[%mul3A_35] : memref<10752xf32, #tpu.memory_space<vmem_shared>> -> memref<768xf32, #tpu.memory_space<vmem_shared>>
        tpu.enqueue_dma source(%dma_start3A_39 : memref<768xf32, #tpu.memory_space<vmem_shared>>) target(%dma_start3A_38 : memref<768xf32, #tpu.memory_space<hbm>>) target_semaphore(%run_scoped3A : memref<!tpu.dma_semaphore, #tpu.memory_space<semaphore_mem>>)
        %dma_wait3A = arith.constant 0 : i32
        %dma_wait3A_40 = tpu.memref_slice %arg10[%arg0, %dma_wait3A] : memref<2x10752xf32, #tpu.memory_space<hbm>> -> memref<1x10752xf32, #tpu.memory_space<hbm>>
        %dma_wait3A_41 = tpu.memref_squeeze %dma_wait3A_40 : memref<1x10752xf32, #tpu.memory_space<hbm>> -> memref<10752xf32, #tpu.memory_space<hbm>>
        %dma_wait3A_42 = tpu.memref_slice %dma_wait3A_41[%mul3A_35] : memref<10752xf32, #tpu.memory_space<hbm>> -> memref<768xf32, #tpu.memory_space<hbm>>
        %dma_wait3A_43 = tpu.memref_slice %arg16[%mul3A_35] : memref<10752xf32, #tpu.memory_space<vmem_shared>> -> memref<768xf32, #tpu.memory_space<vmem_shared>>
        tpu.wait_dma2 semaphore(%run_scoped3A : memref<!tpu.dma_semaphore, #tpu.memory_space<semaphore_mem>>) src(%dma_wait3A_43 : memref<768xf32, #tpu.memory_space<vmem_shared>>) dst(%dma_wait3A_42 : memref<768xf32, #tpu.memory_space<hbm>>)
        tpu.yield
      }) : () -> ()
    } else {
    }
    %ge3A_29 = arith.constant 4 : i32
    %ge3A_30 = arith.cmpi sge, %arg1, %ge3A_29 : i32
    %convert_element_type3A_31 = arith.extui %ge3A_30 : i1 to i32
    %cond3A_32 = arith.constant 0 : i32
    %cond3A_33 = arith.cmpi ne, %convert_element_type3A_31, %cond3A_32 : i32
    scf.if %cond3A_33 {
      %sub3A = arith.constant 4 : i32
      %sub3A_34 = arith.subi %arg1, %sub3A : i32
      %mul3A_35 = arith.constant 640 : i32
      %mul3A_36 = arith.muli %sub3A_34, %mul3A_35 : i32
      %add3A_37 = arith.constant 3072 : i32
      %add3A_38 = arith.addi %add3A_37, %mul3A_36 : i32
      "tpu.region"() ({
        %run_scoped3A = tpu.sem_alloc : memref<!tpu.dma_semaphore, #tpu.memory_space<semaphore_mem>>
        %dma_start3A = arith.constant 0 : i32
        %dma_start3A_39 = tpu.memref_slice %arg10[%arg0, %dma_start3A] : memref<2x10752xf32, #tpu.memory_space<hbm>> -> memref<1x10752xf32, #tpu.memory_space<hbm>>
        %dma_start3A_40 = tpu.memref_squeeze %dma_start3A_39 : memref<1x10752xf32, #tpu.memory_space<hbm>> -> memref<10752xf32, #tpu.memory_space<hbm>>
        %dma_start3A_41 = tpu.memref_slice %dma_start3A_40[%add3A_38] : memref<10752xf32, #tpu.memory_space<hbm>> -> memref<640xf32, #tpu.memory_space<hbm>>
        %dma_start3A_42 = tpu.memref_slice %arg16[%add3A_38] : memref<10752xf32, #tpu.memory_space<vmem_shared>> -> memref<640xf32, #tpu.memory_space<vmem_shared>>
        tpu.enqueue_dma source(%dma_start3A_42 : memref<640xf32, #tpu.memory_space<vmem_shared>>) target(%dma_start3A_41 : memref<640xf32, #tpu.memory_space<hbm>>) target_semaphore(%run_scoped3A : memref<!tpu.dma_semaphore, #tpu.memory_space<semaphore_mem>>)
        %dma_wait3A = arith.constant 0 : i32
        %dma_wait3A_43 = tpu.memref_slice %arg10[%arg0, %dma_wait3A] : memref<2x10752xf32, #tpu.memory_space<hbm>> -> memref<1x10752xf32, #tpu.memory_space<hbm>>
        %dma_wait3A_44 = tpu.memref_squeeze %dma_wait3A_43 : memref<1x10752xf32, #tpu.memory_space<hbm>> -> memref<10752xf32, #tpu.memory_space<hbm>>
        %dma_wait3A_45 = tpu.memref_slice %dma_wait3A_44[%add3A_38] : memref<10752xf32, #tpu.memory_space<hbm>> -> memref<640xf32, #tpu.memory_space<hbm>>
        %dma_wait3A_46 = tpu.memref_slice %arg16[%add3A_38] : memref<10752xf32, #tpu.memory_space<vmem_shared>> -> memref<640xf32, #tpu.memory_space<vmem_shared>>
        tpu.wait_dma2 semaphore(%run_scoped3A : memref<!tpu.dma_semaphore, #tpu.memory_space<semaphore_mem>>) src(%dma_wait3A_46 : memref<640xf32, #tpu.memory_space<vmem_shared>>) dst(%dma_wait3A_45 : memref<640xf32, #tpu.memory_space<hbm>>)
        tpu.yield
      }) : () -> ()
    } else {
    }
    return
  }
}

#map = affine_map<(d0, d1) -> (0, 0)>
#map1 = affine_map<(d0, d1) -> (0, 0, 0)>
module attributes {stable_mosaic.version = 14 : i64} {
  func.func @body(%arg0: i32, %arg1: i32, %arg2: memref<10752x128xf32, #tpu.memory_space<hbm>>, %arg3: memref<10752x128xf32, #tpu.memory_space<hbm>>, %arg4: memref<10752x128xf32, #tpu.memory_space<hbm>>, %arg5: memref<32x79x128xi32, #tpu.memory_space<hbm>>, %arg6: memref<32x79x128xi32, #tpu.memory_space<hbm>>, %arg7: memref<2x10752x128xf32, #tpu.memory_space<hbm>>, %arg8: memref<79x128xi32, #tpu.memory_space<vmem>>, %arg9: memref<79x128xi32, #tpu.memory_space<vmem>>, %arg10: memref<128x128xf32, #tpu.memory_space<vmem>>, %arg11: memref<10752x128xf32, #tpu.memory_space<vmem_shared>>, %arg12: memref<!tpu.dma_semaphore, #tpu.memory_space<semaphore_mem>>) attributes {dimension_semantics = [#tpu.dimension_semantics<core_parallel>, #tpu.dimension_semantics<subcore_parallel>], iteration_bounds = array<i64: 2, 16>, scalar_prefetch = 0 : i64, scratch_operands = 5 : i64, tpu.core_type = #tpu.core_type<sc_vector_subcore>, window_params = [{transform_indices = #map}, {transform_indices = #map}, {transform_indices = #map}, {transform_indices = #map1}, {transform_indices = #map1}, {transform_indices = #map1}]} {
    %mul3A = arith.constant 2 : i32
    %mul3A_0 = arith.muli %arg1, %mul3A : i32
    %add3A = arith.addi %mul3A_0, %arg0 : i32
    %mul3A_1 = arith.constant 672 : i32
    %mul3A_2 = arith.muli %arg1, %mul3A_1 : i32
    %eq3A = arith.constant 0 : i32
    %eq3A_3 = arith.cmpi eq, %arg0, %eq3A : i32
    %convert_element_type3A = arith.extui %eq3A_3 : i1 to i32
    %cond3A = arith.constant 0 : i32
    %cond3A_4 = arith.cmpi ne, %convert_element_type3A, %cond3A : i32
    scf.if %cond3A_4 {
      "tpu.region"() ({
        %run_scoped3A = tpu.sem_alloc : memref<!tpu.dma_semaphore, #tpu.memory_space<semaphore_mem>>
        %dma_start3A = arith.constant 0 : i32
        %dma_start3A_16 = tpu.memref_slice %arg11[%mul3A_2, %dma_start3A] : memref<10752x128xf32, #tpu.memory_space<vmem_shared>> -> memref<672x128xf32, #tpu.memory_space<vmem_shared>>
        %dma_start3A_17 = arith.constant 0 : i32
        %dma_start3A_18 = tpu.memref_slice %arg3[%mul3A_2, %dma_start3A_17] : memref<10752x128xf32, #tpu.memory_space<hbm>> -> memref<672x128xf32, #tpu.memory_space<hbm>>
        tpu.enqueue_dma source(%dma_start3A_18 : memref<672x128xf32, #tpu.memory_space<hbm>>) target(%dma_start3A_16 : memref<672x128xf32, #tpu.memory_space<vmem_shared>>) target_semaphore(%run_scoped3A : memref<!tpu.dma_semaphore, #tpu.memory_space<semaphore_mem>>)
        %dma_wait3A = arith.constant 0 : i32
        %dma_wait3A_19 = tpu.memref_slice %arg11[%mul3A_2, %dma_wait3A] : memref<10752x128xf32, #tpu.memory_space<vmem_shared>> -> memref<672x128xf32, #tpu.memory_space<vmem_shared>>
        %dma_wait3A_20 = arith.constant 0 : i32
        %dma_wait3A_21 = tpu.memref_slice %arg3[%mul3A_2, %dma_wait3A_20] : memref<10752x128xf32, #tpu.memory_space<hbm>> -> memref<672x128xf32, #tpu.memory_space<hbm>>
        tpu.wait_dma2 semaphore(%run_scoped3A : memref<!tpu.dma_semaphore, #tpu.memory_space<semaphore_mem>>) src(%dma_wait3A_21 : memref<672x128xf32, #tpu.memory_space<hbm>>) dst(%dma_wait3A_19 : memref<672x128xf32, #tpu.memory_space<vmem_shared>>)
        tpu.yield
      }) : () -> ()
    } else {
    }
    %eq3A_5 = arith.constant 1 : i32
    %eq3A_6 = arith.cmpi eq, %arg0, %eq3A_5 : i32
    %convert_element_type3A_7 = arith.extui %eq3A_6 : i1 to i32
    %cond3A_8 = arith.constant 0 : i32
    %cond3A_9 = arith.cmpi ne, %convert_element_type3A_7, %cond3A_8 : i32
    scf.if %cond3A_9 {
      "tpu.region"() ({
        %run_scoped3A = tpu.sem_alloc : memref<!tpu.dma_semaphore, #tpu.memory_space<semaphore_mem>>
        %dma_start3A = arith.constant 0 : i32
        %dma_start3A_16 = tpu.memref_slice %arg11[%mul3A_2, %dma_start3A] : memref<10752x128xf32, #tpu.memory_space<vmem_shared>> -> memref<672x128xf32, #tpu.memory_space<vmem_shared>>
        %dma_start3A_17 = arith.constant 0 : i32
        %dma_start3A_18 = tpu.memref_slice %arg4[%mul3A_2, %dma_start3A_17] : memref<10752x128xf32, #tpu.memory_space<hbm>> -> memref<672x128xf32, #tpu.memory_space<hbm>>
        tpu.enqueue_dma source(%dma_start3A_18 : memref<672x128xf32, #tpu.memory_space<hbm>>) target(%dma_start3A_16 : memref<672x128xf32, #tpu.memory_space<vmem_shared>>) target_semaphore(%run_scoped3A : memref<!tpu.dma_semaphore, #tpu.memory_space<semaphore_mem>>)
        %dma_wait3A = arith.constant 0 : i32
        %dma_wait3A_19 = tpu.memref_slice %arg11[%mul3A_2, %dma_wait3A] : memref<10752x128xf32, #tpu.memory_space<vmem_shared>> -> memref<672x128xf32, #tpu.memory_space<vmem_shared>>
        %dma_wait3A_20 = arith.constant 0 : i32
        %dma_wait3A_21 = tpu.memref_slice %arg4[%mul3A_2, %dma_wait3A_20] : memref<10752x128xf32, #tpu.memory_space<hbm>> -> memref<672x128xf32, #tpu.memory_space<hbm>>
        tpu.wait_dma2 semaphore(%run_scoped3A : memref<!tpu.dma_semaphore, #tpu.memory_space<semaphore_mem>>) src(%dma_wait3A_21 : memref<672x128xf32, #tpu.memory_space<hbm>>) dst(%dma_wait3A_19 : memref<672x128xf32, #tpu.memory_space<vmem_shared>>)
        tpu.yield
      }) : () -> ()
    } else {
    }
    "tpu.region"() ({
      %run_scoped3A = tpu.sem_alloc : memref<!tpu.dma_semaphore, #tpu.memory_space<semaphore_mem>>
      %dma_start3A = arith.constant 0 : i32
      %dma_start3A_16 = arith.constant 0 : i32
      %dma_start3A_17 = tpu.memref_slice %arg5[%add3A, %dma_start3A, %dma_start3A_16] : memref<32x79x128xi32, #tpu.memory_space<hbm>> -> memref<1x79x128xi32, #tpu.memory_space<hbm>>
      %dma_start3A_18 = tpu.memref_squeeze %dma_start3A_17 : memref<1x79x128xi32, #tpu.memory_space<hbm>> -> memref<79x128xi32, #tpu.memory_space<hbm>>
      %dma_start3A_19 = arith.constant 0 : i32
      %dma_start3A_20 = arith.constant 0 : i32
      %dma_start3A_21 = tpu.memref_slice %arg5[%add3A, %dma_start3A_19, %dma_start3A_20] : memref<32x79x128xi32, #tpu.memory_space<hbm>> -> memref<1x79x128xi32, #tpu.memory_space<hbm>>
      %dma_start3A_22 = tpu.memref_squeeze %dma_start3A_21 : memref<1x79x128xi32, #tpu.memory_space<hbm>> -> memref<79x128xi32, #tpu.memory_space<hbm>>
      tpu.enqueue_dma source(%dma_start3A_22 : memref<79x128xi32, #tpu.memory_space<hbm>>) target(%arg8 : memref<79x128xi32, #tpu.memory_space<vmem>>) target_semaphore(%run_scoped3A : memref<!tpu.dma_semaphore, #tpu.memory_space<semaphore_mem>>)
      %dma_wait3A = arith.constant 0 : i32
      %dma_wait3A_23 = arith.constant 0 : i32
      %dma_wait3A_24 = tpu.memref_slice %arg5[%add3A, %dma_wait3A, %dma_wait3A_23] : memref<32x79x128xi32, #tpu.memory_space<hbm>> -> memref<1x79x128xi32, #tpu.memory_space<hbm>>
      %dma_wait3A_25 = tpu.memref_squeeze %dma_wait3A_24 : memref<1x79x128xi32, #tpu.memory_space<hbm>> -> memref<79x128xi32, #tpu.memory_space<hbm>>
      %dma_wait3A_26 = arith.constant 0 : i32
      %dma_wait3A_27 = arith.constant 0 : i32
      %dma_wait3A_28 = tpu.memref_slice %arg5[%add3A, %dma_wait3A_26, %dma_wait3A_27] : memref<32x79x128xi32, #tpu.memory_space<hbm>> -> memref<1x79x128xi32, #tpu.memory_space<hbm>>
      %dma_wait3A_29 = tpu.memref_squeeze %dma_wait3A_28 : memref<1x79x128xi32, #tpu.memory_space<hbm>> -> memref<79x128xi32, #tpu.memory_space<hbm>>
      tpu.wait_dma2 semaphore(%run_scoped3A : memref<!tpu.dma_semaphore, #tpu.memory_space<semaphore_mem>>) src(%dma_wait3A_29 : memref<79x128xi32, #tpu.memory_space<hbm>>) dst(%arg8 : memref<79x128xi32, #tpu.memory_space<vmem>>)
      tpu.yield
    }) : () -> ()
    "tpu.region"() ({
      %run_scoped3A = tpu.sem_alloc : memref<!tpu.dma_semaphore, #tpu.memory_space<semaphore_mem>>
      %dma_start3A = arith.constant 0 : i32
      %dma_start3A_16 = arith.constant 0 : i32
      %dma_start3A_17 = tpu.memref_slice %arg6[%add3A, %dma_start3A, %dma_start3A_16] : memref<32x79x128xi32, #tpu.memory_space<hbm>> -> memref<1x79x128xi32, #tpu.memory_space<hbm>>
      %dma_start3A_18 = tpu.memref_squeeze %dma_start3A_17 : memref<1x79x128xi32, #tpu.memory_space<hbm>> -> memref<79x128xi32, #tpu.memory_space<hbm>>
      %dma_start3A_19 = arith.constant 0 : i32
      %dma_start3A_20 = arith.constant 0 : i32
      %dma_start3A_21 = tpu.memref_slice %arg6[%add3A, %dma_start3A_19, %dma_start3A_20] : memref<32x79x128xi32, #tpu.memory_space<hbm>> -> memref<1x79x128xi32, #tpu.memory_space<hbm>>
      %dma_start3A_22 = tpu.memref_squeeze %dma_start3A_21 : memref<1x79x128xi32, #tpu.memory_space<hbm>> -> memref<79x128xi32, #tpu.memory_space<hbm>>
      tpu.enqueue_dma source(%dma_start3A_22 : memref<79x128xi32, #tpu.memory_space<hbm>>) target(%arg9 : memref<79x128xi32, #tpu.memory_space<vmem>>) target_semaphore(%run_scoped3A : memref<!tpu.dma_semaphore, #tpu.memory_space<semaphore_mem>>)
      %dma_wait3A = arith.constant 0 : i32
      %dma_wait3A_23 = arith.constant 0 : i32
      %dma_wait3A_24 = tpu.memref_slice %arg6[%add3A, %dma_wait3A, %dma_wait3A_23] : memref<32x79x128xi32, #tpu.memory_space<hbm>> -> memref<1x79x128xi32, #tpu.memory_space<hbm>>
      %dma_wait3A_25 = tpu.memref_squeeze %dma_wait3A_24 : memref<1x79x128xi32, #tpu.memory_space<hbm>> -> memref<79x128xi32, #tpu.memory_space<hbm>>
      %dma_wait3A_26 = arith.constant 0 : i32
      %dma_wait3A_27 = arith.constant 0 : i32
      %dma_wait3A_28 = tpu.memref_slice %arg6[%add3A, %dma_wait3A_26, %dma_wait3A_27] : memref<32x79x128xi32, #tpu.memory_space<hbm>> -> memref<1x79x128xi32, #tpu.memory_space<hbm>>
      %dma_wait3A_29 = tpu.memref_squeeze %dma_wait3A_28 : memref<1x79x128xi32, #tpu.memory_space<hbm>> -> memref<79x128xi32, #tpu.memory_space<hbm>>
      tpu.wait_dma2 semaphore(%run_scoped3A : memref<!tpu.dma_semaphore, #tpu.memory_space<semaphore_mem>>) src(%dma_wait3A_29 : memref<79x128xi32, #tpu.memory_space<hbm>>) dst(%arg9 : memref<79x128xi32, #tpu.memory_space<vmem>>)
      tpu.yield
    }) : () -> ()
    %barrier3A = arith.constant 0 : index
    tpu.barrier barrier_id(%barrier3A)
    %scan3A = arith.constant 0 : i32
    %scan3A_10 = arith.constant 0 : i32
    %scan3A_11 = arith.constant 79 : i32
    %scan3A_12 = arith.addi %scan3A_10, %scan3A_11 : i32
    %scan3A_13 = arith.constant 1 : i32
    scf.for %scan3A_16 = %scan3A_10 to %scan3A_12 step %scan3A_13  : i32 {
      %dma_start3A = arith.constant 0 : i32
      %dma_start3A_17 = tpu.memref_slice %arg8[%scan3A_16, %dma_start3A] : memref<79x128xi32, #tpu.memory_space<vmem>> -> memref<1x128xi32, #tpu.memory_space<vmem>>
      %dma_start3A_18 = tpu.memref_squeeze %dma_start3A_17 : memref<1x128xi32, #tpu.memory_space<vmem>> -> memref<128xi32, #tpu.memory_space<vmem>>
      %dma_start3A_19 = arith.constant 0 : i32
      %dma_start3A_20 = arith.constant 0 : i32
      %dma_start3A_21 = tpu.memref_slice %arg2[%dma_start3A_19, %dma_start3A_20] : memref<10752x128xf32, #tpu.memory_space<hbm>> -> memref<10752x128xf32, #tpu.memory_space<hbm>>
      tpu.enqueue_indirect_dma source(%dma_start3A_21 : memref<10752x128xf32, #tpu.memory_space<hbm>>) target(%arg10 : memref<128x128xf32, #tpu.memory_space<vmem>>) offsets(%dma_start3A_18 : memref<128xi32, #tpu.memory_space<vmem>>) semaphore(%arg12 : memref<!tpu.dma_semaphore, #tpu.memory_space<semaphore_mem>>)
      %dma_wait3A = arith.constant 0 : i32
      %dma_wait3A_22 = tpu.memref_slice %arg8[%scan3A_16, %dma_wait3A] : memref<79x128xi32, #tpu.memory_space<vmem>> -> memref<1x128xi32, #tpu.memory_space<vmem>>
      %dma_wait3A_23 = tpu.memref_squeeze %dma_wait3A_22 : memref<1x128xi32, #tpu.memory_space<vmem>> -> memref<128xi32, #tpu.memory_space<vmem>>
      %dma_wait3A_24 = arith.constant 0 : i32
      %dma_wait3A_25 = arith.constant 0 : i32
      %dma_wait3A_26 = tpu.memref_slice %arg2[%dma_wait3A_24, %dma_wait3A_25] : memref<10752x128xf32, #tpu.memory_space<hbm>> -> memref<10752x128xf32, #tpu.memory_space<hbm>>
      tpu.wait_indirect_dma semaphore(%arg12 : memref<!tpu.dma_semaphore, #tpu.memory_space<semaphore_mem>>) src(%dma_wait3A_26 : memref<10752x128xf32, #tpu.memory_space<hbm>>) dst(%arg10 : memref<128x128xf32, #tpu.memory_space<vmem>>)
      "tpu.region"() ({
        %run_scoped3A = tpu.sem_alloc : memref<!tpu.dma_semaphore, #tpu.memory_space<semaphore_mem>>
        %dma_start3A_27 = arith.constant 0 : i32
        %dma_start3A_28 = tpu.memref_slice %arg9[%scan3A_16, %dma_start3A_27] : memref<79x128xi32, #tpu.memory_space<vmem>> -> memref<1x128xi32, #tpu.memory_space<vmem>>
        %dma_start3A_29 = tpu.memref_squeeze %dma_start3A_28 : memref<1x128xi32, #tpu.memory_space<vmem>> -> memref<128xi32, #tpu.memory_space<vmem>>
        %dma_start3A_30 = arith.constant 0 : i32
        %dma_start3A_31 = arith.constant 0 : i32
        %dma_start3A_32 = tpu.memref_slice %arg11[%dma_start3A_30, %dma_start3A_31] : memref<10752x128xf32, #tpu.memory_space<vmem_shared>> -> memref<10752x128xf32, #tpu.memory_space<vmem_shared>>
        tpu.enqueue_indirect_dma source(%arg10 : memref<128x128xf32, #tpu.memory_space<vmem>>) target(%dma_start3A_32 : memref<10752x128xf32, #tpu.memory_space<vmem_shared>>) offsets(%dma_start3A_29 : memref<128xi32, #tpu.memory_space<vmem>>) semaphore(%run_scoped3A : memref<!tpu.dma_semaphore, #tpu.memory_space<semaphore_mem>>) {add = true}
        %dma_wait3A_33 = arith.constant 0 : i32
        %dma_wait3A_34 = tpu.memref_slice %arg9[%scan3A_16, %dma_wait3A_33] : memref<79x128xi32, #tpu.memory_space<vmem>> -> memref<1x128xi32, #tpu.memory_space<vmem>>
        %dma_wait3A_35 = tpu.memref_squeeze %dma_wait3A_34 : memref<1x128xi32, #tpu.memory_space<vmem>> -> memref<128xi32, #tpu.memory_space<vmem>>
        %dma_wait3A_36 = arith.constant 0 : i32
        %dma_wait3A_37 = arith.constant 0 : i32
        %dma_wait3A_38 = tpu.memref_slice %arg11[%dma_wait3A_36, %dma_wait3A_37] : memref<10752x128xf32, #tpu.memory_space<vmem_shared>> -> memref<10752x128xf32, #tpu.memory_space<vmem_shared>>
        tpu.wait_indirect_dma semaphore(%run_scoped3A : memref<!tpu.dma_semaphore, #tpu.memory_space<semaphore_mem>>) src(%arg10 : memref<128x128xf32, #tpu.memory_space<vmem>>) dst(%dma_wait3A_38 : memref<10752x128xf32, #tpu.memory_space<vmem_shared>>)
        tpu.yield
      }) : () -> ()
    }
    %scan3A_14 = arith.constant 79 : i32
    %barrier3A_15 = arith.constant 0 : index
    tpu.barrier barrier_id(%barrier3A_15)
    "tpu.region"() ({
      %run_scoped3A = tpu.sem_alloc : memref<!tpu.dma_semaphore, #tpu.memory_space<semaphore_mem>>
      %dma_start3A = arith.constant 0 : i32
      %dma_start3A_16 = arith.constant 0 : i32
      %dma_start3A_17 = tpu.memref_slice %arg7[%arg0, %dma_start3A, %dma_start3A_16] : memref<2x10752x128xf32, #tpu.memory_space<hbm>> -> memref<1x10752x128xf32, #tpu.memory_space<hbm>>
      %dma_start3A_18 = tpu.memref_squeeze %dma_start3A_17 : memref<1x10752x128xf32, #tpu.memory_space<hbm>> -> memref<10752x128xf32, #tpu.memory_space<hbm>>
      %dma_start3A_19 = arith.constant 0 : i32
      %dma_start3A_20 = tpu.memref_slice %dma_start3A_18[%mul3A_2, %dma_start3A_19] : memref<10752x128xf32, #tpu.memory_space<hbm>> -> memref<672x128xf32, #tpu.memory_space<hbm>>
      %dma_start3A_21 = arith.constant 0 : i32
      %dma_start3A_22 = tpu.memref_slice %arg11[%mul3A_2, %dma_start3A_21] : memref<10752x128xf32, #tpu.memory_space<vmem_shared>> -> memref<672x128xf32, #tpu.memory_space<vmem_shared>>
      tpu.enqueue_dma source(%dma_start3A_22 : memref<672x128xf32, #tpu.memory_space<vmem_shared>>) target(%dma_start3A_20 : memref<672x128xf32, #tpu.memory_space<hbm>>) target_semaphore(%run_scoped3A : memref<!tpu.dma_semaphore, #tpu.memory_space<semaphore_mem>>)
      %dma_wait3A = arith.constant 0 : i32
      %dma_wait3A_23 = arith.constant 0 : i32
      %dma_wait3A_24 = tpu.memref_slice %arg7[%arg0, %dma_wait3A, %dma_wait3A_23] : memref<2x10752x128xf32, #tpu.memory_space<hbm>> -> memref<1x10752x128xf32, #tpu.memory_space<hbm>>
      %dma_wait3A_25 = tpu.memref_squeeze %dma_wait3A_24 : memref<1x10752x128xf32, #tpu.memory_space<hbm>> -> memref<10752x128xf32, #tpu.memory_space<hbm>>
      %dma_wait3A_26 = arith.constant 0 : i32
      %dma_wait3A_27 = tpu.memref_slice %dma_wait3A_25[%mul3A_2, %dma_wait3A_26] : memref<10752x128xf32, #tpu.memory_space<hbm>> -> memref<672x128xf32, #tpu.memory_space<hbm>>
      %dma_wait3A_28 = arith.constant 0 : i32
      %dma_wait3A_29 = tpu.memref_slice %arg11[%mul3A_2, %dma_wait3A_28] : memref<10752x128xf32, #tpu.memory_space<vmem_shared>> -> memref<672x128xf32, #tpu.memory_space<vmem_shared>>
      tpu.wait_dma2 semaphore(%run_scoped3A : memref<!tpu.dma_semaphore, #tpu.memory_space<semaphore_mem>>) src(%dma_wait3A_29 : memref<672x128xf32, #tpu.memory_space<vmem_shared>>) dst(%dma_wait3A_27 : memref<672x128xf32, #tpu.memory_space<hbm>>)
      tpu.yield
    }) : () -> ()
    return
  }
}

#map = affine_map<(d0, d1) -> (0, 0)>
#map1 = affine_map<(d0, d1) -> (0, 0, 0)>
module attributes {stable_mosaic.version = 14 : i64} {
  func.func @body(%arg0: i32, %arg1: i32, %arg2: memref<10752x128xf32, #tpu.memory_space<hbm>>, %arg3: memref<10752x128xf32, #tpu.memory_space<hbm>>, %arg4: memref<10752x128xf32, #tpu.memory_space<hbm>>, %arg5: memref<32x79x128xi32, #tpu.memory_space<hbm>>, %arg6: memref<32x79x128xi32, #tpu.memory_space<hbm>>, %arg7: memref<2x10752x128xf32, #tpu.memory_space<hbm>>, %arg8: memref<79x128xi32, #tpu.memory_space<vmem>>, %arg9: memref<79x128xi32, #tpu.memory_space<vmem>>, %arg10: memref<128x128xf32, #tpu.memory_space<vmem>>, %arg11: memref<10752x128xf32, #tpu.memory_space<vmem_shared>>, %arg12: memref<!tpu.dma_semaphore, #tpu.memory_space<semaphore_mem>>) attributes {dimension_semantics = [#tpu.dimension_semantics<core_parallel>, #tpu.dimension_semantics<subcore_parallel>], iteration_bounds = array<i64: 2, 16>, scalar_prefetch = 0 : i64, scratch_operands = 5 : i64, tpu.core_type = #tpu.core_type<sc_vector_subcore>, window_params = [{transform_indices = #map}, {transform_indices = #map}, {transform_indices = #map}, {transform_indices = #map1}, {transform_indices = #map1}, {transform_indices = #map1}]} {
    %mul3A = arith.constant 2 : i32
    %mul3A_0 = arith.muli %arg1, %mul3A : i32
    %add3A = arith.addi %mul3A_0, %arg0 : i32
    %mul3A_1 = arith.constant 672 : i32
    %mul3A_2 = arith.muli %arg1, %mul3A_1 : i32
    %eq3A = arith.constant 0 : i32
    %eq3A_3 = arith.cmpi eq, %arg0, %eq3A : i32
    %convert_element_type3A = arith.extui %eq3A_3 : i1 to i32
    %cond3A = arith.constant 0 : i32
    %cond3A_4 = arith.cmpi ne, %convert_element_type3A, %cond3A : i32
    scf.if %cond3A_4 {
      "tpu.region"() ({
        %run_scoped3A = tpu.sem_alloc : memref<!tpu.dma_semaphore, #tpu.memory_space<semaphore_mem>>
        %dma_start3A = arith.constant 0 : i32
        %dma_start3A_16 = tpu.memref_slice %arg11[%mul3A_2, %dma_start3A] : memref<10752x128xf32, #tpu.memory_space<vmem_shared>> -> memref<672x128xf32, #tpu.memory_space<vmem_shared>>
        %dma_start3A_17 = arith.constant 0 : i32
        %dma_start3A_18 = tpu.memref_slice %arg3[%mul3A_2, %dma_start3A_17] : memref<10752x128xf32, #tpu.memory_space<hbm>> -> memref<672x128xf32, #tpu.memory_space<hbm>>
        tpu.enqueue_dma source(%dma_start3A_18 : memref<672x128xf32, #tpu.memory_space<hbm>>) target(%dma_start3A_16 : memref<672x128xf32, #tpu.memory_space<vmem_shared>>) target_semaphore(%run_scoped3A : memref<!tpu.dma_semaphore, #tpu.memory_space<semaphore_mem>>)
        %dma_wait3A = arith.constant 0 : i32
        %dma_wait3A_19 = tpu.memref_slice %arg11[%mul3A_2, %dma_wait3A] : memref<10752x128xf32, #tpu.memory_space<vmem_shared>> -> memref<672x128xf32, #tpu.memory_space<vmem_shared>>
        %dma_wait3A_20 = arith.constant 0 : i32
        %dma_wait3A_21 = tpu.memref_slice %arg3[%mul3A_2, %dma_wait3A_20] : memref<10752x128xf32, #tpu.memory_space<hbm>> -> memref<672x128xf32, #tpu.memory_space<hbm>>
        tpu.wait_dma2 semaphore(%run_scoped3A : memref<!tpu.dma_semaphore, #tpu.memory_space<semaphore_mem>>) src(%dma_wait3A_21 : memref<672x128xf32, #tpu.memory_space<hbm>>) dst(%dma_wait3A_19 : memref<672x128xf32, #tpu.memory_space<vmem_shared>>)
        tpu.yield
      }) : () -> ()
    } else {
    }
    %eq3A_5 = arith.constant 1 : i32
    %eq3A_6 = arith.cmpi eq, %arg0, %eq3A_5 : i32
    %convert_element_type3A_7 = arith.extui %eq3A_6 : i1 to i32
    %cond3A_8 = arith.constant 0 : i32
    %cond3A_9 = arith.cmpi ne, %convert_element_type3A_7, %cond3A_8 : i32
    scf.if %cond3A_9 {
      "tpu.region"() ({
        %run_scoped3A = tpu.sem_alloc : memref<!tpu.dma_semaphore, #tpu.memory_space<semaphore_mem>>
        %dma_start3A = arith.constant 0 : i32
        %dma_start3A_16 = tpu.memref_slice %arg11[%mul3A_2, %dma_start3A] : memref<10752x128xf32, #tpu.memory_space<vmem_shared>> -> memref<672x128xf32, #tpu.memory_space<vmem_shared>>
        %dma_start3A_17 = arith.constant 0 : i32
        %dma_start3A_18 = tpu.memref_slice %arg4[%mul3A_2, %dma_start3A_17] : memref<10752x128xf32, #tpu.memory_space<hbm>> -> memref<672x128xf32, #tpu.memory_space<hbm>>
        tpu.enqueue_dma source(%dma_start3A_18 : memref<672x128xf32, #tpu.memory_space<hbm>>) target(%dma_start3A_16 : memref<672x128xf32, #tpu.memory_space<vmem_shared>>) target_semaphore(%run_scoped3A : memref<!tpu.dma_semaphore, #tpu.memory_space<semaphore_mem>>)
        %dma_wait3A = arith.constant 0 : i32
        %dma_wait3A_19 = tpu.memref_slice %arg11[%mul3A_2, %dma_wait3A] : memref<10752x128xf32, #tpu.memory_space<vmem_shared>> -> memref<672x128xf32, #tpu.memory_space<vmem_shared>>
        %dma_wait3A_20 = arith.constant 0 : i32
        %dma_wait3A_21 = tpu.memref_slice %arg4[%mul3A_2, %dma_wait3A_20] : memref<10752x128xf32, #tpu.memory_space<hbm>> -> memref<672x128xf32, #tpu.memory_space<hbm>>
        tpu.wait_dma2 semaphore(%run_scoped3A : memref<!tpu.dma_semaphore, #tpu.memory_space<semaphore_mem>>) src(%dma_wait3A_21 : memref<672x128xf32, #tpu.memory_space<hbm>>) dst(%dma_wait3A_19 : memref<672x128xf32, #tpu.memory_space<vmem_shared>>)
        tpu.yield
      }) : () -> ()
    } else {
    }
    "tpu.region"() ({
      %run_scoped3A = tpu.sem_alloc : memref<!tpu.dma_semaphore, #tpu.memory_space<semaphore_mem>>
      %dma_start3A = arith.constant 0 : i32
      %dma_start3A_16 = arith.constant 0 : i32
      %dma_start3A_17 = tpu.memref_slice %arg5[%add3A, %dma_start3A, %dma_start3A_16] : memref<32x79x128xi32, #tpu.memory_space<hbm>> -> memref<1x79x128xi32, #tpu.memory_space<hbm>>
      %dma_start3A_18 = tpu.memref_squeeze %dma_start3A_17 : memref<1x79x128xi32, #tpu.memory_space<hbm>> -> memref<79x128xi32, #tpu.memory_space<hbm>>
      %dma_start3A_19 = arith.constant 0 : i32
      %dma_start3A_20 = arith.constant 0 : i32
      %dma_start3A_21 = tpu.memref_slice %arg5[%add3A, %dma_start3A_19, %dma_start3A_20] : memref<32x79x128xi32, #tpu.memory_space<hbm>> -> memref<1x79x128xi32, #tpu.memory_space<hbm>>
      %dma_start3A_22 = tpu.memref_squeeze %dma_start3A_21 : memref<1x79x128xi32, #tpu.memory_space<hbm>> -> memref<79x128xi32, #tpu.memory_space<hbm>>
      tpu.enqueue_dma source(%dma_start3A_22 : memref<79x128xi32, #tpu.memory_space<hbm>>) target(%arg8 : memref<79x128xi32, #tpu.memory_space<vmem>>) target_semaphore(%run_scoped3A : memref<!tpu.dma_semaphore, #tpu.memory_space<semaphore_mem>>)
      %dma_wait3A = arith.constant 0 : i32
      %dma_wait3A_23 = arith.constant 0 : i32
      %dma_wait3A_24 = tpu.memref_slice %arg5[%add3A, %dma_wait3A, %dma_wait3A_23] : memref<32x79x128xi32, #tpu.memory_space<hbm>> -> memref<1x79x128xi32, #tpu.memory_space<hbm>>
      %dma_wait3A_25 = tpu.memref_squeeze %dma_wait3A_24 : memref<1x79x128xi32, #tpu.memory_space<hbm>> -> memref<79x128xi32, #tpu.memory_space<hbm>>
      %dma_wait3A_26 = arith.constant 0 : i32
      %dma_wait3A_27 = arith.constant 0 : i32
      %dma_wait3A_28 = tpu.memref_slice %arg5[%add3A, %dma_wait3A_26, %dma_wait3A_27] : memref<32x79x128xi32, #tpu.memory_space<hbm>> -> memref<1x79x128xi32, #tpu.memory_space<hbm>>
      %dma_wait3A_29 = tpu.memref_squeeze %dma_wait3A_28 : memref<1x79x128xi32, #tpu.memory_space<hbm>> -> memref<79x128xi32, #tpu.memory_space<hbm>>
      tpu.wait_dma2 semaphore(%run_scoped3A : memref<!tpu.dma_semaphore, #tpu.memory_space<semaphore_mem>>) src(%dma_wait3A_29 : memref<79x128xi32, #tpu.memory_space<hbm>>) dst(%arg8 : memref<79x128xi32, #tpu.memory_space<vmem>>)
      tpu.yield
    }) : () -> ()
    "tpu.region"() ({
      %run_scoped3A = tpu.sem_alloc : memref<!tpu.dma_semaphore, #tpu.memory_space<semaphore_mem>>
      %dma_start3A = arith.constant 0 : i32
      %dma_start3A_16 = arith.constant 0 : i32
      %dma_start3A_17 = tpu.memref_slice %arg6[%add3A, %dma_start3A, %dma_start3A_16] : memref<32x79x128xi32, #tpu.memory_space<hbm>> -> memref<1x79x128xi32, #tpu.memory_space<hbm>>
      %dma_start3A_18 = tpu.memref_squeeze %dma_start3A_17 : memref<1x79x128xi32, #tpu.memory_space<hbm>> -> memref<79x128xi32, #tpu.memory_space<hbm>>
      %dma_start3A_19 = arith.constant 0 : i32
      %dma_start3A_20 = arith.constant 0 : i32
      %dma_start3A_21 = tpu.memref_slice %arg6[%add3A, %dma_start3A_19, %dma_start3A_20] : memref<32x79x128xi32, #tpu.memory_space<hbm>> -> memref<1x79x128xi32, #tpu.memory_space<hbm>>
      %dma_start3A_22 = tpu.memref_squeeze %dma_start3A_21 : memref<1x79x128xi32, #tpu.memory_space<hbm>> -> memref<79x128xi32, #tpu.memory_space<hbm>>
      tpu.enqueue_dma source(%dma_start3A_22 : memref<79x128xi32, #tpu.memory_space<hbm>>) target(%arg9 : memref<79x128xi32, #tpu.memory_space<vmem>>) target_semaphore(%run_scoped3A : memref<!tpu.dma_semaphore, #tpu.memory_space<semaphore_mem>>)
      %dma_wait3A = arith.constant 0 : i32
      %dma_wait3A_23 = arith.constant 0 : i32
      %dma_wait3A_24 = tpu.memref_slice %arg6[%add3A, %dma_wait3A, %dma_wait3A_23] : memref<32x79x128xi32, #tpu.memory_space<hbm>> -> memref<1x79x128xi32, #tpu.memory_space<hbm>>
      %dma_wait3A_25 = tpu.memref_squeeze %dma_wait3A_24 : memref<1x79x128xi32, #tpu.memory_space<hbm>> -> memref<79x128xi32, #tpu.memory_space<hbm>>
      %dma_wait3A_26 = arith.constant 0 : i32
      %dma_wait3A_27 = arith.constant 0 : i32
      %dma_wait3A_28 = tpu.memref_slice %arg6[%add3A, %dma_wait3A_26, %dma_wait3A_27] : memref<32x79x128xi32, #tpu.memory_space<hbm>> -> memref<1x79x128xi32, #tpu.memory_space<hbm>>
      %dma_wait3A_29 = tpu.memref_squeeze %dma_wait3A_28 : memref<1x79x128xi32, #tpu.memory_space<hbm>> -> memref<79x128xi32, #tpu.memory_space<hbm>>
      tpu.wait_dma2 semaphore(%run_scoped3A : memref<!tpu.dma_semaphore, #tpu.memory_space<semaphore_mem>>) src(%dma_wait3A_29 : memref<79x128xi32, #tpu.memory_space<hbm>>) dst(%arg9 : memref<79x128xi32, #tpu.memory_space<vmem>>)
      tpu.yield
    }) : () -> ()
    %barrier3A = arith.constant 0 : index
    tpu.barrier barrier_id(%barrier3A)
    %scan3A = arith.constant 0 : i32
    %scan3A_10 = arith.constant 0 : i32
    %scan3A_11 = arith.constant 79 : i32
    %scan3A_12 = arith.addi %scan3A_10, %scan3A_11 : i32
    %scan3A_13 = arith.constant 1 : i32
    scf.for %scan3A_16 = %scan3A_10 to %scan3A_12 step %scan3A_13  : i32 {
      %dma_start3A = arith.constant 0 : i32
      %dma_start3A_17 = tpu.memref_slice %arg8[%scan3A_16, %dma_start3A] : memref<79x128xi32, #tpu.memory_space<vmem>> -> memref<1x128xi32, #tpu.memory_space<vmem>>
      %dma_start3A_18 = tpu.memref_squeeze %dma_start3A_17 : memref<1x128xi32, #tpu.memory_space<vmem>> -> memref<128xi32, #tpu.memory_space<vmem>>
      %dma_start3A_19 = arith.constant 0 : i32
      %dma_start3A_20 = arith.constant 0 : i32
      %dma_start3A_21 = tpu.memref_slice %arg2[%dma_start3A_19, %dma_start3A_20] : memref<10752x128xf32, #tpu.memory_space<hbm>> -> memref<10752x128xf32, #tpu.memory_space<hbm>>
      tpu.enqueue_indirect_dma source(%dma_start3A_21 : memref<10752x128xf32, #tpu.memory_space<hbm>>) target(%arg10 : memref<128x128xf32, #tpu.memory_space<vmem>>) offsets(%dma_start3A_18 : memref<128xi32, #tpu.memory_space<vmem>>) semaphore(%arg12 : memref<!tpu.dma_semaphore, #tpu.memory_space<semaphore_mem>>)
      %dma_wait3A = arith.constant 0 : i32
      %dma_wait3A_22 = tpu.memref_slice %arg8[%scan3A_16, %dma_wait3A] : memref<79x128xi32, #tpu.memory_space<vmem>> -> memref<1x128xi32, #tpu.memory_space<vmem>>
      %dma_wait3A_23 = tpu.memref_squeeze %dma_wait3A_22 : memref<1x128xi32, #tpu.memory_space<vmem>> -> memref<128xi32, #tpu.memory_space<vmem>>
      %dma_wait3A_24 = arith.constant 0 : i32
      %dma_wait3A_25 = arith.constant 0 : i32
      %dma_wait3A_26 = tpu.memref_slice %arg2[%dma_wait3A_24, %dma_wait3A_25] : memref<10752x128xf32, #tpu.memory_space<hbm>> -> memref<10752x128xf32, #tpu.memory_space<hbm>>
      tpu.wait_indirect_dma semaphore(%arg12 : memref<!tpu.dma_semaphore, #tpu.memory_space<semaphore_mem>>) src(%dma_wait3A_26 : memref<10752x128xf32, #tpu.memory_space<hbm>>) dst(%arg10 : memref<128x128xf32, #tpu.memory_space<vmem>>)
      "tpu.region"() ({
        %run_scoped3A = tpu.sem_alloc : memref<!tpu.dma_semaphore, #tpu.memory_space<semaphore_mem>>
        %dma_start3A_27 = arith.constant 0 : i32
        %dma_start3A_28 = tpu.memref_slice %arg9[%scan3A_16, %dma_start3A_27] : memref<79x128xi32, #tpu.memory_space<vmem>> -> memref<1x128xi32, #tpu.memory_space<vmem>>
        %dma_start3A_29 = tpu.memref_squeeze %dma_start3A_28 : memref<1x128xi32, #tpu.memory_space<vmem>> -> memref<128xi32, #tpu.memory_space<vmem>>
        %dma_start3A_30 = arith.constant 0 : i32
        %dma_start3A_31 = arith.constant 0 : i32
        %dma_start3A_32 = tpu.memref_slice %arg11[%dma_start3A_30, %dma_start3A_31] : memref<10752x128xf32, #tpu.memory_space<vmem_shared>> -> memref<10752x128xf32, #tpu.memory_space<vmem_shared>>
        tpu.enqueue_indirect_dma source(%arg10 : memref<128x128xf32, #tpu.memory_space<vmem>>) target(%dma_start3A_32 : memref<10752x128xf32, #tpu.memory_space<vmem_shared>>) offsets(%dma_start3A_29 : memref<128xi32, #tpu.memory_space<vmem>>) semaphore(%run_scoped3A : memref<!tpu.dma_semaphore, #tpu.memory_space<semaphore_mem>>) {add = true}
        %dma_wait3A_33 = arith.constant 0 : i32
        %dma_wait3A_34 = tpu.memref_slice %arg9[%scan3A_16, %dma_wait3A_33] : memref<79x128xi32, #tpu.memory_space<vmem>> -> memref<1x128xi32, #tpu.memory_space<vmem>>
        %dma_wait3A_35 = tpu.memref_squeeze %dma_wait3A_34 : memref<1x128xi32, #tpu.memory_space<vmem>> -> memref<128xi32, #tpu.memory_space<vmem>>
        %dma_wait3A_36 = arith.constant 0 : i32
        %dma_wait3A_37 = arith.constant 0 : i32
        %dma_wait3A_38 = tpu.memref_slice %arg11[%dma_wait3A_36, %dma_wait3A_37] : memref<10752x128xf32, #tpu.memory_space<vmem_shared>> -> memref<10752x128xf32, #tpu.memory_space<vmem_shared>>
        tpu.wait_indirect_dma semaphore(%run_scoped3A : memref<!tpu.dma_semaphore, #tpu.memory_space<semaphore_mem>>) src(%arg10 : memref<128x128xf32, #tpu.memory_space<vmem>>) dst(%dma_wait3A_38 : memref<10752x128xf32, #tpu.memory_space<vmem_shared>>)
        tpu.yield
      }) : () -> ()
    }
    %scan3A_14 = arith.constant 79 : i32
    %barrier3A_15 = arith.constant 0 : index
    tpu.barrier barrier_id(%barrier3A_15)
    "tpu.region"() ({
      %run_scoped3A = tpu.sem_alloc : memref<!tpu.dma_semaphore, #tpu.memory_space<semaphore_mem>>
      %dma_start3A = arith.constant 0 : i32
      %dma_start3A_16 = arith.constant 0 : i32
      %dma_start3A_17 = tpu.memref_slice %arg7[%arg0, %dma_start3A, %dma_start3A_16] : memref<2x10752x128xf32, #tpu.memory_space<hbm>> -> memref<1x10752x128xf32, #tpu.memory_space<hbm>>
      %dma_start3A_18 = tpu.memref_squeeze %dma_start3A_17 : memref<1x10752x128xf32, #tpu.memory_space<hbm>> -> memref<10752x128xf32, #tpu.memory_space<hbm>>
      %dma_start3A_19 = arith.constant 0 : i32
      %dma_start3A_20 = tpu.memref_slice %dma_start3A_18[%mul3A_2, %dma_start3A_19] : memref<10752x128xf32, #tpu.memory_space<hbm>> -> memref<672x128xf32, #tpu.memory_space<hbm>>
      %dma_start3A_21 = arith.constant 0 : i32
      %dma_start3A_22 = tpu.memref_slice %arg11[%mul3A_2, %dma_start3A_21] : memref<10752x128xf32, #tpu.memory_space<vmem_shared>> -> memref<672x128xf32, #tpu.memory_space<vmem_shared>>
      tpu.enqueue_dma source(%dma_start3A_22 : memref<672x128xf32, #tpu.memory_space<vmem_shared>>) target(%dma_start3A_20 : memref<672x128xf32, #tpu.memory_space<hbm>>) target_semaphore(%run_scoped3A : memref<!tpu.dma_semaphore, #tpu.memory_space<semaphore_mem>>)
      %dma_wait3A = arith.constant 0 : i32
      %dma_wait3A_23 = arith.constant 0 : i32
      %dma_wait3A_24 = tpu.memref_slice %arg7[%arg0, %dma_wait3A, %dma_wait3A_23] : memref<2x10752x128xf32, #tpu.memory_space<hbm>> -> memref<1x10752x128xf32, #tpu.memory_space<hbm>>
      %dma_wait3A_25 = tpu.memref_squeeze %dma_wait3A_24 : memref<1x10752x128xf32, #tpu.memory_space<hbm>> -> memref<10752x128xf32, #tpu.memory_space<hbm>>
      %dma_wait3A_26 = arith.constant 0 : i32
      %dma_wait3A_27 = tpu.memref_slice %dma_wait3A_25[%mul3A_2, %dma_wait3A_26] : memref<10752x128xf32, #tpu.memory_space<hbm>> -> memref<672x128xf32, #tpu.memory_space<hbm>>
      %dma_wait3A_28 = arith.constant 0 : i32
      %dma_wait3A_29 = tpu.memref_slice %arg11[%mul3A_2, %dma_wait3A_28] : memref<10752x128xf32, #tpu.memory_space<vmem_shared>> -> memref<672x128xf32, #tpu.memory_space<vmem_shared>>
      tpu.wait_dma2 semaphore(%run_scoped3A : memref<!tpu.dma_semaphore, #tpu.memory_space<semaphore_mem>>) src(%dma_wait3A_29 : memref<672x128xf32, #tpu.memory_space<vmem_shared>>) dst(%dma_wait3A_27 : memref<672x128xf32, #tpu.memory_space<hbm>>)
      tpu.yield
    }) : () -> ()
    return
  }
}

#map = affine_map<(d0, d1) -> (0, 0)>
#map1 = affine_map<(d0, d1) -> (0, 0, 0)>
module attributes {stable_mosaic.version = 14 : i64} {
  func.func @body(%arg0: i32, %arg1: i32, %arg2: memref<10752x128xf32, #tpu.memory_space<hbm>>, %arg3: memref<10752x128xf32, #tpu.memory_space<hbm>>, %arg4: memref<10752x128xf32, #tpu.memory_space<hbm>>, %arg5: memref<32x79x128xi32, #tpu.memory_space<hbm>>, %arg6: memref<32x79x128xi32, #tpu.memory_space<hbm>>, %arg7: memref<2x10752x128xf32, #tpu.memory_space<hbm>>, %arg8: memref<79x128xi32, #tpu.memory_space<vmem>>, %arg9: memref<79x128xi32, #tpu.memory_space<vmem>>, %arg10: memref<128x128xf32, #tpu.memory_space<vmem>>, %arg11: memref<10752x128xf32, #tpu.memory_space<vmem_shared>>, %arg12: memref<!tpu.dma_semaphore, #tpu.memory_space<semaphore_mem>>) attributes {dimension_semantics = [#tpu.dimension_semantics<core_parallel>, #tpu.dimension_semantics<subcore_parallel>], iteration_bounds = array<i64: 2, 16>, scalar_prefetch = 0 : i64, scratch_operands = 5 : i64, tpu.core_type = #tpu.core_type<sc_vector_subcore>, window_params = [{transform_indices = #map}, {transform_indices = #map}, {transform_indices = #map}, {transform_indices = #map1}, {transform_indices = #map1}, {transform_indices = #map1}]} {
    %mul3A = arith.constant 2 : i32
    %mul3A_0 = arith.muli %arg1, %mul3A : i32
    %add3A = arith.addi %mul3A_0, %arg0 : i32
    %mul3A_1 = arith.constant 672 : i32
    %mul3A_2 = arith.muli %arg1, %mul3A_1 : i32
    %eq3A = arith.constant 0 : i32
    %eq3A_3 = arith.cmpi eq, %arg0, %eq3A : i32
    %convert_element_type3A = arith.extui %eq3A_3 : i1 to i32
    %cond3A = arith.constant 0 : i32
    %cond3A_4 = arith.cmpi ne, %convert_element_type3A, %cond3A : i32
    scf.if %cond3A_4 {
      "tpu.region"() ({
        %run_scoped3A = tpu.sem_alloc : memref<!tpu.dma_semaphore, #tpu.memory_space<semaphore_mem>>
        %dma_start3A = arith.constant 0 : i32
        %dma_start3A_16 = tpu.memref_slice %arg11[%mul3A_2, %dma_start3A] : memref<10752x128xf32, #tpu.memory_space<vmem_shared>> -> memref<672x128xf32, #tpu.memory_space<vmem_shared>>
        %dma_start3A_17 = arith.constant 0 : i32
        %dma_start3A_18 = tpu.memref_slice %arg3[%mul3A_2, %dma_start3A_17] : memref<10752x128xf32, #tpu.memory_space<hbm>> -> memref<672x128xf32, #tpu.memory_space<hbm>>
        tpu.enqueue_dma source(%dma_start3A_18 : memref<672x128xf32, #tpu.memory_space<hbm>>) target(%dma_start3A_16 : memref<672x128xf32, #tpu.memory_space<vmem_shared>>) target_semaphore(%run_scoped3A : memref<!tpu.dma_semaphore, #tpu.memory_space<semaphore_mem>>)
        %dma_wait3A = arith.constant 0 : i32
        %dma_wait3A_19 = tpu.memref_slice %arg11[%mul3A_2, %dma_wait3A] : memref<10752x128xf32, #tpu.memory_space<vmem_shared>> -> memref<672x128xf32, #tpu.memory_space<vmem_shared>>
        %dma_wait3A_20 = arith.constant 0 : i32
        %dma_wait3A_21 = tpu.memref_slice %arg3[%mul3A_2, %dma_wait3A_20] : memref<10752x128xf32, #tpu.memory_space<hbm>> -> memref<672x128xf32, #tpu.memory_space<hbm>>
        tpu.wait_dma2 semaphore(%run_scoped3A : memref<!tpu.dma_semaphore, #tpu.memory_space<semaphore_mem>>) src(%dma_wait3A_21 : memref<672x128xf32, #tpu.memory_space<hbm>>) dst(%dma_wait3A_19 : memref<672x128xf32, #tpu.memory_space<vmem_shared>>)
        tpu.yield
      }) : () -> ()
    } else {
    }
    %eq3A_5 = arith.constant 1 : i32
    %eq3A_6 = arith.cmpi eq, %arg0, %eq3A_5 : i32
    %convert_element_type3A_7 = arith.extui %eq3A_6 : i1 to i32
    %cond3A_8 = arith.constant 0 : i32
    %cond3A_9 = arith.cmpi ne, %convert_element_type3A_7, %cond3A_8 : i32
    scf.if %cond3A_9 {
      "tpu.region"() ({
        %run_scoped3A = tpu.sem_alloc : memref<!tpu.dma_semaphore, #tpu.memory_space<semaphore_mem>>
        %dma_start3A = arith.constant 0 : i32
        %dma_start3A_16 = tpu.memref_slice %arg11[%mul3A_2, %dma_start3A] : memref<10752x128xf32, #tpu.memory_space<vmem_shared>> -> memref<672x128xf32, #tpu.memory_space<vmem_shared>>
        %dma_start3A_17 = arith.constant 0 : i32
        %dma_start3A_18 = tpu.memref_slice %arg4[%mul3A_2, %dma_start3A_17] : memref<10752x128xf32, #tpu.memory_space<hbm>> -> memref<672x128xf32, #tpu.memory_space<hbm>>
        tpu.enqueue_dma source(%dma_start3A_18 : memref<672x128xf32, #tpu.memory_space<hbm>>) target(%dma_start3A_16 : memref<672x128xf32, #tpu.memory_space<vmem_shared>>) target_semaphore(%run_scoped3A : memref<!tpu.dma_semaphore, #tpu.memory_space<semaphore_mem>>)
        %dma_wait3A = arith.constant 0 : i32
        %dma_wait3A_19 = tpu.memref_slice %arg11[%mul3A_2, %dma_wait3A] : memref<10752x128xf32, #tpu.memory_space<vmem_shared>> -> memref<672x128xf32, #tpu.memory_space<vmem_shared>>
        %dma_wait3A_20 = arith.constant 0 : i32
        %dma_wait3A_21 = tpu.memref_slice %arg4[%mul3A_2, %dma_wait3A_20] : memref<10752x128xf32, #tpu.memory_space<hbm>> -> memref<672x128xf32, #tpu.memory_space<hbm>>
        tpu.wait_dma2 semaphore(%run_scoped3A : memref<!tpu.dma_semaphore, #tpu.memory_space<semaphore_mem>>) src(%dma_wait3A_21 : memref<672x128xf32, #tpu.memory_space<hbm>>) dst(%dma_wait3A_19 : memref<672x128xf32, #tpu.memory_space<vmem_shared>>)
        tpu.yield
      }) : () -> ()
    } else {
    }
    "tpu.region"() ({
      %run_scoped3A = tpu.sem_alloc : memref<!tpu.dma_semaphore, #tpu.memory_space<semaphore_mem>>
      %dma_start3A = arith.constant 0 : i32
      %dma_start3A_16 = arith.constant 0 : i32
      %dma_start3A_17 = tpu.memref_slice %arg5[%add3A, %dma_start3A, %dma_start3A_16] : memref<32x79x128xi32, #tpu.memory_space<hbm>> -> memref<1x79x128xi32, #tpu.memory_space<hbm>>
      %dma_start3A_18 = tpu.memref_squeeze %dma_start3A_17 : memref<1x79x128xi32, #tpu.memory_space<hbm>> -> memref<79x128xi32, #tpu.memory_space<hbm>>
      %dma_start3A_19 = arith.constant 0 : i32
      %dma_start3A_20 = arith.constant 0 : i32
      %dma_start3A_21 = tpu.memref_slice %arg5[%add3A, %dma_start3A_19, %dma_start3A_20] : memref<32x79x128xi32, #tpu.memory_space<hbm>> -> memref<1x79x128xi32, #tpu.memory_space<hbm>>
      %dma_start3A_22 = tpu.memref_squeeze %dma_start3A_21 : memref<1x79x128xi32, #tpu.memory_space<hbm>> -> memref<79x128xi32, #tpu.memory_space<hbm>>
      tpu.enqueue_dma source(%dma_start3A_22 : memref<79x128xi32, #tpu.memory_space<hbm>>) target(%arg8 : memref<79x128xi32, #tpu.memory_space<vmem>>) target_semaphore(%run_scoped3A : memref<!tpu.dma_semaphore, #tpu.memory_space<semaphore_mem>>)
      %dma_wait3A = arith.constant 0 : i32
      %dma_wait3A_23 = arith.constant 0 : i32
      %dma_wait3A_24 = tpu.memref_slice %arg5[%add3A, %dma_wait3A, %dma_wait3A_23] : memref<32x79x128xi32, #tpu.memory_space<hbm>> -> memref<1x79x128xi32, #tpu.memory_space<hbm>>
      %dma_wait3A_25 = tpu.memref_squeeze %dma_wait3A_24 : memref<1x79x128xi32, #tpu.memory_space<hbm>> -> memref<79x128xi32, #tpu.memory_space<hbm>>
      %dma_wait3A_26 = arith.constant 0 : i32
      %dma_wait3A_27 = arith.constant 0 : i32
      %dma_wait3A_28 = tpu.memref_slice %arg5[%add3A, %dma_wait3A_26, %dma_wait3A_27] : memref<32x79x128xi32, #tpu.memory_space<hbm>> -> memref<1x79x128xi32, #tpu.memory_space<hbm>>
      %dma_wait3A_29 = tpu.memref_squeeze %dma_wait3A_28 : memref<1x79x128xi32, #tpu.memory_space<hbm>> -> memref<79x128xi32, #tpu.memory_space<hbm>>
      tpu.wait_dma2 semaphore(%run_scoped3A : memref<!tpu.dma_semaphore, #tpu.memory_space<semaphore_mem>>) src(%dma_wait3A_29 : memref<79x128xi32, #tpu.memory_space<hbm>>) dst(%arg8 : memref<79x128xi32, #tpu.memory_space<vmem>>)
      tpu.yield
    }) : () -> ()
    "tpu.region"() ({
      %run_scoped3A = tpu.sem_alloc : memref<!tpu.dma_semaphore, #tpu.memory_space<semaphore_mem>>
      %dma_start3A = arith.constant 0 : i32
      %dma_start3A_16 = arith.constant 0 : i32
      %dma_start3A_17 = tpu.memref_slice %arg6[%add3A, %dma_start3A, %dma_start3A_16] : memref<32x79x128xi32, #tpu.memory_space<hbm>> -> memref<1x79x128xi32, #tpu.memory_space<hbm>>
      %dma_start3A_18 = tpu.memref_squeeze %dma_start3A_17 : memref<1x79x128xi32, #tpu.memory_space<hbm>> -> memref<79x128xi32, #tpu.memory_space<hbm>>
      %dma_start3A_19 = arith.constant 0 : i32
      %dma_start3A_20 = arith.constant 0 : i32
      %dma_start3A_21 = tpu.memref_slice %arg6[%add3A, %dma_start3A_19, %dma_start3A_20] : memref<32x79x128xi32, #tpu.memory_space<hbm>> -> memref<1x79x128xi32, #tpu.memory_space<hbm>>
      %dma_start3A_22 = tpu.memref_squeeze %dma_start3A_21 : memref<1x79x128xi32, #tpu.memory_space<hbm>> -> memref<79x128xi32, #tpu.memory_space<hbm>>
      tpu.enqueue_dma source(%dma_start3A_22 : memref<79x128xi32, #tpu.memory_space<hbm>>) target(%arg9 : memref<79x128xi32, #tpu.memory_space<vmem>>) target_semaphore(%run_scoped3A : memref<!tpu.dma_semaphore, #tpu.memory_space<semaphore_mem>>)
      %dma_wait3A = arith.constant 0 : i32
      %dma_wait3A_23 = arith.constant 0 : i32
      %dma_wait3A_24 = tpu.memref_slice %arg6[%add3A, %dma_wait3A, %dma_wait3A_23] : memref<32x79x128xi32, #tpu.memory_space<hbm>> -> memref<1x79x128xi32, #tpu.memory_space<hbm>>
      %dma_wait3A_25 = tpu.memref_squeeze %dma_wait3A_24 : memref<1x79x128xi32, #tpu.memory_space<hbm>> -> memref<79x128xi32, #tpu.memory_space<hbm>>
      %dma_wait3A_26 = arith.constant 0 : i32
      %dma_wait3A_27 = arith.constant 0 : i32
      %dma_wait3A_28 = tpu.memref_slice %arg6[%add3A, %dma_wait3A_26, %dma_wait3A_27] : memref<32x79x128xi32, #tpu.memory_space<hbm>> -> memref<1x79x128xi32, #tpu.memory_space<hbm>>
      %dma_wait3A_29 = tpu.memref_squeeze %dma_wait3A_28 : memref<1x79x128xi32, #tpu.memory_space<hbm>> -> memref<79x128xi32, #tpu.memory_space<hbm>>
      tpu.wait_dma2 semaphore(%run_scoped3A : memref<!tpu.dma_semaphore, #tpu.memory_space<semaphore_mem>>) src(%dma_wait3A_29 : memref<79x128xi32, #tpu.memory_space<hbm>>) dst(%arg9 : memref<79x128xi32, #tpu.memory_space<vmem>>)
      tpu.yield
    }) : () -> ()
    %barrier3A = arith.constant 0 : index
    tpu.barrier barrier_id(%barrier3A)
    %scan3A = arith.constant 0 : i32
    %scan3A_10 = arith.constant 0 : i32
    %scan3A_11 = arith.constant 79 : i32
    %scan3A_12 = arith.addi %scan3A_10, %scan3A_11 : i32
    %scan3A_13 = arith.constant 1 : i32
    scf.for %scan3A_16 = %scan3A_10 to %scan3A_12 step %scan3A_13  : i32 {
      %dma_start3A = arith.constant 0 : i32
      %dma_start3A_17 = tpu.memref_slice %arg8[%scan3A_16, %dma_start3A] : memref<79x128xi32, #tpu.memory_space<vmem>> -> memref<1x128xi32, #tpu.memory_space<vmem>>
      %dma_start3A_18 = tpu.memref_squeeze %dma_start3A_17 : memref<1x128xi32, #tpu.memory_space<vmem>> -> memref<128xi32, #tpu.memory_space<vmem>>
      %dma_start3A_19 = arith.constant 0 : i32
      %dma_start3A_20 = arith.constant 0 : i32
      %dma_start3A_21 = tpu.memref_slice %arg2[%dma_start3A_19, %dma_start3A_20] : memref<10752x128xf32, #tpu.memory_space<hbm>> -> memref<10752x128xf32, #tpu.memory_space<hbm>>
      tpu.enqueue_indirect_dma source(%dma_start3A_21 : memref<10752x128xf32, #tpu.memory_space<hbm>>) target(%arg10 : memref<128x128xf32, #tpu.memory_space<vmem>>) offsets(%dma_start3A_18 : memref<128xi32, #tpu.memory_space<vmem>>) semaphore(%arg12 : memref<!tpu.dma_semaphore, #tpu.memory_space<semaphore_mem>>)
      %dma_wait3A = arith.constant 0 : i32
      %dma_wait3A_22 = tpu.memref_slice %arg8[%scan3A_16, %dma_wait3A] : memref<79x128xi32, #tpu.memory_space<vmem>> -> memref<1x128xi32, #tpu.memory_space<vmem>>
      %dma_wait3A_23 = tpu.memref_squeeze %dma_wait3A_22 : memref<1x128xi32, #tpu.memory_space<vmem>> -> memref<128xi32, #tpu.memory_space<vmem>>
      %dma_wait3A_24 = arith.constant 0 : i32
      %dma_wait3A_25 = arith.constant 0 : i32
      %dma_wait3A_26 = tpu.memref_slice %arg2[%dma_wait3A_24, %dma_wait3A_25] : memref<10752x128xf32, #tpu.memory_space<hbm>> -> memref<10752x128xf32, #tpu.memory_space<hbm>>
      tpu.wait_indirect_dma semaphore(%arg12 : memref<!tpu.dma_semaphore, #tpu.memory_space<semaphore_mem>>) src(%dma_wait3A_26 : memref<10752x128xf32, #tpu.memory_space<hbm>>) dst(%arg10 : memref<128x128xf32, #tpu.memory_space<vmem>>)
      "tpu.region"() ({
        %run_scoped3A = tpu.sem_alloc : memref<!tpu.dma_semaphore, #tpu.memory_space<semaphore_mem>>
        %dma_start3A_27 = arith.constant 0 : i32
        %dma_start3A_28 = tpu.memref_slice %arg9[%scan3A_16, %dma_start3A_27] : memref<79x128xi32, #tpu.memory_space<vmem>> -> memref<1x128xi32, #tpu.memory_space<vmem>>
        %dma_start3A_29 = tpu.memref_squeeze %dma_start3A_28 : memref<1x128xi32, #tpu.memory_space<vmem>> -> memref<128xi32, #tpu.memory_space<vmem>>
        %dma_start3A_30 = arith.constant 0 : i32
        %dma_start3A_31 = arith.constant 0 : i32
        %dma_start3A_32 = tpu.memref_slice %arg11[%dma_start3A_30, %dma_start3A_31] : memref<10752x128xf32, #tpu.memory_space<vmem_shared>> -> memref<10752x128xf32, #tpu.memory_space<vmem_shared>>
        tpu.enqueue_indirect_dma source(%arg10 : memref<128x128xf32, #tpu.memory_space<vmem>>) target(%dma_start3A_32 : memref<10752x128xf32, #tpu.memory_space<vmem_shared>>) offsets(%dma_start3A_29 : memref<128xi32, #tpu.memory_space<vmem>>) semaphore(%run_scoped3A : memref<!tpu.dma_semaphore, #tpu.memory_space<semaphore_mem>>) {add = true}
        %dma_wait3A_33 = arith.constant 0 : i32
        %dma_wait3A_34 = tpu.memref_slice %arg9[%scan3A_16, %dma_wait3A_33] : memref<79x128xi32, #tpu.memory_space<vmem>> -> memref<1x128xi32, #tpu.memory_space<vmem>>
        %dma_wait3A_35 = tpu.memref_squeeze %dma_wait3A_34 : memref<1x128xi32, #tpu.memory_space<vmem>> -> memref<128xi32, #tpu.memory_space<vmem>>
        %dma_wait3A_36 = arith.constant 0 : i32
        %dma_wait3A_37 = arith.constant 0 : i32
        %dma_wait3A_38 = tpu.memref_slice %arg11[%dma_wait3A_36, %dma_wait3A_37] : memref<10752x128xf32, #tpu.memory_space<vmem_shared>> -> memref<10752x128xf32, #tpu.memory_space<vmem_shared>>
        tpu.wait_indirect_dma semaphore(%run_scoped3A : memref<!tpu.dma_semaphore, #tpu.memory_space<semaphore_mem>>) src(%arg10 : memref<128x128xf32, #tpu.memory_space<vmem>>) dst(%dma_wait3A_38 : memref<10752x128xf32, #tpu.memory_space<vmem_shared>>)
        tpu.yield
      }) : () -> ()
    }
    %scan3A_14 = arith.constant 79 : i32
    %barrier3A_15 = arith.constant 0 : index
    tpu.barrier barrier_id(%barrier3A_15)
    "tpu.region"() ({
      %run_scoped3A = tpu.sem_alloc : memref<!tpu.dma_semaphore, #tpu.memory_space<semaphore_mem>>
      %dma_start3A = arith.constant 0 : i32
      %dma_start3A_16 = arith.constant 0 : i32
      %dma_start3A_17 = tpu.memref_slice %arg7[%arg0, %dma_start3A, %dma_start3A_16] : memref<2x10752x128xf32, #tpu.memory_space<hbm>> -> memref<1x10752x128xf32, #tpu.memory_space<hbm>>
      %dma_start3A_18 = tpu.memref_squeeze %dma_start3A_17 : memref<1x10752x128xf32, #tpu.memory_space<hbm>> -> memref<10752x128xf32, #tpu.memory_space<hbm>>
      %dma_start3A_19 = arith.constant 0 : i32
      %dma_start3A_20 = tpu.memref_slice %dma_start3A_18[%mul3A_2, %dma_start3A_19] : memref<10752x128xf32, #tpu.memory_space<hbm>> -> memref<672x128xf32, #tpu.memory_space<hbm>>
      %dma_start3A_21 = arith.constant 0 : i32
      %dma_start3A_22 = tpu.memref_slice %arg11[%mul3A_2, %dma_start3A_21] : memref<10752x128xf32, #tpu.memory_space<vmem_shared>> -> memref<672x128xf32, #tpu.memory_space<vmem_shared>>
      tpu.enqueue_dma source(%dma_start3A_22 : memref<672x128xf32, #tpu.memory_space<vmem_shared>>) target(%dma_start3A_20 : memref<672x128xf32, #tpu.memory_space<hbm>>) target_semaphore(%run_scoped3A : memref<!tpu.dma_semaphore, #tpu.memory_space<semaphore_mem>>)
      %dma_wait3A = arith.constant 0 : i32
      %dma_wait3A_23 = arith.constant 0 : i32
      %dma_wait3A_24 = tpu.memref_slice %arg7[%arg0, %dma_wait3A, %dma_wait3A_23] : memref<2x10752x128xf32, #tpu.memory_space<hbm>> -> memref<1x10752x128xf32, #tpu.memory_space<hbm>>
      %dma_wait3A_25 = tpu.memref_squeeze %dma_wait3A_24 : memref<1x10752x128xf32, #tpu.memory_space<hbm>> -> memref<10752x128xf32, #tpu.memory_space<hbm>>
      %dma_wait3A_26 = arith.constant 0 : i32
      %dma_wait3A_27 = tpu.memref_slice %dma_wait3A_25[%mul3A_2, %dma_wait3A_26] : memref<10752x128xf32, #tpu.memory_space<hbm>> -> memref<672x128xf32, #tpu.memory_space<hbm>>
      %dma_wait3A_28 = arith.constant 0 : i32
      %dma_wait3A_29 = tpu.memref_slice %arg11[%mul3A_2, %dma_wait3A_28] : memref<10752x128xf32, #tpu.memory_space<vmem_shared>> -> memref<672x128xf32, #tpu.memory_space<vmem_shared>>
      tpu.wait_dma2 semaphore(%run_scoped3A : memref<!tpu.dma_semaphore, #tpu.memory_space<semaphore_mem>>) src(%dma_wait3A_29 : memref<672x128xf32, #tpu.memory_space<vmem_shared>>) dst(%dma_wait3A_27 : memref<672x128xf32, #tpu.memory_space<hbm>>)
      tpu.yield
    }) : () -> ()
    return
  }
}

module attributes {stable_mosaic.version = 14 : i64} {
  func.func @body(%arg0: i32, %arg1: memref<1344x128xf32, #tpu.memory_space<vmem>>, %arg2: memref<128x128xf32, #tpu.memory_space<vmem>>, %arg3: memref<1x128xf32, #tpu.memory_space<vmem>>, %arg4: memref<1344x128xf32, #tpu.memory_space<vmem>>) attributes {dimension_semantics = [#tpu.dimension_semantics<arbitrary>], iteration_bounds = array<i64: 8>, scalar_prefetch = 0 : i64, scratch_operands = 0 : i64, tpu.core_type = #tpu.core_type<tc>, window_params = [{transform_indices = @transform_0, window_bounds = array<i64: 1344, 128>}, {pipeline_mode = #tpu.pipeline_mode<synchronous>, transform_indices = @transform_1, window_bounds = array<i64: 128, 128>}, {pipeline_mode = #tpu.pipeline_mode<synchronous>, transform_indices = @transform_2, window_bounds = array<i64: 1, 128>}, {transform_indices = @transform_3, window_bounds = array<i64: 1344, 128>}]} {
    %get3A = arith.constant 0 : index
    %get3A_0 = arith.constant 0 : index
    %get3A_1 = vector.load %arg1[%get3A, %get3A_0] : memref<1344x128xf32, #tpu.memory_space<vmem>>, vector<1344x128xf32>
    %get3A_2 = arith.constant 0 : index
    %get3A_3 = arith.constant 0 : index
    %get3A_4 = vector.load %arg2[%get3A_2, %get3A_3] : memref<128x128xf32, #tpu.memory_space<vmem>>, vector<128x128xf32>
    %dot_general3A = arith.constant dense<0.000000e+00> : vector<1344x128xf32>
    %dot_general3A_5 = tpu.matmul %get3A_1, %get3A_4, %dot_general3A {dimension_numbers = #tpu.dot_dimension_numbers<[1], [0], [0], [1], [0, 0, 1, 1], [], []>, transpose_lhs_hint = false} : vector<1344x128xf32>, vector<128x128xf32>, vector<1344x128xf32> -> vector<1344x128xf32>
    %get3A_6 = arith.constant 0 : index
    %get3A_7 = arith.constant 0 : index
    %get3A_8 = vector.load %arg3[%get3A_6, %get3A_7] : memref<1x128xf32, #tpu.memory_space<vmem>>, vector<1x128xf32>
    %add3A = vector.broadcast %get3A_8 : vector<1x128xf32> to vector<1344x128xf32>
    %add3A_9 = arith.addf %dot_general3A_5, %add3A : vector<1344x128xf32>
    %max3A = arith.constant 0.000000e+00 : f32
    %max3A_10 = vector.broadcast %max3A : f32 to vector<1344x128xf32>
    %max3A_11 = arith.maximumf %add3A_9, %max3A_10 : vector<1344x128xf32>
    %swap3A = arith.constant 0 : index
    %swap3A_12 = arith.constant 0 : index
    %swap3A_13 = vector.load %arg4[%swap3A, %swap3A_12] : memref<1344x128xf32, #tpu.memory_space<vmem>>, vector<1344x128xf32>
    tpu.vector_store %arg4[%swap3A, %swap3A_12], %max3A_11 {strides = array<i32>} : memref<1344x128xf32, #tpu.memory_space<vmem>>, vector<1344x128xf32>,
    return
  }
  func.func @transform_0(%arg0: i32) -> (i32, i32) {
    %c0_i32 = arith.constant 0 : i32
    %c0_i32_0 = arith.constant 0 : i32
    return %arg0, %c0_i32 : i32, i32
  }
  func.func @transform_1(%arg0: i32) -> (i32, i32) {
    %c0_i32 = arith.constant 0 : i32
    %c0_i32_0 = arith.constant 0 : i32
    %c0_i32_1 = arith.constant 0 : i32
    return %c0_i32, %c0_i32_0 : i32, i32
  }
  func.func @transform_2(%arg0: i32) -> (i32, i32) {
    %c0_i32 = arith.constant 0 : i32
    %c0_i32_0 = arith.constant 0 : i32
    %c0_i32_1 = arith.constant 0 : i32
    return %c0_i32, %c0_i32_0 : i32, i32
  }
  func.func @transform_3(%arg0: i32) -> (i32, i32) {
    %c0_i32 = arith.constant 0 : i32
    %c0_i32_0 = arith.constant 0 : i32
    return %arg0, %c0_i32 : i32, i32
  }
}

module attributes {stable_mosaic.version = 14 : i64} {
  func.func @body(%arg0: i32, %arg1: memref<2x10752x1xf32, #tpu.memory_space<vmem>>, %arg2: memref<10752x1xf32, #tpu.memory_space<vmem>>, %arg3: memref<10752x1xf32, #tpu.memory_space<vmem>>) attributes {dimension_semantics = [#tpu.dimension_semantics<arbitrary>], iteration_bounds = array<i64: 1>, scalar_prefetch = 0 : i64, scratch_operands = 0 : i64, tpu.core_type = #tpu.core_type<tc>, window_params = [{pipeline_mode = #tpu.pipeline_mode<synchronous>, transform_indices = @transform_0, window_bounds = array<i64: 2, 10752, 1>}, {pipeline_mode = #tpu.pipeline_mode<synchronous>, transform_indices = @transform_1, window_bounds = array<i64: 10752, 1>}, {pipeline_mode = #tpu.pipeline_mode<synchronous>, transform_indices = @transform_2, window_bounds = array<i64: 10752, 1>}]} {
    %get3A = arith.constant 0 : index
    %get3A_0 = arith.constant 0 : index
    %get3A_1 = arith.constant 0 : index
    %get3A_2 = vector.load %arg1[%get3A, %get3A_0, %get3A_1] : memref<2x10752x1xf32, #tpu.memory_space<vmem>>, vector<1x10752x1xf32>
    %get3A_3 = vector.shape_cast %get3A_2 : vector<1x10752x1xf32> to vector<10752x1xf32>
    %get3A_4 = arith.constant 1 : index
    %get3A_5 = arith.constant 0 : index
    %get3A_6 = arith.constant 0 : index
    %get3A_7 = vector.load %arg1[%get3A_4, %get3A_5, %get3A_6] : memref<2x10752x1xf32, #tpu.memory_space<vmem>>, vector<1x10752x1xf32>
    %get3A_8 = vector.shape_cast %get3A_7 : vector<1x10752x1xf32> to vector<10752x1xf32>
    %add3A = arith.addf %get3A_3, %get3A_8 : vector<10752x1xf32>
    %max3A = arith.constant 1.000000e+00 : f32
    %max3A_9 = vector.broadcast %max3A : f32 to vector<10752x1xf32>
    %max3A_10 = arith.maximumf %add3A, %max3A_9 : vector<10752x1xf32>
    %div3A = arith.constant 1.000000e+00 : f32
    %div3A_11 = vector.broadcast %div3A : f32 to vector<10752x1xf32>
    %div3A_12 = arith.divf %div3A_11, %max3A_10 : vector<10752x1xf32>
    %swap3A = arith.constant 0 : index
    %swap3A_13 = arith.constant 0 : index
    %swap3A_14 = vector.load %arg2[%swap3A, %swap3A_13] : memref<10752x1xf32, #tpu.memory_space<vmem>>, vector<10752x1xf32>
    tpu.vector_store %arg2[%swap3A, %swap3A_13], %div3A_12 {strides = array<i32>} : memref<10752x1xf32, #tpu.memory_space<vmem>>, vector<10752x1xf32>,
    %add3A_15 = arith.constant 1.000000e+00 : f32
    %add3A_16 = vector.broadcast %add3A_15 : f32 to vector<10752x1xf32>
    %add3A_17 = arith.addf %add3A, %add3A_16 : vector<10752x1xf32>
    %rsqrt3A = math.rsqrt %add3A_17 : vector<10752x1xf32>
    %swap3A_18 = arith.constant 0 : index
    %swap3A_19 = arith.constant 0 : index
    %swap3A_20 = vector.load %arg3[%swap3A_18, %swap3A_19] : memref<10752x1xf32, #tpu.memory_space<vmem>>, vector<10752x1xf32>
    tpu.vector_store %arg3[%swap3A_18, %swap3A_19], %rsqrt3A {strides = array<i32>} : memref<10752x1xf32, #tpu.memory_space<vmem>>, vector<10752x1xf32>,
    return
  }
  func.func @transform_0(%arg0: i32) -> (i32, i32, i32) {
    %c0_i32 = arith.constant 0 : i32
    %c0_i32_0 = arith.constant 0 : i32
    %c0_i32_1 = arith.constant 0 : i32
    %c0_i32_2 = arith.constant 0 : i32
    return %c0_i32, %c0_i32_0, %c0_i32_1 : i32, i32, i32
  }
  func.func @transform_1(%arg0: i32) -> (i32, i32) {
    %c0_i32 = arith.constant 0 : i32
    %c0_i32_0 = arith.constant 0 : i32
    %c0_i32_1 = arith.constant 0 : i32
    return %c0_i32, %c0_i32_0 : i32, i32
  }
  func.func @transform_2(%arg0: i32) -> (i32, i32) {
    %c0_i32 = arith.constant 0 : i32
    %c0_i32_0 = arith.constant 0 : i32
    %c0_i32_1 = arith.constant 0 : i32
    return %c0_i32, %c0_i32_0 : i32, i32
  }
}

module attributes {stable_mosaic.version = 14 : i64} {
  func.func @body(%arg0: i32, %arg1: memref<2x1344x128xf32, #tpu.memory_space<vmem>>, %arg2: memref<1344x128xf32, #tpu.memory_space<vmem>>, %arg3: memref<1344x1xf32, #tpu.memory_space<vmem>>, %arg4: memref<128x128xf32, #tpu.memory_space<vmem>>, %arg5: memref<1x128xf32, #tpu.memory_space<vmem>>, %arg6: memref<128x128xf32, #tpu.memory_space<vmem>>, %arg7: memref<1344x128xf32, #tpu.memory_space<vmem>>) attributes {dimension_semantics = [#tpu.dimension_semantics<arbitrary>], iteration_bounds = array<i64: 8>, scalar_prefetch = 0 : i64, scratch_operands = 0 : i64, tpu.core_type = #tpu.core_type<tc>, window_params = [{transform_indices = @transform_0, window_bounds = array<i64: 2, 1344, 128>}, {transform_indices = @transform_1, window_bounds = array<i64: 1344, 128>}, {transform_indices = @transform_2, window_bounds = array<i64: 1344, 1>}, {pipeline_mode = #tpu.pipeline_mode<synchronous>, transform_indices = @transform_3, window_bounds = array<i64: 128, 128>}, {pipeline_mode = #tpu.pipeline_mode<synchronous>, transform_indices = @transform_4, window_bounds = array<i64: 1, 128>}, {pipeline_mode = #tpu.pipeline_mode<synchronous>, transform_indices = @transform_5, window_bounds = array<i64: 128, 128>}, {transform_indices = @transform_6, window_bounds = array<i64: 1344, 128>}]} {
    %get3A = arith.constant 0 : index
    %get3A_0 = arith.constant 0 : index
    %get3A_1 = arith.constant 0 : index
    %get3A_2 = vector.load %arg1[%get3A, %get3A_0, %get3A_1] : memref<2x1344x128xf32, #tpu.memory_space<vmem>>, vector<1x1344x128xf32>
    %get3A_3 = vector.shape_cast %get3A_2 : vector<1x1344x128xf32> to vector<1344x128xf32>
    %get3A_4 = arith.constant 1 : index
    %get3A_5 = arith.constant 0 : index
    %get3A_6 = arith.constant 0 : index
    %get3A_7 = vector.load %arg1[%get3A_4, %get3A_5, %get3A_6] : memref<2x1344x128xf32, #tpu.memory_space<vmem>>, vector<1x1344x128xf32>
    %get3A_8 = vector.shape_cast %get3A_7 : vector<1x1344x128xf32> to vector<1344x128xf32>
    %add3A = arith.addf %get3A_3, %get3A_8 : vector<1344x128xf32>
    %get3A_9 = arith.constant 0 : index
    %get3A_10 = arith.constant 0 : index
    %get3A_11 = vector.load %arg3[%get3A_9, %get3A_10] : memref<1344x1xf32, #tpu.memory_space<vmem>>, vector<1344x1xf32>
    %mul3A = vector.broadcast %get3A_11 : vector<1344x1xf32> to vector<1344x128xf32>
    %mul3A_12 = arith.mulf %add3A, %mul3A : vector<1344x128xf32>
    %get3A_13 = arith.constant 0 : index
    %get3A_14 = arith.constant 0 : index
    %get3A_15 = vector.load %arg4[%get3A_13, %get3A_14] : memref<128x128xf32, #tpu.memory_space<vmem>>, vector<128x128xf32>
    %dot_general3A = arith.constant dense<0.000000e+00> : vector<1344x128xf32>
    %dot_general3A_16 = tpu.matmul %mul3A_12, %get3A_15, %dot_general3A {dimension_numbers = #tpu.dot_dimension_numbers<[1], [0], [0], [1], [0, 0, 1, 1], [], []>, transpose_lhs_hint = false} : vector<1344x128xf32>, vector<128x128xf32>, vector<1344x128xf32> -> vector<1344x128xf32>
    %get3A_17 = arith.constant 0 : index
    %get3A_18 = arith.constant 0 : index
    %get3A_19 = vector.load %arg5[%get3A_17, %get3A_18] : memref<1x128xf32, #tpu.memory_space<vmem>>, vector<1x128xf32>
    %add3A_20 = vector.broadcast %get3A_19 : vector<1x128xf32> to vector<1344x128xf32>
    %add3A_21 = arith.addf %dot_general3A_16, %add3A_20 : vector<1344x128xf32>
    %get3A_22 = arith.constant 0 : index
    %get3A_23 = arith.constant 0 : index
    %get3A_24 = vector.load %arg2[%get3A_22, %get3A_23] : memref<1344x128xf32, #tpu.memory_space<vmem>>, vector<1344x128xf32>
    %get3A_25 = arith.constant 0 : index
    %get3A_26 = arith.constant 0 : index
    %get3A_27 = vector.load %arg6[%get3A_25, %get3A_26] : memref<128x128xf32, #tpu.memory_space<vmem>>, vector<128x128xf32>
    %dot_general3A_28 = arith.constant dense<0.000000e+00> : vector<1344x128xf32>
    %dot_general3A_29 = tpu.matmul %get3A_24, %get3A_27, %dot_general3A_28 {dimension_numbers = #tpu.dot_dimension_numbers<[1], [0], [0], [1], [0, 0, 1, 1], [], []>, transpose_lhs_hint = false} : vector<1344x128xf32>, vector<128x128xf32>, vector<1344x128xf32> -> vector<1344x128xf32>
    %add3A_30 = arith.addf %add3A_21, %dot_general3A_29 : vector<1344x128xf32>
    %max3A = arith.constant 0.000000e+00 : f32
    %max3A_31 = vector.broadcast %max3A : f32 to vector<1344x128xf32>
    %max3A_32 = arith.maximumf %add3A_30, %max3A_31 : vector<1344x128xf32>
    %swap3A = arith.constant 0 : index
    %swap3A_33 = arith.constant 0 : index
    %swap3A_34 = vector.load %arg7[%swap3A, %swap3A_33] : memref<1344x128xf32, #tpu.memory_space<vmem>>, vector<1344x128xf32>
    tpu.vector_store %arg7[%swap3A, %swap3A_33], %max3A_32 {strides = array<i32>} : memref<1344x128xf32, #tpu.memory_space<vmem>>, vector<1344x128xf32>,
    return
  }
  func.func @transform_0(%arg0: i32) -> (i32, i32, i32) {
    %c0_i32 = arith.constant 0 : i32
    %c0_i32_0 = arith.constant 0 : i32
    %c0_i32_1 = arith.constant 0 : i32
    return %c0_i32, %arg0, %c0_i32_0 : i32, i32, i32
  }
  func.func @transform_1(%arg0: i32) -> (i32, i32) {
    %c0_i32 = arith.constant 0 : i32
    %c0_i32_0 = arith.constant 0 : i32
    return %arg0, %c0_i32 : i32, i32
  }
  func.func @transform_2(%arg0: i32) -> (i32, i32) {
    %c0_i32 = arith.constant 0 : i32
    %c0_i32_0 = arith.constant 0 : i32
    return %arg0, %c0_i32 : i32, i32
  }
  func.func @transform_3(%arg0: i32) -> (i32, i32) {
    %c0_i32 = arith.constant 0 : i32
    %c0_i32_0 = arith.constant 0 : i32
    %c0_i32_1 = arith.constant 0 : i32
    return %c0_i32, %c0_i32_0 : i32, i32
  }
  func.func @transform_4(%arg0: i32) -> (i32, i32) {
    %c0_i32 = arith.constant 0 : i32
    %c0_i32_0 = arith.constant 0 : i32
    %c0_i32_1 = arith.constant 0 : i32
    return %c0_i32, %c0_i32_0 : i32, i32
  }
  func.func @transform_5(%arg0: i32) -> (i32, i32) {
    %c0_i32 = arith.constant 0 : i32
    %c0_i32_0 = arith.constant 0 : i32
    %c0_i32_1 = arith.constant 0 : i32
    return %c0_i32, %c0_i32_0 : i32, i32
  }
  func.func @transform_6(%arg0: i32) -> (i32, i32) {
    %c0_i32 = arith.constant 0 : i32
    %c0_i32_0 = arith.constant 0 : i32
    return %arg0, %c0_i32 : i32, i32
  }
}

module attributes {stable_mosaic.version = 14 : i64} {
  func.func @body(%arg0: i32, %arg1: memref<2x1344x128xf32, #tpu.memory_space<vmem>>, %arg2: memref<1344x128xf32, #tpu.memory_space<vmem>>, %arg3: memref<1344x1xf32, #tpu.memory_space<vmem>>, %arg4: memref<1344x1xf32, #tpu.memory_space<vmem>>, %arg5: memref<128x128xf32, #tpu.memory_space<vmem>>, %arg6: memref<1x128xf32, #tpu.memory_space<vmem>>, %arg7: memref<128x128xf32, #tpu.memory_space<vmem>>, %arg8: memref<128x128xf32, #tpu.memory_space<vmem>>, %arg9: memref<1x128xf32, #tpu.memory_space<vmem>>, %arg10: memref<128x128xf32, #tpu.memory_space<vmem>>, %arg11: memref<128x128xf32, #tpu.memory_space<vmem>>, %arg12: memref<1344x128xf32, #tpu.memory_space<vmem>>, %arg13: memref<1344x128xf32, #tpu.memory_space<vmem>>) attributes {dimension_semantics = [#tpu.dimension_semantics<arbitrary>], iteration_bounds = array<i64: 8>, scalar_prefetch = 0 : i64, scratch_operands = 0 : i64, tpu.core_type = #tpu.core_type<tc>, window_params = [{transform_indices = @transform_0, window_bounds = array<i64: 2, 1344, 128>}, {transform_indices = @transform_1, window_bounds = array<i64: 1344, 128>}, {transform_indices = @transform_2, window_bounds = array<i64: 1344, 1>}, {transform_indices = @transform_3, window_bounds = array<i64: 1344, 1>}, {pipeline_mode = #tpu.pipeline_mode<synchronous>, transform_indices = @transform_4, window_bounds = array<i64: 128, 128>}, {pipeline_mode = #tpu.pipeline_mode<synchronous>, transform_indices = @transform_5, window_bounds = array<i64: 1, 128>}, {pipeline_mode = #tpu.pipeline_mode<synchronous>, transform_indices = @transform_6, window_bounds = array<i64: 128, 128>}, {pipeline_mode = #tpu.pipeline_mode<synchronous>, transform_indices = @transform_7, window_bounds = array<i64: 128, 128>}, {pipeline_mode = #tpu.pipeline_mode<synchronous>, transform_indices = @transform_8, window_bounds = array<i64: 1, 128>}, {pipeline_mode = #tpu.pipeline_mode<synchronous>, transform_indices = @transform_9, window_bounds = array<i64: 128, 128>}, {pipeline_mode = #tpu.pipeline_mode<synchronous>, transform_indices = @transform_10, window_bounds = array<i64: 128, 128>}, {transform_indices = @transform_11, window_bounds = array<i64: 1344, 128>}, {transform_indices = @transform_12, window_bounds = array<i64: 1344, 128>}]} {
    %get3A = arith.constant 0 : index
    %get3A_0 = arith.constant 0 : index
    %get3A_1 = arith.constant 0 : index
    %get3A_2 = vector.load %arg1[%get3A, %get3A_0, %get3A_1] : memref<2x1344x128xf32, #tpu.memory_space<vmem>>, vector<1x1344x128xf32>
    %get3A_3 = vector.shape_cast %get3A_2 : vector<1x1344x128xf32> to vector<1344x128xf32>
    %get3A_4 = arith.constant 1 : index
    %get3A_5 = arith.constant 0 : index
    %get3A_6 = arith.constant 0 : index
    %get3A_7 = vector.load %arg1[%get3A_4, %get3A_5, %get3A_6] : memref<2x1344x128xf32, #tpu.memory_space<vmem>>, vector<1x1344x128xf32>
    %get3A_8 = vector.shape_cast %get3A_7 : vector<1x1344x128xf32> to vector<1344x128xf32>
    %add3A = arith.addf %get3A_3, %get3A_8 : vector<1344x128xf32>
    %get3A_9 = arith.constant 0 : index
    %get3A_10 = arith.constant 0 : index
    %get3A_11 = vector.load %arg3[%get3A_9, %get3A_10] : memref<1344x1xf32, #tpu.memory_space<vmem>>, vector<1344x1xf32>
    %mul3A = vector.broadcast %get3A_11 : vector<1344x1xf32> to vector<1344x128xf32>
    %mul3A_12 = arith.mulf %add3A, %mul3A : vector<1344x128xf32>
    %get3A_13 = arith.constant 0 : index
    %get3A_14 = arith.constant 0 : index
    %get3A_15 = vector.load %arg5[%get3A_13, %get3A_14] : memref<128x128xf32, #tpu.memory_space<vmem>>, vector<128x128xf32>
    %dot_general3A = arith.constant dense<0.000000e+00> : vector<1344x128xf32>
    %dot_general3A_16 = tpu.matmul %mul3A_12, %get3A_15, %dot_general3A {dimension_numbers = #tpu.dot_dimension_numbers<[1], [0], [0], [1], [0, 0, 1, 1], [], []>, transpose_lhs_hint = false} : vector<1344x128xf32>, vector<128x128xf32>, vector<1344x128xf32> -> vector<1344x128xf32>
    %get3A_17 = arith.constant 0 : index
    %get3A_18 = arith.constant 0 : index
    %get3A_19 = vector.load %arg6[%get3A_17, %get3A_18] : memref<1x128xf32, #tpu.memory_space<vmem>>, vector<1x128xf32>
    %add3A_20 = vector.broadcast %get3A_19 : vector<1x128xf32> to vector<1344x128xf32>
    %add3A_21 = arith.addf %dot_general3A_16, %add3A_20 : vector<1344x128xf32>
    %get3A_22 = arith.constant 0 : index
    %get3A_23 = arith.constant 0 : index
    %get3A_24 = vector.load %arg2[%get3A_22, %get3A_23] : memref<1344x128xf32, #tpu.memory_space<vmem>>, vector<1344x128xf32>
    %get3A_25 = arith.constant 0 : index
    %get3A_26 = arith.constant 0 : index
    %get3A_27 = vector.load %arg7[%get3A_25, %get3A_26] : memref<128x128xf32, #tpu.memory_space<vmem>>, vector<128x128xf32>
    %dot_general3A_28 = arith.constant dense<0.000000e+00> : vector<1344x128xf32>
    %dot_general3A_29 = tpu.matmul %get3A_24, %get3A_27, %dot_general3A_28 {dimension_numbers = #tpu.dot_dimension_numbers<[1], [0], [0], [1], [0, 0, 1, 1], [], []>, transpose_lhs_hint = false} : vector<1344x128xf32>, vector<128x128xf32>, vector<1344x128xf32> -> vector<1344x128xf32>
    %add3A_30 = arith.addf %add3A_21, %dot_general3A_29 : vector<1344x128xf32>
    %max3A = arith.constant 0.000000e+00 : f32
    %max3A_31 = vector.broadcast %max3A : f32 to vector<1344x128xf32>
    %max3A_32 = arith.maximumf %add3A_30, %max3A_31 : vector<1344x128xf32>
    %get3A_33 = arith.constant 0 : index
    %get3A_34 = arith.constant 0 : index
    %get3A_35 = vector.load %arg8[%get3A_33, %get3A_34] : memref<128x128xf32, #tpu.memory_space<vmem>>, vector<128x128xf32>
    %dot_general3A_36 = arith.constant dense<0.000000e+00> : vector<1344x128xf32>
    %dot_general3A_37 = tpu.matmul %max3A_32, %get3A_35, %dot_general3A_36 {dimension_numbers = #tpu.dot_dimension_numbers<[1], [0], [0], [1], [0, 0, 1, 1], [], []>, transpose_lhs_hint = false} : vector<1344x128xf32>, vector<128x128xf32>, vector<1344x128xf32> -> vector<1344x128xf32>
    %get3A_38 = arith.constant 0 : index
    %get3A_39 = arith.constant 0 : index
    %get3A_40 = vector.load %arg9[%get3A_38, %get3A_39] : memref<1x128xf32, #tpu.memory_space<vmem>>, vector<1x128xf32>
    %add3A_41 = vector.broadcast %get3A_40 : vector<1x128xf32> to vector<1344x128xf32>
    %add3A_42 = arith.addf %dot_general3A_37, %add3A_41 : vector<1344x128xf32>
    %get3A_43 = arith.constant 0 : index
    %get3A_44 = arith.constant 0 : index
    %get3A_45 = vector.load %arg4[%get3A_43, %get3A_44] : memref<1344x1xf32, #tpu.memory_space<vmem>>, vector<1344x1xf32>
    %get3A_46 = arith.constant 0 : index
    %get3A_47 = arith.constant 0 : index
    %get3A_48 = vector.load %arg10[%get3A_46, %get3A_47] : memref<128x128xf32, #tpu.memory_space<vmem>>, vector<128x128xf32>
    %dot_general3A_49 = arith.constant dense<0.000000e+00> : vector<1344x128xf32>
    %dot_general3A_50 = tpu.matmul %add3A_42, %get3A_48, %dot_general3A_49 {dimension_numbers = #tpu.dot_dimension_numbers<[1], [0], [0], [1], [0, 0, 1, 1], [], []>, transpose_lhs_hint = false} : vector<1344x128xf32>, vector<128x128xf32>, vector<1344x128xf32> -> vector<1344x128xf32>
    %mul3A_51 = vector.broadcast %get3A_45 : vector<1344x1xf32> to vector<1344x128xf32>
    %mul3A_52 = arith.mulf %dot_general3A_50, %mul3A_51 : vector<1344x128xf32>
    %swap3A = arith.constant 0 : index
    %swap3A_53 = arith.constant 0 : index
    %swap3A_54 = vector.load %arg12[%swap3A, %swap3A_53] : memref<1344x128xf32, #tpu.memory_space<vmem>>, vector<1344x128xf32>
    tpu.vector_store %arg12[%swap3A, %swap3A_53], %mul3A_52 {strides = array<i32>} : memref<1344x128xf32, #tpu.memory_space<vmem>>, vector<1344x128xf32>,
    %get3A_55 = arith.constant 0 : index
    %get3A_56 = arith.constant 0 : index
    %get3A_57 = vector.load %arg11[%get3A_55, %get3A_56] : memref<128x128xf32, #tpu.memory_space<vmem>>, vector<128x128xf32>
    %dot_general3A_58 = arith.constant dense<0.000000e+00> : vector<1344x128xf32>
    %dot_general3A_59 = tpu.matmul %add3A_42, %get3A_57, %dot_general3A_58 {dimension_numbers = #tpu.dot_dimension_numbers<[1], [0], [0], [1], [0, 0, 1, 1], [], []>, transpose_lhs_hint = false} : vector<1344x128xf32>, vector<128x128xf32>, vector<1344x128xf32> -> vector<1344x128xf32>
    %mul3A_60 = vector.broadcast %get3A_45 : vector<1344x1xf32> to vector<1344x128xf32>
    %mul3A_61 = arith.mulf %dot_general3A_59, %mul3A_60 : vector<1344x128xf32>
    %swap3A_62 = arith.constant 0 : index
    %swap3A_63 = arith.constant 0 : index
    %swap3A_64 = vector.load %arg13[%swap3A_62, %swap3A_63] : memref<1344x128xf32, #tpu.memory_space<vmem>>, vector<1344x128xf32>
    tpu.vector_store %arg13[%swap3A_62, %swap3A_63], %mul3A_61 {strides = array<i32>} : memref<1344x128xf32, #tpu.memory_space<vmem>>, vector<1344x128xf32>,
    return
  }
  func.func @transform_0(%arg0: i32) -> (i32, i32, i32) {
    %c0_i32 = arith.constant 0 : i32
    %c0_i32_0 = arith.constant 0 : i32
    %c0_i32_1 = arith.constant 0 : i32
    return %c0_i32, %arg0, %c0_i32_0 : i32, i32, i32
  }
  func.func @transform_1(%arg0: i32) -> (i32, i32) {
    %c0_i32 = arith.constant 0 : i32
    %c0_i32_0 = arith.constant 0 : i32
    return %arg0, %c0_i32 : i32, i32
  }
  func.func @transform_2(%arg0: i32) -> (i32, i32) {
    %c0_i32 = arith.constant 0 : i32
    %c0_i32_0 = arith.constant 0 : i32
    return %arg0, %c0_i32 : i32, i32
  }
  func.func @transform_3(%arg0: i32) -> (i32, i32) {
    %c0_i32 = arith.constant 0 : i32
    %c0_i32_0 = arith.constant 0 : i32
    return %arg0, %c0_i32 : i32, i32
  }
  func.func @transform_4(%arg0: i32) -> (i32, i32) {
    %c0_i32 = arith.constant 0 : i32
    %c0_i32_0 = arith.constant 0 : i32
    %c0_i32_1 = arith.constant 0 : i32
    return %c0_i32, %c0_i32_0 : i32, i32
  }
  func.func @transform_5(%arg0: i32) -> (i32, i32) {
    %c0_i32 = arith.constant 0 : i32
    %c0_i32_0 = arith.constant 0 : i32
    %c0_i32_1 = arith.constant 0 : i32
    return %c0_i32, %c0_i32_0 : i32, i32
  }
  func.func @transform_6(%arg0: i32) -> (i32, i32) {
    %c0_i32 = arith.constant 0 : i32
    %c0_i32_0 = arith.constant 0 : i32
    %c0_i32_1 = arith.constant 0 : i32
    return %c0_i32, %c0_i32_0 : i32, i32
  }
  func.func @transform_7(%arg0: i32) -> (i32, i32) {
    %c0_i32 = arith.constant 0 : i32
    %c0_i32_0 = arith.constant 0 : i32
    %c0_i32_1 = arith.constant 0 : i32
    return %c0_i32, %c0_i32_0 : i32, i32
  }
  func.func @transform_8(%arg0: i32) -> (i32, i32) {
    %c0_i32 = arith.constant 0 : i32
    %c0_i32_0 = arith.constant 0 : i32
    %c0_i32_1 = arith.constant 0 : i32
    return %c0_i32, %c0_i32_0 : i32, i32
  }
  func.func @transform_9(%arg0: i32) -> (i32, i32) {
    %c0_i32 = arith.constant 0 : i32
    %c0_i32_0 = arith.constant 0 : i32
    %c0_i32_1 = arith.constant 0 : i32
    return %c0_i32, %c0_i32_0 : i32, i32
  }
  func.func @transform_10(%arg0: i32) -> (i32, i32) {
    %c0_i32 = arith.constant 0 : i32
    %c0_i32_0 = arith.constant 0 : i32
    %c0_i32_1 = arith.constant 0 : i32
    return %c0_i32, %c0_i32_0 : i32, i32
  }
  func.func @transform_11(%arg0: i32) -> (i32, i32) {
    %c0_i32 = arith.constant 0 : i32
    %c0_i32_0 = arith.constant 0 : i32
    return %arg0, %c0_i32 : i32, i32
  }
  func.func @transform_12(%arg0: i32) -> (i32, i32) {
    %c0_i32 = arith.constant 0 : i32
    %c0_i32_0 = arith.constant 0 : i32
    return %arg0, %c0_i32 : i32, i32
  }
}

module attributes {stable_mosaic.version = 14 : i64} {
  func.func @body(%arg0: i32, %arg1: memref<10752x128xf32, #tpu.memory_space<vmem>>, %arg2: memref<10752x128xf32, #tpu.memory_space<vmem>>, %arg3: memref<10752x128xf32, #tpu.memory_space<vmem>>, %arg4: memref<10752x128xf32, #tpu.memory_space<vmem>>, %arg5: memref<10752x1xf32, #tpu.memory_space<vmem>>, %arg6: memref<84x128xi32, #tpu.memory_space<vmem>>, %arg7: memref<75x128xf32, #tpu.memory_space<vmem>>, %arg8: memref<128x128xf32, #tpu.memory_space<vmem>>, %arg9: memref<1x128xf32, #tpu.memory_space<vmem>>, %arg10: memref<128x128xf32, #tpu.memory_space<vmem>>, %arg11: memref<1x128xf32, #tpu.memory_space<vmem>>, %arg12: memref<1x128xf32, #tpu.memory_space<vmem>>, %arg13: memref<1x128xf32, #tpu.memory_space<vmem>>, %arg14: memref<128x128xf32, #tpu.memory_space<vmem>>, %arg15: memref<1x128xf32, #tpu.memory_space<vmem>>, %arg16: memref<128x128xf32, #tpu.memory_space<vmem>>, %arg17: memref<1x128xf32, #tpu.memory_space<vmem>>, %arg18: memref<128x128xf32, #tpu.memory_space<vmem>>, %arg19: memref<1x128xf32, #tpu.memory_space<vmem>>, %arg20: memref<128x128xf32, #tpu.memory_space<vmem>>, %arg21: memref<1x128xf32, #tpu.memory_space<vmem>>, %arg22: memref<1x128xf32, #tpu.memory_space<vmem>>, %arg23: memref<128x128xf32, #tpu.memory_space<vmem>>, %arg24: memref<1x128xf32, #tpu.memory_space<vmem>>, %arg25: memref<128x128xf32, #tpu.memory_space<vmem>>, %arg26: memref<1x128xf32, #tpu.memory_space<vmem>>, %arg27: memref<128x128xf32, #tpu.memory_space<vmem>>, %arg28: memref<1x128xf32, #tpu.memory_space<vmem>>, %arg29: memref<128x128xf32, #tpu.memory_space<vmem>>, %arg30: memref<1x128xf32, #tpu.memory_space<vmem>>, %arg31: memref<128x1xf32, #tpu.memory_space<vmem>>, %arg32: memref<1x1xf32, #tpu.memory_space<vmem>>, %arg33: memref<1x8x128xf32, #tpu.memory_space<vmem>>) attributes {dimension_semantics = [#tpu.dimension_semantics<arbitrary>], iteration_bounds = array<i64: 32>, scalar_prefetch = 0 : i64, scratch_operands = 0 : i64, tpu.core_type = #tpu.core_type<tc>, window_params = [{pipeline_mode = #tpu.pipeline_mode<synchronous>, transform_indices = @transform_0, window_bounds = array<i64: 10752, 128>}, {pipeline_mode = #tpu.pipeline_mode<synchronous>, transform_indices = @transform_1, window_bounds = array<i64: 10752, 128>}, {pipeline_mode = #tpu.pipeline_mode<synchronous>, transform_indices = @transform_2, window_bounds = array<i64: 10752, 128>}, {pipeline_mode = #tpu.pipeline_mode<synchronous>, transform_indices = @transform_3, window_bounds = array<i64: 10752, 128>}, {pipeline_mode = #tpu.pipeline_mode<synchronous>, transform_indices = @transform_4, window_bounds = array<i64: 10752, 1>}, {pipeline_mode = #tpu.pipeline_mode<synchronous>, transform_indices = @transform_5, window_bounds = array<i64: 84, 128>}, {pipeline_mode = #tpu.pipeline_mode<synchronous>, transform_indices = @transform_6, window_bounds = array<i64: 75, 128>}, {pipeline_mode = #tpu.pipeline_mode<synchronous>, transform_indices = @transform_7, window_bounds = array<i64: 128, 128>}, {pipeline_mode = #tpu.pipeline_mode<synchronous>, transform_indices = @transform_8, window_bounds = array<i64: 1, 128>}, {pipeline_mode = #tpu.pipeline_mode<synchronous>, transform_indices = @transform_9, window_bounds = array<i64: 128, 128>}, {pipeline_mode = #tpu.pipeline_mode<synchronous>, transform_indices = @transform_10, window_bounds = array<i64: 1, 128>}, {pipeline_mode = #tpu.pipeline_mode<synchronous>, transform_indices = @transform_11, window_bounds = array<i64: 1, 128>}, {pipeline_mode = #tpu.pipeline_mode<synchronous>, transform_indices = @transform_12, window_bounds = array<i64: 1, 128>}, {pipeline_mode = #tpu.pipeline_mode<synchronous>, transform_indices = @transform_13, window_bounds = array<i64: 128, 128>}, {pipeline_mode = #tpu.pipeline_mode<synchronous>, transform_indices = @transform_14, window_bounds = array<i64: 1, 128>}, {pipeline_mode = #tpu.pipeline_mode<synchronous>, transform_indices = @transform_15, window_bounds = array<i64: 128, 128>}, {pipeline_mode = #tpu.pipeline_mode<synchronous>, transform_indices = @transform_16, window_bounds = array<i64: 1, 128>}, {pipeline_mode = #tpu.pipeline_mode<synchronous>, transform_indices = @transform_17, window_bounds = array<i64: 128, 128>}, {pipeline_mode = #tpu.pipeline_mode<synchronous>, transform_indices = @transform_18, window_bounds = array<i64: 1, 128>}, {pipeline_mode = #tpu.pipeline_mode<synchronous>, transform_indices = @transform_19, window_bounds = array<i64: 128, 128>}, {pipeline_mode = #tpu.pipeline_mode<synchronous>, transform_indices = @transform_20, window_bounds = array<i64: 1, 128>}, {pipeline_mode = #tpu.pipeline_mode<synchronous>, transform_indices = @transform_21, window_bounds = array<i64: 1, 128>}, {pipeline_mode = #tpu.pipeline_mode<synchronous>, transform_indices = @transform_22, window_bounds = array<i64: 128, 128>}, {pipeline_mode = #tpu.pipeline_mode<synchronous>, transform_indices = @transform_23, window_bounds = array<i64: 1, 128>}, {pipeline_mode = #tpu.pipeline_mode<synchronous>, transform_indices = @transform_24, window_bounds = array<i64: 128, 128>}, {pipeline_mode = #tpu.pipeline_mode<synchronous>, transform_indices = @transform_25, window_bounds = array<i64: 1, 128>}, {pipeline_mode = #tpu.pipeline_mode<synchronous>, transform_indices = @transform_26, window_bounds = array<i64: 128, 128>}, {pipeline_mode = #tpu.pipeline_mode<synchronous>, transform_indices = @transform_27, window_bounds = array<i64: 1, 128>}, {pipeline_mode = #tpu.pipeline_mode<synchronous>, transform_indices = @transform_28, window_bounds = array<i64: 128, 128>}, {pipeline_mode = #tpu.pipeline_mode<synchronous>, transform_indices = @transform_29, window_bounds = array<i64: 1, 128>}, {pipeline_mode = #tpu.pipeline_mode<synchronous>, transform_indices = @transform_30, window_bounds = array<i64: 128, 1>}, {pipeline_mode = #tpu.pipeline_mode<synchronous>, transform_indices = @transform_31, window_bounds = array<i64: 1, 1>}, {transform_indices = @transform_32, window_bounds = array<i64: 1, 8, 128>}]} {
    %get3A = arith.constant 0 : index
    %get3A_0 = arith.constant 0 : index
    %get3A_1 = vector.load %arg6[%get3A, %get3A_0] : memref<84x128xi32, #tpu.memory_space<vmem>>, vector<84x128xi32>
    %eq3A = vector.broadcast %arg0 : i32 to vector<84x128xi32>
    %eq3A_2 = arith.cmpi eq, %get3A_1, %eq3A : vector<84x128xi32>
    %convert_element_type3A = arith.extui %eq3A_2 : vector<84x128xi1> to vector<84x128xi32>
    %reduce_sum3A = vector.shape_cast %convert_element_type3A : vector<84x128xi32> to vector<1x84x128xi32>
    %reduce_sum3A_3 = arith.constant dense<0> : vector<1xi32>
    %reduce_sum3A_4 = vector.multi_reduction <add>, %reduce_sum3A, %reduce_sum3A_3 [1, 2] : vector<1x84x128xi32> to vector<1xi32>
    %reduce_sum3A_5 = vector.shape_cast %reduce_sum3A_4 : vector<1xi32> to vector<1x1x1xi32>
    %reduce_sum3A_6 = vector.extract %reduce_sum3A_5[0, 0, 0] : i32 from vector<1x1x1xi32>
    %lt3A = vector.broadcast %arg0 : i32 to vector<84x128xi32>
    %lt3A_7 = arith.cmpi slt, %get3A_1, %lt3A : vector<84x128xi32>
    %convert_element_type3A_8 = arith.extui %lt3A_7 : vector<84x128xi1> to vector<84x128xi32>
    %reduce_sum3A_9 = vector.shape_cast %convert_element_type3A_8 : vector<84x128xi32> to vector<1x84x128xi32>
    %reduce_sum3A_10 = arith.constant dense<0> : vector<1xi32>
    %reduce_sum3A_11 = vector.multi_reduction <add>, %reduce_sum3A_9, %reduce_sum3A_10 [1, 2] : vector<1x84x128xi32> to vector<1xi32>
    %reduce_sum3A_12 = vector.shape_cast %reduce_sum3A_11 : vector<1xi32> to vector<1x1x1xi32>
    %reduce_sum3A_13 = vector.extract %reduce_sum3A_12[0, 0, 0] : i32 from vector<1x1x1xi32>
    %get3A_14 = arith.index_cast %reduce_sum3A_13 : i32 to index
    %get3A_15 = arith.constant 0 : index
    %get3A_16 = vector.load %arg5[%get3A_14, %get3A_15] : memref<10752x1xf32, #tpu.memory_space<vmem>>, vector<640x1xf32>
    %get3A_17 = arith.index_cast %reduce_sum3A_13 : i32 to index
    %get3A_18 = arith.constant 0 : index
    %get3A_19 = vector.load %arg1[%get3A_17, %get3A_18] : memref<10752x128xf32, #tpu.memory_space<vmem>>, vector<640x128xf32>
    %get3A_20 = arith.index_cast %reduce_sum3A_13 : i32 to index
    %get3A_21 = arith.constant 0 : index
    %get3A_22 = vector.load %arg2[%get3A_20, %get3A_21] : memref<10752x128xf32, #tpu.memory_space<vmem>>, vector<640x128xf32>
    %add3A = arith.addf %get3A_19, %get3A_22 : vector<640x128xf32>
    %mul3A = vector.broadcast %get3A_16 : vector<640x1xf32> to vector<640x128xf32>
    %mul3A_23 = arith.mulf %mul3A, %add3A : vector<640x128xf32>
    %get3A_24 = arith.constant 0 : index
    %get3A_25 = arith.constant 0 : index
    %get3A_26 = vector.load %arg12[%get3A_24, %get3A_25] : memref<1x128xf32, #tpu.memory_space<vmem>>, vector<1x128xf32>
    %add3A_27 = vector.broadcast %get3A_26 : vector<1x128xf32> to vector<640x128xf32>
    %add3A_28 = arith.addf %mul3A_23, %add3A_27 : vector<640x128xf32>
    %get3A_29 = arith.index_cast %reduce_sum3A_13 : i32 to index
    %get3A_30 = arith.constant 0 : index
    %get3A_31 = vector.load %arg3[%get3A_29, %get3A_30] : memref<10752x128xf32, #tpu.memory_space<vmem>>, vector<640x128xf32>
    %get3A_32 = arith.index_cast %reduce_sum3A_13 : i32 to index
    %get3A_33 = arith.constant 0 : index
    %get3A_34 = vector.load %arg4[%get3A_32, %get3A_33] : memref<10752x128xf32, #tpu.memory_space<vmem>>, vector<640x128xf32>
    %add3A_35 = arith.addf %get3A_31, %get3A_34 : vector<640x128xf32>
    %mul3A_36 = vector.broadcast %get3A_16 : vector<640x1xf32> to vector<640x128xf32>
    %mul3A_37 = arith.mulf %mul3A_36, %add3A_35 : vector<640x128xf32>
    %get3A_38 = arith.constant 0 : index
    %get3A_39 = arith.constant 0 : index
    %get3A_40 = vector.load %arg13[%get3A_38, %get3A_39] : memref<1x128xf32, #tpu.memory_space<vmem>>, vector<1x128xf32>
    %add3A_41 = vector.broadcast %get3A_40 : vector<1x128xf32> to vector<640x128xf32>
    %add3A_42 = arith.addf %mul3A_37, %add3A_41 : vector<640x128xf32>
    %min3A = arith.constant 625 : i32
    %min3A_43 = arith.minsi %reduce_sum3A_6, %min3A : i32
    %iota3A = tpu.iota {dimensions = array<i32: 0>} : vector<640x1xi32>
    %lt3A_44 = vector.broadcast %min3A_43 : i32 to vector<640x1xi32>
    %lt3A_45 = arith.cmpi slt, %iota3A, %lt3A_44 : vector<640x1xi32>
    %iota3A_46 = tpu.iota {dimensions = array<i32: 1>} : vector<1x640xi32>
    %lt3A_47 = vector.broadcast %min3A_43 : i32 to vector<1x640xi32>
    %lt3A_48 = arith.cmpi slt, %iota3A_46, %lt3A_47 : vector<1x640xi32>
    %jit3A = arith.constant 0.000000e+00 : f32
    %broadcast_in_dim3A = vector.shape_cast %lt3A_45 : vector<640x1xi1> to vector<640x1xi1>
    %broadcast_in_dim3A_49 = vector.broadcast %broadcast_in_dim3A : vector<640x1xi1> to vector<640x128xi1>
    %broadcast_in_dim3A_50 = vector.broadcast %jit3A : f32 to vector<640x128xf32>
    %select_n3A = arith.select %broadcast_in_dim3A_49, %add3A_42, %broadcast_in_dim3A_50 : vector<640x128xi1>, vector<640x128xf32>
    %jit3A_51 = arith.constant 0.000000e+00 : f32
    %jit3A_52 = arith.constant -1.000000e+09 : f32
    %broadcast_in_dim3A_53 = vector.broadcast %jit3A_51 : f32 to vector<1x640xf32>
    %broadcast_in_dim3A_54 = vector.broadcast %jit3A_52 : f32 to vector<1x640xf32>
    %select_n3A_55 = arith.select %lt3A_48, %broadcast_in_dim3A_53, %broadcast_in_dim3A_54 : vector<1x640xi1>, vector<1x640xf32>
    %get3A_56 = arith.constant 0 : index
    %get3A_57 = arith.constant 0 : index
    %get3A_58 = vector.load %arg7[%get3A_56, %get3A_57] : memref<75x128xf32, #tpu.memory_space<vmem>>, vector<75x128xf32>
    %get3A_59 = arith.constant 0 : index
    %get3A_60 = arith.constant 0 : index
    %get3A_61 = vector.load %arg8[%get3A_59, %get3A_60] : memref<128x128xf32, #tpu.memory_space<vmem>>, vector<128x128xf32>
    %dot_general3A = arith.constant dense<0.000000e+00> : vector<75x128xf32>
    %dot_general3A_62 = tpu.matmul %get3A_58, %get3A_61, %dot_general3A {dimension_numbers = #tpu.dot_dimension_numbers<[1], [0], [0], [1], [0, 0, 1, 1], [], []>, transpose_lhs_hint = false} : vector<75x128xf32>, vector<128x128xf32>, vector<75x128xf32> -> vector<75x128xf32>
    %get3A_63 = arith.constant 0 : index
    %get3A_64 = arith.constant 0 : index
    %get3A_65 = vector.load %arg9[%get3A_63, %get3A_64] : memref<1x128xf32, #tpu.memory_space<vmem>>, vector<1x128xf32>
    %add3A_66 = vector.broadcast %get3A_65 : vector<1x128xf32> to vector<75x128xf32>
    %add3A_67 = arith.addf %dot_general3A_62, %add3A_66 : vector<75x128xf32>
    %slice3A = vector.extract_strided_slice %add3A_67 {offsets = [0, 0], sizes = [75, 32], strides = [1, 1]} : vector<75x128xf32> to vector<75x32xf32>
    %slice3A_68 = vector.extract_strided_slice %add3A_28 {offsets = [0, 0], sizes = [640, 32], strides = [1, 1]} : vector<640x128xf32> to vector<640x32xf32>
    %slice3A_69 = vector.extract_strided_slice %select_n3A {offsets = [0, 0], sizes = [640, 32], strides = [1, 1]} : vector<640x128xf32> to vector<640x32xf32>
    %dot_general3A_70 = arith.constant dense<0.000000e+00> : vector<75x640xf32>
    %dot_general3A_71 = tpu.matmul %slice3A, %slice3A_68, %dot_general3A_70 {dimension_numbers = #tpu.dot_dimension_numbers<[1], [1], [0], [0], [0, 0, 1, 0], [], []>, transpose_lhs_hint = false} : vector<75x32xf32>, vector<640x32xf32>, vector<75x640xf32> -> vector<75x640xf32>
    %mul3A_72 = arith.constant 0.0883883461 : f32
    %mul3A_73 = vector.broadcast %mul3A_72 : f32 to vector<75x640xf32>
    %mul3A_74 = arith.mulf %dot_general3A_71, %mul3A_73 : vector<75x640xf32>
    %add3A_75 = vector.broadcast %select_n3A_55 : vector<1x640xf32> to vector<75x640xf32>
    %add3A_76 = arith.addf %mul3A_74, %add3A_75 : vector<75x640xf32>
    %reduce_max3A = arith.constant dense<0xFF800000> : vector<75xf32>
    %reduce_max3A_77 = vector.multi_reduction <maximumf>, %add3A_76, %reduce_max3A [1] : vector<75x640xf32> to vector<75xf32>
    %broadcast_in_dim3A_78 = vector.shape_cast %reduce_max3A_77 : vector<75xf32> to vector<75x1xf32>
    %sub3A = vector.broadcast %broadcast_in_dim3A_78 : vector<75x1xf32> to vector<75x640xf32>
    %sub3A_79 = arith.subf %add3A_76, %sub3A : vector<75x640xf32>
    %exp3A = math.exp %sub3A_79 : vector<75x640xf32>
    %reduce_sum3A_80 = arith.constant dense<0.000000e+00> : vector<75xf32>
    %reduce_sum3A_81 = vector.multi_reduction <add>, %exp3A, %reduce_sum3A_80 [1] : vector<75x640xf32> to vector<75xf32>
    %broadcast_in_dim3A_82 = vector.shape_cast %reduce_sum3A_81 : vector<75xf32> to vector<75x1xf32>
    %div3A = vector.broadcast %broadcast_in_dim3A_82 : vector<75x1xf32> to vector<75x640xf32>
    %div3A_83 = arith.divf %exp3A, %div3A : vector<75x640xf32>
    %dot_general3A_84 = arith.constant dense<0.000000e+00> : vector<75x32xf32>
    %dot_general3A_85 = tpu.matmul %div3A_83, %slice3A_69, %dot_general3A_84 {dimension_numbers = #tpu.dot_dimension_numbers<[1], [0], [0], [1], [0, 0, 1, 1], [], []>, transpose_lhs_hint = false} : vector<75x640xf32>, vector<640x32xf32>, vector<75x32xf32> -> vector<75x32xf32>
    %slice3A_86 = vector.extract_strided_slice %add3A_67 {offsets = [0, 32], sizes = [75, 32], strides = [1, 1]} : vector<75x128xf32> to vector<75x32xf32>
    %slice3A_87 = vector.extract_strided_slice %add3A_28 {offsets = [0, 32], sizes = [640, 32], strides = [1, 1]} : vector<640x128xf32> to vector<640x32xf32>
    %slice3A_88 = vector.extract_strided_slice %select_n3A {offsets = [0, 32], sizes = [640, 32], strides = [1, 1]} : vector<640x128xf32> to vector<640x32xf32>
    %dot_general3A_89 = arith.constant dense<0.000000e+00> : vector<75x640xf32>
    %dot_general3A_90 = tpu.matmul %slice3A_86, %slice3A_87, %dot_general3A_89 {dimension_numbers = #tpu.dot_dimension_numbers<[1], [1], [0], [0], [0, 0, 1, 0], [], []>, transpose_lhs_hint = false} : vector<75x32xf32>, vector<640x32xf32>, vector<75x640xf32> -> vector<75x640xf32>
    %mul3A_91 = arith.constant 0.0883883461 : f32
    %mul3A_92 = vector.broadcast %mul3A_91 : f32 to vector<75x640xf32>
    %mul3A_93 = arith.mulf %dot_general3A_90, %mul3A_92 : vector<75x640xf32>
    %add3A_94 = vector.broadcast %select_n3A_55 : vector<1x640xf32> to vector<75x640xf32>
    %add3A_95 = arith.addf %mul3A_93, %add3A_94 : vector<75x640xf32>
    %reduce_max3A_96 = arith.constant dense<0xFF800000> : vector<75xf32>
    %reduce_max3A_97 = vector.multi_reduction <maximumf>, %add3A_95, %reduce_max3A_96 [1] : vector<75x640xf32> to vector<75xf32>
    %broadcast_in_dim3A_98 = vector.shape_cast %reduce_max3A_97 : vector<75xf32> to vector<75x1xf32>
    %sub3A_99 = vector.broadcast %broadcast_in_dim3A_98 : vector<75x1xf32> to vector<75x640xf32>
    %sub3A_100 = arith.subf %add3A_95, %sub3A_99 : vector<75x640xf32>
    %exp3A_101 = math.exp %sub3A_100 : vector<75x640xf32>
    %reduce_sum3A_102 = arith.constant dense<0.000000e+00> : vector<75xf32>
    %reduce_sum3A_103 = vector.multi_reduction <add>, %exp3A_101, %reduce_sum3A_102 [1] : vector<75x640xf32> to vector<75xf32>
    %broadcast_in_dim3A_104 = vector.shape_cast %reduce_sum3A_103 : vector<75xf32> to vector<75x1xf32>
    %div3A_105 = vector.broadcast %broadcast_in_dim3A_104 : vector<75x1xf32> to vector<75x640xf32>
    %div3A_106 = arith.divf %exp3A_101, %div3A_105 : vector<75x640xf32>
    %dot_general3A_107 = arith.constant dense<0.000000e+00> : vector<75x32xf32>
    %dot_general3A_108 = tpu.matmul %div3A_106, %slice3A_88, %dot_general3A_107 {dimension_numbers = #tpu.dot_dimension_numbers<[1], [0], [0], [1], [0, 0, 1, 1], [], []>, transpose_lhs_hint = false} : vector<75x640xf32>, vector<640x32xf32>, vector<75x32xf32> -> vector<75x32xf32>
    %slice3A_109 = vector.extract_strided_slice %add3A_67 {offsets = [0, 64], sizes = [75, 32], strides = [1, 1]} : vector<75x128xf32> to vector<75x32xf32>
    %slice3A_110 = vector.extract_strided_slice %add3A_28 {offsets = [0, 64], sizes = [640, 32], strides = [1, 1]} : vector<640x128xf32> to vector<640x32xf32>
    %slice3A_111 = vector.extract_strided_slice %select_n3A {offsets = [0, 64], sizes = [640, 32], strides = [1, 1]} : vector<640x128xf32> to vector<640x32xf32>
    %dot_general3A_112 = arith.constant dense<0.000000e+00> : vector<75x640xf32>
    %dot_general3A_113 = tpu.matmul %slice3A_109, %slice3A_110, %dot_general3A_112 {dimension_numbers = #tpu.dot_dimension_numbers<[1], [1], [0], [0], [0, 0, 1, 0], [], []>, transpose_lhs_hint = false} : vector<75x32xf32>, vector<640x32xf32>, vector<75x640xf32> -> vector<75x640xf32>
    %mul3A_114 = arith.constant 0.0883883461 : f32
    %mul3A_115 = vector.broadcast %mul3A_114 : f32 to vector<75x640xf32>
    %mul3A_116 = arith.mulf %dot_general3A_113, %mul3A_115 : vector<75x640xf32>
    %add3A_117 = vector.broadcast %select_n3A_55 : vector<1x640xf32> to vector<75x640xf32>
    %add3A_118 = arith.addf %mul3A_116, %add3A_117 : vector<75x640xf32>
    %reduce_max3A_119 = arith.constant dense<0xFF800000> : vector<75xf32>
    %reduce_max3A_120 = vector.multi_reduction <maximumf>, %add3A_118, %reduce_max3A_119 [1] : vector<75x640xf32> to vector<75xf32>
    %broadcast_in_dim3A_121 = vector.shape_cast %reduce_max3A_120 : vector<75xf32> to vector<75x1xf32>
    %sub3A_122 = vector.broadcast %broadcast_in_dim3A_121 : vector<75x1xf32> to vector<75x640xf32>
    %sub3A_123 = arith.subf %add3A_118, %sub3A_122 : vector<75x640xf32>
    %exp3A_124 = math.exp %sub3A_123 : vector<75x640xf32>
    %reduce_sum3A_125 = arith.constant dense<0.000000e+00> : vector<75xf32>
    %reduce_sum3A_126 = vector.multi_reduction <add>, %exp3A_124, %reduce_sum3A_125 [1] : vector<75x640xf32> to vector<75xf32>
    %broadcast_in_dim3A_127 = vector.shape_cast %reduce_sum3A_126 : vector<75xf32> to vector<75x1xf32>
    %div3A_128 = vector.broadcast %broadcast_in_dim3A_127 : vector<75x1xf32> to vector<75x640xf32>
    %div3A_129 = arith.divf %exp3A_124, %div3A_128 : vector<75x640xf32>
    %dot_general3A_130 = arith.constant dense<0.000000e+00> : vector<75x32xf32>
    %dot_general3A_131 = tpu.matmul %div3A_129, %slice3A_111, %dot_general3A_130 {dimension_numbers = #tpu.dot_dimension_numbers<[1], [0], [0], [1], [0, 0, 1, 1], [], []>, transpose_lhs_hint = false} : vector<75x640xf32>, vector<640x32xf32>, vector<75x32xf32> -> vector<75x32xf32>
    %slice3A_132 = vector.extract_strided_slice %add3A_67 {offsets = [0, 96], sizes = [75, 32], strides = [1, 1]} : vector<75x128xf32> to vector<75x32xf32>
    %slice3A_133 = vector.extract_strided_slice %add3A_28 {offsets = [0, 96], sizes = [640, 32], strides = [1, 1]} : vector<640x128xf32> to vector<640x32xf32>
    %slice3A_134 = vector.extract_strided_slice %select_n3A {offsets = [0, 96], sizes = [640, 32], strides = [1, 1]} : vector<640x128xf32> to vector<640x32xf32>
    %dot_general3A_135 = arith.constant dense<0.000000e+00> : vector<75x640xf32>
    %dot_general3A_136 = tpu.matmul %slice3A_132, %slice3A_133, %dot_general3A_135 {dimension_numbers = #tpu.dot_dimension_numbers<[1], [1], [0], [0], [0, 0, 1, 0], [], []>, transpose_lhs_hint = false} : vector<75x32xf32>, vector<640x32xf32>, vector<75x640xf32> -> vector<75x640xf32>
    %mul3A_137 = arith.constant 0.0883883461 : f32
    %mul3A_138 = vector.broadcast %mul3A_137 : f32 to vector<75x640xf32>
    %mul3A_139 = arith.mulf %dot_general3A_136, %mul3A_138 : vector<75x640xf32>
    %add3A_140 = vector.broadcast %select_n3A_55 : vector<1x640xf32> to vector<75x640xf32>
    %add3A_141 = arith.addf %mul3A_139, %add3A_140 : vector<75x640xf32>
    %reduce_max3A_142 = arith.constant dense<0xFF800000> : vector<75xf32>
    %reduce_max3A_143 = vector.multi_reduction <maximumf>, %add3A_141, %reduce_max3A_142 [1] : vector<75x640xf32> to vector<75xf32>
    %broadcast_in_dim3A_144 = vector.shape_cast %reduce_max3A_143 : vector<75xf32> to vector<75x1xf32>
    %sub3A_145 = vector.broadcast %broadcast_in_dim3A_144 : vector<75x1xf32> to vector<75x640xf32>
    %sub3A_146 = arith.subf %add3A_141, %sub3A_145 : vector<75x640xf32>
    %exp3A_147 = math.exp %sub3A_146 : vector<75x640xf32>
    %reduce_sum3A_148 = arith.constant dense<0.000000e+00> : vector<75xf32>
    %reduce_sum3A_149 = vector.multi_reduction <add>, %exp3A_147, %reduce_sum3A_148 [1] : vector<75x640xf32> to vector<75xf32>
    %broadcast_in_dim3A_150 = vector.shape_cast %reduce_sum3A_149 : vector<75xf32> to vector<75x1xf32>
    %div3A_151 = vector.broadcast %broadcast_in_dim3A_150 : vector<75x1xf32> to vector<75x640xf32>
    %div3A_152 = arith.divf %exp3A_147, %div3A_151 : vector<75x640xf32>
    %dot_general3A_153 = arith.constant dense<0.000000e+00> : vector<75x32xf32>
    %dot_general3A_154 = tpu.matmul %div3A_152, %slice3A_134, %dot_general3A_153 {dimension_numbers = #tpu.dot_dimension_numbers<[1], [0], [0], [1], [0, 0, 1, 1], [], []>, transpose_lhs_hint = false} : vector<75x640xf32>, vector<640x32xf32>, vector<75x32xf32> -> vector<75x32xf32>
    %concatenate3A = tpu.concatenate %dot_general3A_85, %dot_general3A_108, %dot_general3A_131, %dot_general3A_154 in 1 : vector<75x32xf32>, vector<75x32xf32>, vector<75x32xf32>, vector<75x32xf32> -> vector<75x128xf32>
    %add3A_155 = arith.addf %add3A_67, %concatenate3A : vector<75x128xf32>
    %get3A_156 = arith.constant 0 : index
    %get3A_157 = arith.constant 0 : index
    %get3A_158 = vector.load %arg10[%get3A_156, %get3A_157] : memref<128x128xf32, #tpu.memory_space<vmem>>, vector<128x128xf32>
    %dot_general3A_159 = arith.constant dense<0.000000e+00> : vector<75x128xf32>
    %dot_general3A_160 = tpu.matmul %add3A_155, %get3A_158, %dot_general3A_159 {dimension_numbers = #tpu.dot_dimension_numbers<[1], [0], [0], [1], [0, 0, 1, 1], [], []>, transpose_lhs_hint = false} : vector<75x128xf32>, vector<128x128xf32>, vector<75x128xf32> -> vector<75x128xf32>
    %get3A_161 = arith.constant 0 : index
    %get3A_162 = arith.constant 0 : index
    %get3A_163 = vector.load %arg11[%get3A_161, %get3A_162] : memref<1x128xf32, #tpu.memory_space<vmem>>, vector<1x128xf32>
    %add3A_164 = vector.broadcast %get3A_163 : vector<1x128xf32> to vector<75x128xf32>
    %add3A_165 = arith.addf %dot_general3A_160, %add3A_164 : vector<75x128xf32>
    %max3A = arith.constant 0.000000e+00 : f32
    %max3A_166 = vector.broadcast %max3A : f32 to vector<75x128xf32>
    %max3A_167 = arith.maximumf %add3A_165, %max3A_166 : vector<75x128xf32>
    %add3A_168 = arith.addf %add3A_155, %max3A_167 : vector<75x128xf32>
    %get3A_169 = arith.constant 0 : index
    %get3A_170 = arith.constant 0 : index
    %get3A_171 = vector.load %arg14[%get3A_169, %get3A_170] : memref<128x128xf32, #tpu.memory_space<vmem>>, vector<128x128xf32>
    %dot_general3A_172 = arith.constant dense<0.000000e+00> : vector<75x128xf32>
    %dot_general3A_173 = tpu.matmul %add3A_168, %get3A_171, %dot_general3A_172 {dimension_numbers = #tpu.dot_dimension_numbers<[1], [0], [0], [1], [0, 0, 1, 1], [], []>, transpose_lhs_hint = false} : vector<75x128xf32>, vector<128x128xf32>, vector<75x128xf32> -> vector<75x128xf32>
    %get3A_174 = arith.constant 0 : index
    %get3A_175 = arith.constant 0 : index
    %get3A_176 = vector.load %arg15[%get3A_174, %get3A_175] : memref<1x128xf32, #tpu.memory_space<vmem>>, vector<1x128xf32>
    %add3A_177 = vector.broadcast %get3A_176 : vector<1x128xf32> to vector<75x128xf32>
    %add3A_178 = arith.addf %dot_general3A_173, %add3A_177 : vector<75x128xf32>
    %get3A_179 = arith.constant 0 : index
    %get3A_180 = arith.constant 0 : index
    %get3A_181 = vector.load %arg16[%get3A_179, %get3A_180] : memref<128x128xf32, #tpu.memory_space<vmem>>, vector<128x128xf32>
    %dot_general3A_182 = arith.constant dense<0.000000e+00> : vector<75x128xf32>
    %dot_general3A_183 = tpu.matmul %add3A_168, %get3A_181, %dot_general3A_182 {dimension_numbers = #tpu.dot_dimension_numbers<[1], [0], [0], [1], [0, 0, 1, 1], [], []>, transpose_lhs_hint = false} : vector<75x128xf32>, vector<128x128xf32>, vector<75x128xf32> -> vector<75x128xf32>
    %get3A_184 = arith.constant 0 : index
    %get3A_185 = arith.constant 0 : index
    %get3A_186 = vector.load %arg17[%get3A_184, %get3A_185] : memref<1x128xf32, #tpu.memory_space<vmem>>, vector<1x128xf32>
    %add3A_187 = vector.broadcast %get3A_186 : vector<1x128xf32> to vector<75x128xf32>
    %add3A_188 = arith.addf %dot_general3A_183, %add3A_187 : vector<75x128xf32>
    %get3A_189 = arith.constant 0 : index
    %get3A_190 = arith.constant 0 : index
    %get3A_191 = vector.load %arg18[%get3A_189, %get3A_190] : memref<128x128xf32, #tpu.memory_space<vmem>>, vector<128x128xf32>
    %dot_general3A_192 = arith.constant dense<0.000000e+00> : vector<75x128xf32>
    %dot_general3A_193 = tpu.matmul %add3A_168, %get3A_191, %dot_general3A_192 {dimension_numbers = #tpu.dot_dimension_numbers<[1], [0], [0], [1], [0, 0, 1, 1], [], []>, transpose_lhs_hint = false} : vector<75x128xf32>, vector<128x128xf32>, vector<75x128xf32> -> vector<75x128xf32>
    %get3A_194 = arith.constant 0 : index
    %get3A_195 = arith.constant 0 : index
    %get3A_196 = vector.load %arg19[%get3A_194, %get3A_195] : memref<1x128xf32, #tpu.memory_space<vmem>>, vector<1x128xf32>
    %add3A_197 = vector.broadcast %get3A_196 : vector<1x128xf32> to vector<75x128xf32>
    %add3A_198 = arith.addf %dot_general3A_193, %add3A_197 : vector<75x128xf32>
    %slice3A_199 = vector.extract_strided_slice %add3A_178 {offsets = [0, 0], sizes = [75, 32], strides = [1, 1]} : vector<75x128xf32> to vector<75x32xf32>
    %slice3A_200 = vector.extract_strided_slice %add3A_188 {offsets = [0, 0], sizes = [75, 32], strides = [1, 1]} : vector<75x128xf32> to vector<75x32xf32>
    %slice3A_201 = vector.extract_strided_slice %add3A_198 {offsets = [0, 0], sizes = [75, 32], strides = [1, 1]} : vector<75x128xf32> to vector<75x32xf32>
    %dot_general3A_202 = arith.constant dense<0.000000e+00> : vector<75x75xf32>
    %dot_general3A_203 = tpu.matmul %slice3A_199, %slice3A_200, %dot_general3A_202 {dimension_numbers = #tpu.dot_dimension_numbers<[1], [1], [0], [0], [0, 0, 1, 0], [], []>, transpose_lhs_hint = false} : vector<75x32xf32>, vector<75x32xf32>, vector<75x75xf32> -> vector<75x75xf32>
    %mul3A_204 = arith.constant 0.0883883461 : f32
    %mul3A_205 = vector.broadcast %mul3A_204 : f32 to vector<75x75xf32>
    %mul3A_206 = arith.mulf %dot_general3A_203, %mul3A_205 : vector<75x75xf32>
    %reduce_max3A_207 = arith.constant dense<0xFF800000> : vector<75xf32>
    %reduce_max3A_208 = vector.multi_reduction <maximumf>, %mul3A_206, %reduce_max3A_207 [1] : vector<75x75xf32> to vector<75xf32>
    %broadcast_in_dim3A_209 = vector.shape_cast %reduce_max3A_208 : vector<75xf32> to vector<75x1xf32>
    %sub3A_210 = vector.broadcast %broadcast_in_dim3A_209 : vector<75x1xf32> to vector<75x75xf32>
    %sub3A_211 = arith.subf %mul3A_206, %sub3A_210 : vector<75x75xf32>
    %exp3A_212 = math.exp %sub3A_211 : vector<75x75xf32>
    %reduce_sum3A_213 = arith.constant dense<0.000000e+00> : vector<75xf32>
    %reduce_sum3A_214 = vector.multi_reduction <add>, %exp3A_212, %reduce_sum3A_213 [1] : vector<75x75xf32> to vector<75xf32>
    %broadcast_in_dim3A_215 = vector.shape_cast %reduce_sum3A_214 : vector<75xf32> to vector<75x1xf32>
    %div3A_216 = vector.broadcast %broadcast_in_dim3A_215 : vector<75x1xf32> to vector<75x75xf32>
    %div3A_217 = arith.divf %exp3A_212, %div3A_216 : vector<75x75xf32>
    %dot_general3A_218 = arith.constant dense<0.000000e+00> : vector<75x32xf32>
    %dot_general3A_219 = tpu.matmul %div3A_217, %slice3A_201, %dot_general3A_218 {dimension_numbers = #tpu.dot_dimension_numbers<[1], [0], [0], [1], [0, 0, 1, 1], [], []>, transpose_lhs_hint = false} : vector<75x75xf32>, vector<75x32xf32>, vector<75x32xf32> -> vector<75x32xf32>
    %slice3A_220 = vector.extract_strided_slice %add3A_178 {offsets = [0, 32], sizes = [75, 32], strides = [1, 1]} : vector<75x128xf32> to vector<75x32xf32>
    %slice3A_221 = vector.extract_strided_slice %add3A_188 {offsets = [0, 32], sizes = [75, 32], strides = [1, 1]} : vector<75x128xf32> to vector<75x32xf32>
    %slice3A_222 = vector.extract_strided_slice %add3A_198 {offsets = [0, 32], sizes = [75, 32], strides = [1, 1]} : vector<75x128xf32> to vector<75x32xf32>
    %dot_general3A_223 = arith.constant dense<0.000000e+00> : vector<75x75xf32>
    %dot_general3A_224 = tpu.matmul %slice3A_220, %slice3A_221, %dot_general3A_223 {dimension_numbers = #tpu.dot_dimension_numbers<[1], [1], [0], [0], [0, 0, 1, 0], [], []>, transpose_lhs_hint = false} : vector<75x32xf32>, vector<75x32xf32>, vector<75x75xf32> -> vector<75x75xf32>
    %mul3A_225 = arith.constant 0.0883883461 : f32
    %mul3A_226 = vector.broadcast %mul3A_225 : f32 to vector<75x75xf32>
    %mul3A_227 = arith.mulf %dot_general3A_224, %mul3A_226 : vector<75x75xf32>
    %reduce_max3A_228 = arith.constant dense<0xFF800000> : vector<75xf32>
    %reduce_max3A_229 = vector.multi_reduction <maximumf>, %mul3A_227, %reduce_max3A_228 [1] : vector<75x75xf32> to vector<75xf32>
    %broadcast_in_dim3A_230 = vector.shape_cast %reduce_max3A_229 : vector<75xf32> to vector<75x1xf32>
    %sub3A_231 = vector.broadcast %broadcast_in_dim3A_230 : vector<75x1xf32> to vector<75x75xf32>
    %sub3A_232 = arith.subf %mul3A_227, %sub3A_231 : vector<75x75xf32>
    %exp3A_233 = math.exp %sub3A_232 : vector<75x75xf32>
    %reduce_sum3A_234 = arith.constant dense<0.000000e+00> : vector<75xf32>
    %reduce_sum3A_235 = vector.multi_reduction <add>, %exp3A_233, %reduce_sum3A_234 [1] : vector<75x75xf32> to vector<75xf32>
    %broadcast_in_dim3A_236 = vector.shape_cast %reduce_sum3A_235 : vector<75xf32> to vector<75x1xf32>
    %div3A_237 = vector.broadcast %broadcast_in_dim3A_236 : vector<75x1xf32> to vector<75x75xf32>
    %div3A_238 = arith.divf %exp3A_233, %div3A_237 : vector<75x75xf32>
    %dot_general3A_239 = arith.constant dense<0.000000e+00> : vector<75x32xf32>
    %dot_general3A_240 = tpu.matmul %div3A_238, %slice3A_222, %dot_general3A_239 {dimension_numbers = #tpu.dot_dimension_numbers<[1], [0], [0], [1], [0, 0, 1, 1], [], []>, transpose_lhs_hint = false} : vector<75x75xf32>, vector<75x32xf32>, vector<75x32xf32> -> vector<75x32xf32>
    %slice3A_241 = vector.extract_strided_slice %add3A_178 {offsets = [0, 64], sizes = [75, 32], strides = [1, 1]} : vector<75x128xf32> to vector<75x32xf32>
    %slice3A_242 = vector.extract_strided_slice %add3A_188 {offsets = [0, 64], sizes = [75, 32], strides = [1, 1]} : vector<75x128xf32> to vector<75x32xf32>
    %slice3A_243 = vector.extract_strided_slice %add3A_198 {offsets = [0, 64], sizes = [75, 32], strides = [1, 1]} : vector<75x128xf32> to vector<75x32xf32>
    %dot_general3A_244 = arith.constant dense<0.000000e+00> : vector<75x75xf32>
    %dot_general3A_245 = tpu.matmul %slice3A_241, %slice3A_242, %dot_general3A_244 {dimension_numbers = #tpu.dot_dimension_numbers<[1], [1], [0], [0], [0, 0, 1, 0], [], []>, transpose_lhs_hint = false} : vector<75x32xf32>, vector<75x32xf32>, vector<75x75xf32> -> vector<75x75xf32>
    %mul3A_246 = arith.constant 0.0883883461 : f32
    %mul3A_247 = vector.broadcast %mul3A_246 : f32 to vector<75x75xf32>
    %mul3A_248 = arith.mulf %dot_general3A_245, %mul3A_247 : vector<75x75xf32>
    %reduce_max3A_249 = arith.constant dense<0xFF800000> : vector<75xf32>
    %reduce_max3A_250 = vector.multi_reduction <maximumf>, %mul3A_248, %reduce_max3A_249 [1] : vector<75x75xf32> to vector<75xf32>
    %broadcast_in_dim3A_251 = vector.shape_cast %reduce_max3A_250 : vector<75xf32> to vector<75x1xf32>
    %sub3A_252 = vector.broadcast %broadcast_in_dim3A_251 : vector<75x1xf32> to vector<75x75xf32>
    %sub3A_253 = arith.subf %mul3A_248, %sub3A_252 : vector<75x75xf32>
    %exp3A_254 = math.exp %sub3A_253 : vector<75x75xf32>
    %reduce_sum3A_255 = arith.constant dense<0.000000e+00> : vector<75xf32>
    %reduce_sum3A_256 = vector.multi_reduction <add>, %exp3A_254, %reduce_sum3A_255 [1] : vector<75x75xf32> to vector<75xf32>
    %broadcast_in_dim3A_257 = vector.shape_cast %reduce_sum3A_256 : vector<75xf32> to vector<75x1xf32>
    %div3A_258 = vector.broadcast %broadcast_in_dim3A_257 : vector<75x1xf32> to vector<75x75xf32>
    %div3A_259 = arith.divf %exp3A_254, %div3A_258 : vector<75x75xf32>
    %dot_general3A_260 = arith.constant dense<0.000000e+00> : vector<75x32xf32>
    %dot_general3A_261 = tpu.matmul %div3A_259, %slice3A_243, %dot_general3A_260 {dimension_numbers = #tpu.dot_dimension_numbers<[1], [0], [0], [1], [0, 0, 1, 1], [], []>, transpose_lhs_hint = false} : vector<75x75xf32>, vector<75x32xf32>, vector<75x32xf32> -> vector<75x32xf32>
    %slice3A_262 = vector.extract_strided_slice %add3A_178 {offsets = [0, 96], sizes = [75, 32], strides = [1, 1]} : vector<75x128xf32> to vector<75x32xf32>
    %slice3A_263 = vector.extract_strided_slice %add3A_188 {offsets = [0, 96], sizes = [75, 32], strides = [1, 1]} : vector<75x128xf32> to vector<75x32xf32>
    %slice3A_264 = vector.extract_strided_slice %add3A_198 {offsets = [0, 96], sizes = [75, 32], strides = [1, 1]} : vector<75x128xf32> to vector<75x32xf32>
    %dot_general3A_265 = arith.constant dense<0.000000e+00> : vector<75x75xf32>
    %dot_general3A_266 = tpu.matmul %slice3A_262, %slice3A_263, %dot_general3A_265 {dimension_numbers = #tpu.dot_dimension_numbers<[1], [1], [0], [0], [0, 0, 1, 0], [], []>, transpose_lhs_hint = false} : vector<75x32xf32>, vector<75x32xf32>, vector<75x75xf32> -> vector<75x75xf32>
    %mul3A_267 = arith.constant 0.0883883461 : f32
    %mul3A_268 = vector.broadcast %mul3A_267 : f32 to vector<75x75xf32>
    %mul3A_269 = arith.mulf %dot_general3A_266, %mul3A_268 : vector<75x75xf32>
    %reduce_max3A_270 = arith.constant dense<0xFF800000> : vector<75xf32>
    %reduce_max3A_271 = vector.multi_reduction <maximumf>, %mul3A_269, %reduce_max3A_270 [1] : vector<75x75xf32> to vector<75xf32>
    %broadcast_in_dim3A_272 = vector.shape_cast %reduce_max3A_271 : vector<75xf32> to vector<75x1xf32>
    %sub3A_273 = vector.broadcast %broadcast_in_dim3A_272 : vector<75x1xf32> to vector<75x75xf32>
    %sub3A_274 = arith.subf %mul3A_269, %sub3A_273 : vector<75x75xf32>
    %exp3A_275 = math.exp %sub3A_274 : vector<75x75xf32>
    %reduce_sum3A_276 = arith.constant dense<0.000000e+00> : vector<75xf32>
    %reduce_sum3A_277 = vector.multi_reduction <add>, %exp3A_275, %reduce_sum3A_276 [1] : vector<75x75xf32> to vector<75xf32>
    %broadcast_in_dim3A_278 = vector.shape_cast %reduce_sum3A_277 : vector<75xf32> to vector<75x1xf32>
    %div3A_279 = vector.broadcast %broadcast_in_dim3A_278 : vector<75x1xf32> to vector<75x75xf32>
    %div3A_280 = arith.divf %exp3A_275, %div3A_279 : vector<75x75xf32>
    %dot_general3A_281 = arith.constant dense<0.000000e+00> : vector<75x32xf32>
    %dot_general3A_282 = tpu.matmul %div3A_280, %slice3A_264, %dot_general3A_281 {dimension_numbers = #tpu.dot_dimension_numbers<[1], [0], [0], [1], [0, 0, 1, 1], [], []>, transpose_lhs_hint = false} : vector<75x75xf32>, vector<75x32xf32>, vector<75x32xf32> -> vector<75x32xf32>
    %concatenate3A_283 = tpu.concatenate %dot_general3A_219, %dot_general3A_240, %dot_general3A_261, %dot_general3A_282 in 1 : vector<75x32xf32>, vector<75x32xf32>, vector<75x32xf32>, vector<75x32xf32> -> vector<75x128xf32>
    %add3A_284 = arith.addf %add3A_178, %concatenate3A_283 : vector<75x128xf32>
    %get3A_285 = arith.constant 0 : index
    %get3A_286 = arith.constant 0 : index
    %get3A_287 = vector.load %arg20[%get3A_285, %get3A_286] : memref<128x128xf32, #tpu.memory_space<vmem>>, vector<128x128xf32>
    %dot_general3A_288 = arith.constant dense<0.000000e+00> : vector<75x128xf32>
    %dot_general3A_289 = tpu.matmul %add3A_284, %get3A_287, %dot_general3A_288 {dimension_numbers = #tpu.dot_dimension_numbers<[1], [0], [0], [1], [0, 0, 1, 1], [], []>, transpose_lhs_hint = false} : vector<75x128xf32>, vector<128x128xf32>, vector<75x128xf32> -> vector<75x128xf32>
    %get3A_290 = arith.constant 0 : index
    %get3A_291 = arith.constant 0 : index
    %get3A_292 = vector.load %arg21[%get3A_290, %get3A_291] : memref<1x128xf32, #tpu.memory_space<vmem>>, vector<1x128xf32>
    %add3A_293 = vector.broadcast %get3A_292 : vector<1x128xf32> to vector<75x128xf32>
    %add3A_294 = arith.addf %dot_general3A_289, %add3A_293 : vector<75x128xf32>
    %max3A_295 = arith.constant 0.000000e+00 : f32
    %max3A_296 = vector.broadcast %max3A_295 : f32 to vector<75x128xf32>
    %max3A_297 = arith.maximumf %add3A_294, %max3A_296 : vector<75x128xf32>
    %add3A_298 = arith.addf %add3A_284, %max3A_297 : vector<75x128xf32>
    %get3A_299 = arith.constant 0 : index
    %get3A_300 = arith.constant 0 : index
    %get3A_301 = vector.load %arg22[%get3A_299, %get3A_300] : memref<1x128xf32, #tpu.memory_space<vmem>>, vector<1x128xf32>
    %get3A_302 = arith.constant 0 : index
    %get3A_303 = arith.constant 0 : index
    %get3A_304 = vector.load %arg23[%get3A_302, %get3A_303] : memref<128x128xf32, #tpu.memory_space<vmem>>, vector<128x128xf32>
    %dot_general3A_305 = arith.constant dense<0.000000e+00> : vector<1x128xf32>
    %dot_general3A_306 = tpu.matmul %get3A_301, %get3A_304, %dot_general3A_305 {dimension_numbers = #tpu.dot_dimension_numbers<[1], [0], [0], [1], [0, 0, 1, 1], [], []>, transpose_lhs_hint = false} : vector<1x128xf32>, vector<128x128xf32>, vector<1x128xf32> -> vector<1x128xf32>
    %get3A_307 = arith.constant 0 : index
    %get3A_308 = arith.constant 0 : index
    %get3A_309 = vector.load %arg24[%get3A_307, %get3A_308] : memref<1x128xf32, #tpu.memory_space<vmem>>, vector<1x128xf32>
    %add3A_310 = arith.addf %dot_general3A_306, %get3A_309 : vector<1x128xf32>
    %get3A_311 = arith.constant 0 : index
    %get3A_312 = arith.constant 0 : index
    %get3A_313 = vector.load %arg25[%get3A_311, %get3A_312] : memref<128x128xf32, #tpu.memory_space<vmem>>, vector<128x128xf32>
    %dot_general3A_314 = arith.constant dense<0.000000e+00> : vector<75x128xf32>
    %dot_general3A_315 = tpu.matmul %add3A_298, %get3A_313, %dot_general3A_314 {dimension_numbers = #tpu.dot_dimension_numbers<[1], [0], [0], [1], [0, 0, 1, 1], [], []>, transpose_lhs_hint = false} : vector<75x128xf32>, vector<128x128xf32>, vector<75x128xf32> -> vector<75x128xf32>
    %get3A_316 = arith.constant 0 : index
    %get3A_317 = arith.constant 0 : index
    %get3A_318 = vector.load %arg26[%get3A_316, %get3A_317] : memref<1x128xf32, #tpu.memory_space<vmem>>, vector<1x128xf32>
    %add3A_319 = vector.broadcast %get3A_318 : vector<1x128xf32> to vector<75x128xf32>
    %add3A_320 = arith.addf %dot_general3A_315, %add3A_319 : vector<75x128xf32>
    %get3A_321 = arith.constant 0 : index
    %get3A_322 = arith.constant 0 : index
    %get3A_323 = vector.load %arg27[%get3A_321, %get3A_322] : memref<128x128xf32, #tpu.memory_space<vmem>>, vector<128x128xf32>
    %dot_general3A_324 = arith.constant dense<0.000000e+00> : vector<75x128xf32>
    %dot_general3A_325 = tpu.matmul %add3A_298, %get3A_323, %dot_general3A_324 {dimension_numbers = #tpu.dot_dimension_numbers<[1], [0], [0], [1], [0, 0, 1, 1], [], []>, transpose_lhs_hint = false} : vector<75x128xf32>, vector<128x128xf32>, vector<75x128xf32> -> vector<75x128xf32>
    %get3A_326 = arith.constant 0 : index
    %get3A_327 = arith.constant 0 : index
    %get3A_328 = vector.load %arg28[%get3A_326, %get3A_327] : memref<1x128xf32, #tpu.memory_space<vmem>>, vector<1x128xf32>
    %add3A_329 = vector.broadcast %get3A_328 : vector<1x128xf32> to vector<75x128xf32>
    %add3A_330 = arith.addf %dot_general3A_325, %add3A_329 : vector<75x128xf32>
    %slice3A_331 = vector.extract_strided_slice %add3A_310 {offsets = [0, 0], sizes = [1, 32], strides = [1, 1]} : vector<1x128xf32> to vector<1x32xf32>
    %slice3A_332 = vector.extract_strided_slice %add3A_320 {offsets = [0, 0], sizes = [75, 32], strides = [1, 1]} : vector<75x128xf32> to vector<75x32xf32>
    %slice3A_333 = vector.extract_strided_slice %add3A_330 {offsets = [0, 0], sizes = [75, 32], strides = [1, 1]} : vector<75x128xf32> to vector<75x32xf32>
    %dot_general3A_334 = arith.constant dense<0.000000e+00> : vector<1x75xf32>
    %dot_general3A_335 = tpu.matmul %slice3A_331, %slice3A_332, %dot_general3A_334 {dimension_numbers = #tpu.dot_dimension_numbers<[1], [1], [0], [0], [0, 0, 1, 0], [], []>, transpose_lhs_hint = false} : vector<1x32xf32>, vector<75x32xf32>, vector<1x75xf32> -> vector<1x75xf32>
    %mul3A_336 = arith.constant 0.0883883461 : f32
    %mul3A_337 = vector.broadcast %mul3A_336 : f32 to vector<1x75xf32>
    %mul3A_338 = arith.mulf %dot_general3A_335, %mul3A_337 : vector<1x75xf32>
    %reduce_max3A_339 = arith.constant dense<0xFF800000> : vector<1xf32>
    %reduce_max3A_340 = vector.multi_reduction <maximumf>, %mul3A_338, %reduce_max3A_339 [1] : vector<1x75xf32> to vector<1xf32>
    %broadcast_in_dim3A_341 = vector.shape_cast %reduce_max3A_340 : vector<1xf32> to vector<1x1xf32>
    %sub3A_342 = vector.broadcast %broadcast_in_dim3A_341 : vector<1x1xf32> to vector<1x75xf32>
    %sub3A_343 = arith.subf %mul3A_338, %sub3A_342 : vector<1x75xf32>
    %exp3A_344 = math.exp %sub3A_343 : vector<1x75xf32>
    %reduce_sum3A_345 = arith.constant dense<0.000000e+00> : vector<1xf32>
    %reduce_sum3A_346 = vector.multi_reduction <add>, %exp3A_344, %reduce_sum3A_345 [1] : vector<1x75xf32> to vector<1xf32>
    %broadcast_in_dim3A_347 = vector.shape_cast %reduce_sum3A_346 : vector<1xf32> to vector<1x1xf32>
    %div3A_348 = vector.broadcast %broadcast_in_dim3A_347 : vector<1x1xf32> to vector<1x75xf32>
    %div3A_349 = arith.divf %exp3A_344, %div3A_348 : vector<1x75xf32>
    %dot_general3A_350 = arith.constant dense<0.000000e+00> : vector<1x32xf32>
    %dot_general3A_351 = tpu.matmul %div3A_349, %slice3A_333, %dot_general3A_350 {dimension_numbers = #tpu.dot_dimension_numbers<[1], [0], [0], [1], [0, 0, 1, 1], [], []>, transpose_lhs_hint = false} : vector<1x75xf32>, vector<75x32xf32>, vector<1x32xf32> -> vector<1x32xf32>
    %slice3A_352 = vector.extract_strided_slice %add3A_310 {offsets = [0, 32], sizes = [1, 32], strides = [1, 1]} : vector<1x128xf32> to vector<1x32xf32>
    %slice3A_353 = vector.extract_strided_slice %add3A_320 {offsets = [0, 32], sizes = [75, 32], strides = [1, 1]} : vector<75x128xf32> to vector<75x32xf32>
    %slice3A_354 = vector.extract_strided_slice %add3A_330 {offsets = [0, 32], sizes = [75, 32], strides = [1, 1]} : vector<75x128xf32> to vector<75x32xf32>
    %dot_general3A_355 = arith.constant dense<0.000000e+00> : vector<1x75xf32>
    %dot_general3A_356 = tpu.matmul %slice3A_352, %slice3A_353, %dot_general3A_355 {dimension_numbers = #tpu.dot_dimension_numbers<[1], [1], [0], [0], [0, 0, 1, 0], [], []>, transpose_lhs_hint = false} : vector<1x32xf32>, vector<75x32xf32>, vector<1x75xf32> -> vector<1x75xf32>
    %mul3A_357 = arith.constant 0.0883883461 : f32
    %mul3A_358 = vector.broadcast %mul3A_357 : f32 to vector<1x75xf32>
    %mul3A_359 = arith.mulf %dot_general3A_356, %mul3A_358 : vector<1x75xf32>
    %reduce_max3A_360 = arith.constant dense<0xFF800000> : vector<1xf32>
    %reduce_max3A_361 = vector.multi_reduction <maximumf>, %mul3A_359, %reduce_max3A_360 [1] : vector<1x75xf32> to vector<1xf32>
    %broadcast_in_dim3A_362 = vector.shape_cast %reduce_max3A_361 : vector<1xf32> to vector<1x1xf32>
    %sub3A_363 = vector.broadcast %broadcast_in_dim3A_362 : vector<1x1xf32> to vector<1x75xf32>
    %sub3A_364 = arith.subf %mul3A_359, %sub3A_363 : vector<1x75xf32>
    %exp3A_365 = math.exp %sub3A_364 : vector<1x75xf32>
    %reduce_sum3A_366 = arith.constant dense<0.000000e+00> : vector<1xf32>
    %reduce_sum3A_367 = vector.multi_reduction <add>, %exp3A_365, %reduce_sum3A_366 [1] : vector<1x75xf32> to vector<1xf32>
    %broadcast_in_dim3A_368 = vector.shape_cast %reduce_sum3A_367 : vector<1xf32> to vector<1x1xf32>
    %div3A_369 = vector.broadcast %broadcast_in_dim3A_368 : vector<1x1xf32> to vector<1x75xf32>
    %div3A_370 = arith.divf %exp3A_365, %div3A_369 : vector<1x75xf32>
    %dot_general3A_371 = arith.constant dense<0.000000e+00> : vector<1x32xf32>
    %dot_general3A_372 = tpu.matmul %div3A_370, %slice3A_354, %dot_general3A_371 {dimension_numbers = #tpu.dot_dimension_numbers<[1], [0], [0], [1], [0, 0, 1, 1], [], []>, transpose_lhs_hint = false} : vector<1x75xf32>, vector<75x32xf32>, vector<1x32xf32> -> vector<1x32xf32>
    %slice3A_373 = vector.extract_strided_slice %add3A_310 {offsets = [0, 64], sizes = [1, 32], strides = [1, 1]} : vector<1x128xf32> to vector<1x32xf32>
    %slice3A_374 = vector.extract_strided_slice %add3A_320 {offsets = [0, 64], sizes = [75, 32], strides = [1, 1]} : vector<75x128xf32> to vector<75x32xf32>
    %slice3A_375 = vector.extract_strided_slice %add3A_330 {offsets = [0, 64], sizes = [75, 32], strides = [1, 1]} : vector<75x128xf32> to vector<75x32xf32>
    %dot_general3A_376 = arith.constant dense<0.000000e+00> : vector<1x75xf32>
    %dot_general3A_377 = tpu.matmul %slice3A_373, %slice3A_374, %dot_general3A_376 {dimension_numbers = #tpu.dot_dimension_numbers<[1], [1], [0], [0], [0, 0, 1, 0], [], []>, transpose_lhs_hint = false} : vector<1x32xf32>, vector<75x32xf32>, vector<1x75xf32> -> vector<1x75xf32>
    %mul3A_378 = arith.constant 0.0883883461 : f32
    %mul3A_379 = vector.broadcast %mul3A_378 : f32 to vector<1x75xf32>
    %mul3A_380 = arith.mulf %dot_general3A_377, %mul3A_379 : vector<1x75xf32>
    %reduce_max3A_381 = arith.constant dense<0xFF800000> : vector<1xf32>
    %reduce_max3A_382 = vector.multi_reduction <maximumf>, %mul3A_380, %reduce_max3A_381 [1] : vector<1x75xf32> to vector<1xf32>
    %broadcast_in_dim3A_383 = vector.shape_cast %reduce_max3A_382 : vector<1xf32> to vector<1x1xf32>
    %sub3A_384 = vector.broadcast %broadcast_in_dim3A_383 : vector<1x1xf32> to vector<1x75xf32>
    %sub3A_385 = arith.subf %mul3A_380, %sub3A_384 : vector<1x75xf32>
    %exp3A_386 = math.exp %sub3A_385 : vector<1x75xf32>
    %reduce_sum3A_387 = arith.constant dense<0.000000e+00> : vector<1xf32>
    %reduce_sum3A_388 = vector.multi_reduction <add>, %exp3A_386, %reduce_sum3A_387 [1] : vector<1x75xf32> to vector<1xf32>
    %broadcast_in_dim3A_389 = vector.shape_cast %reduce_sum3A_388 : vector<1xf32> to vector<1x1xf32>
    %div3A_390 = vector.broadcast %broadcast_in_dim3A_389 : vector<1x1xf32> to vector<1x75xf32>
    %div3A_391 = arith.divf %exp3A_386, %div3A_390 : vector<1x75xf32>
    %dot_general3A_392 = arith.constant dense<0.000000e+00> : vector<1x32xf32>
    %dot_general3A_393 = tpu.matmul %div3A_391, %slice3A_375, %dot_general3A_392 {dimension_numbers = #tpu.dot_dimension_numbers<[1], [0], [0], [1], [0, 0, 1, 1], [], []>, transpose_lhs_hint = false} : vector<1x75xf32>, vector<75x32xf32>, vector<1x32xf32> -> vector<1x32xf32>
    %slice3A_394 = vector.extract_strided_slice %add3A_310 {offsets = [0, 96], sizes = [1, 32], strides = [1, 1]} : vector<1x128xf32> to vector<1x32xf32>
    %slice3A_395 = vector.extract_strided_slice %add3A_320 {offsets = [0, 96], sizes = [75, 32], strides = [1, 1]} : vector<75x128xf32> to vector<75x32xf32>
    %slice3A_396 = vector.extract_strided_slice %add3A_330 {offsets = [0, 96], sizes = [75, 32], strides = [1, 1]} : vector<75x128xf32> to vector<75x32xf32>
    %dot_general3A_397 = arith.constant dense<0.000000e+00> : vector<1x75xf32>
    %dot_general3A_398 = tpu.matmul %slice3A_394, %slice3A_395, %dot_general3A_397 {dimension_numbers = #tpu.dot_dimension_numbers<[1], [1], [0], [0], [0, 0, 1, 0], [], []>, transpose_lhs_hint = false} : vector<1x32xf32>, vector<75x32xf32>, vector<1x75xf32> -> vector<1x75xf32>
    %mul3A_399 = arith.constant 0.0883883461 : f32
    %mul3A_400 = vector.broadcast %mul3A_399 : f32 to vector<1x75xf32>
    %mul3A_401 = arith.mulf %dot_general3A_398, %mul3A_400 : vector<1x75xf32>
    %reduce_max3A_402 = arith.constant dense<0xFF800000> : vector<1xf32>
    %reduce_max3A_403 = vector.multi_reduction <maximumf>, %mul3A_401, %reduce_max3A_402 [1] : vector<1x75xf32> to vector<1xf32>
    %broadcast_in_dim3A_404 = vector.shape_cast %reduce_max3A_403 : vector<1xf32> to vector<1x1xf32>
    %sub3A_405 = vector.broadcast %broadcast_in_dim3A_404 : vector<1x1xf32> to vector<1x75xf32>
    %sub3A_406 = arith.subf %mul3A_401, %sub3A_405 : vector<1x75xf32>
    %exp3A_407 = math.exp %sub3A_406 : vector<1x75xf32>
    %reduce_sum3A_408 = arith.constant dense<0.000000e+00> : vector<1xf32>
    %reduce_sum3A_409 = vector.multi_reduction <add>, %exp3A_407, %reduce_sum3A_408 [1] : vector<1x75xf32> to vector<1xf32>
    %broadcast_in_dim3A_410 = vector.shape_cast %reduce_sum3A_409 : vector<1xf32> to vector<1x1xf32>
    %div3A_411 = vector.broadcast %broadcast_in_dim3A_410 : vector<1x1xf32> to vector<1x75xf32>
    %div3A_412 = arith.divf %exp3A_407, %div3A_411 : vector<1x75xf32>
    %dot_general3A_413 = arith.constant dense<0.000000e+00> : vector<1x32xf32>
    %dot_general3A_414 = tpu.matmul %div3A_412, %slice3A_396, %dot_general3A_413 {dimension_numbers = #tpu.dot_dimension_numbers<[1], [0], [0], [1], [0, 0, 1, 1], [], []>, transpose_lhs_hint = false} : vector<1x75xf32>, vector<75x32xf32>, vector<1x32xf32> -> vector<1x32xf32>
    %concatenate3A_415 = tpu.concatenate %dot_general3A_351, %dot_general3A_372, %dot_general3A_393, %dot_general3A_414 in 1 : vector<1x32xf32>, vector<1x32xf32>, vector<1x32xf32>, vector<1x32xf32> -> vector<1x128xf32>
    %add3A_416 = arith.addf %add3A_310, %concatenate3A_415 : vector<1x128xf32>
    %get3A_417 = arith.constant 0 : index
    %get3A_418 = arith.constant 0 : index
    %get3A_419 = vector.load %arg29[%get3A_417, %get3A_418] : memref<128x128xf32, #tpu.memory_space<vmem>>, vector<128x128xf32>
    %dot_general3A_420 = arith.constant dense<0.000000e+00> : vector<1x128xf32>
    %dot_general3A_421 = tpu.matmul %add3A_416, %get3A_419, %dot_general3A_420 {dimension_numbers = #tpu.dot_dimension_numbers<[1], [0], [0], [1], [0, 0, 1, 1], [], []>, transpose_lhs_hint = false} : vector<1x128xf32>, vector<128x128xf32>, vector<1x128xf32> -> vector<1x128xf32>
    %get3A_422 = arith.constant 0 : index
    %get3A_423 = arith.constant 0 : index
    %get3A_424 = vector.load %arg30[%get3A_422, %get3A_423] : memref<1x128xf32, #tpu.memory_space<vmem>>, vector<1x128xf32>
    %add3A_425 = arith.addf %dot_general3A_421, %get3A_424 : vector<1x128xf32>
    %max3A_426 = arith.constant 0.000000e+00 : f32
    %max3A_427 = vector.broadcast %max3A_426 : f32 to vector<1x128xf32>
    %max3A_428 = arith.maximumf %add3A_425, %max3A_427 : vector<1x128xf32>
    %add3A_429 = arith.addf %add3A_416, %max3A_428 : vector<1x128xf32>
    %get3A_430 = arith.constant 0 : index
    %get3A_431 = arith.constant 0 : index
    %get3A_432 = vector.load %arg31[%get3A_430, %get3A_431] : memref<128x1xf32, #tpu.memory_space<vmem>>, vector<128x1xf32>
    %dot_general3A_433 = arith.constant dense<0.000000e+00> : vector<1x1xf32>
    %dot_general3A_434 = tpu.matmul %add3A_429, %get3A_432, %dot_general3A_433 {dimension_numbers = #tpu.dot_dimension_numbers<[1], [0], [0], [1], [0, 0, 1, 1], [], []>, transpose_lhs_hint = false} : vector<1x128xf32>, vector<128x1xf32>, vector<1x1xf32> -> vector<1x1xf32>
    %get3A_435 = arith.constant 0 : index
    %get3A_436 = arith.constant 0 : index
    %get3A_437 = vector.load %arg32[%get3A_435, %get3A_436] : memref<1x1xf32, #tpu.memory_space<vmem>>, vector<1x1xf32>
    %add3A_438 = arith.addf %dot_general3A_434, %get3A_437 : vector<1x1xf32>
    %broadcast_in_dim3A_439 = vector.shape_cast %add3A_438 : vector<1x1xf32> to vector<1x1x1xf32>
    %broadcast_in_dim3A_440 = vector.shape_cast %broadcast_in_dim3A_439 : vector<1x1x1xf32> to vector<1x1x1xf32>
    %broadcast_in_dim3A_441 = vector.broadcast %broadcast_in_dim3A_440 : vector<1x1x1xf32> to vector<1x8x128xf32>
    %swap3A = arith.constant 0 : index
    %swap3A_442 = arith.constant 0 : index
    %swap3A_443 = arith.constant 0 : index
    %swap3A_444 = vector.load %arg33[%swap3A, %swap3A_442, %swap3A_443] : memref<1x8x128xf32, #tpu.memory_space<vmem>>, vector<1x8x128xf32>
    tpu.vector_store %arg33[%swap3A, %swap3A_442, %swap3A_443], %broadcast_in_dim3A_441 {strides = array<i32>} : memref<1x8x128xf32, #tpu.memory_space<vmem>>, vector<1x8x128xf32>,
    return
  }
  func.func @transform_0(%arg0: i32) -> (i32, i32) {
    %c0_i32 = arith.constant 0 : i32
    %c0_i32_0 = arith.constant 0 : i32
    %c0_i32_1 = arith.constant 0 : i32
    return %c0_i32, %c0_i32_0 : i32, i32
  }
  func.func @transform_1(%arg0: i32) -> (i32, i32) {
    %c0_i32 = arith.constant 0 : i32
    %c0_i32_0 = arith.constant 0 : i32
    %c0_i32_1 = arith.constant 0 : i32
    return %c0_i32, %c0_i32_0 : i32, i32
  }
  func.func @transform_2(%arg0: i32) -> (i32, i32) {
    %c0_i32 = arith.constant 0 : i32
    %c0_i32_0 = arith.constant 0 : i32
    %c0_i32_1 = arith.constant 0 : i32
    return %c0_i32, %c0_i32_0 : i32, i32
  }
  func.func @transform_3(%arg0: i32) -> (i32, i32) {
    %c0_i32 = arith.constant 0 : i32
    %c0_i32_0 = arith.constant 0 : i32
    %c0_i32_1 = arith.constant 0 : i32
    return %c0_i32, %c0_i32_0 : i32, i32
  }
  func.func @transform_4(%arg0: i32) -> (i32, i32) {
    %c0_i32 = arith.constant 0 : i32
    %c0_i32_0 = arith.constant 0 : i32
    %c0_i32_1 = arith.constant 0 : i32
    return %c0_i32, %c0_i32_0 : i32, i32
  }
  func.func @transform_5(%arg0: i32) -> (i32, i32) {
    %c0_i32 = arith.constant 0 : i32
    %c0_i32_0 = arith.constant 0 : i32
    %c0_i32_1 = arith.constant 0 : i32
    return %c0_i32, %c0_i32_0 : i32, i32
  }
  func.func @transform_6(%arg0: i32) -> (i32, i32) {
    %c0_i32 = arith.constant 0 : i32
    %c0_i32_0 = arith.constant 0 : i32
    %c0_i32_1 = arith.constant 0 : i32
    return %c0_i32, %c0_i32_0 : i32, i32
  }
  func.func @transform_7(%arg0: i32) -> (i32, i32) {
    %c0_i32 = arith.constant 0 : i32
    %c0_i32_0 = arith.constant 0 : i32
    %c0_i32_1 = arith.constant 0 : i32
    return %c0_i32, %c0_i32_0 : i32, i32
  }
  func.func @transform_8(%arg0: i32) -> (i32, i32) {
    %c0_i32 = arith.constant 0 : i32
    %c0_i32_0 = arith.constant 0 : i32
    %c0_i32_1 = arith.constant 0 : i32
    return %c0_i32, %c0_i32_0 : i32, i32
  }
  func.func @transform_9(%arg0: i32) -> (i32, i32) {
    %c0_i32 = arith.constant 0 : i32
    %c0_i32_0 = arith.constant 0 : i32
    %c0_i32_1 = arith.constant 0 : i32
    return %c0_i32, %c0_i32_0 : i32, i32
  }
  func.func @transform_10(%arg0: i32) -> (i32, i32) {
    %c0_i32 = arith.constant 0 : i32
    %c0_i32_0 = arith.constant 0 : i32
    %c0_i32_1 = arith.constant 0 : i32
    return %c0_i32, %c0_i32_0 : i32, i32
  }
  func.func @transform_11(%arg0: i32) -> (i32, i32) {
    %c0_i32 = arith.constant 0 : i32
    %c0_i32_0 = arith.constant 0 : i32
    %c0_i32_1 = arith.constant 0 : i32
    return %c0_i32, %c0_i32_0 : i32, i32
  }
  func.func @transform_12(%arg0: i32) -> (i32, i32) {
    %c0_i32 = arith.constant 0 : i32
    %c0_i32_0 = arith.constant 0 : i32
    %c0_i32_1 = arith.constant 0 : i32
    return %c0_i32, %c0_i32_0 : i32, i32
  }
  func.func @transform_13(%arg0: i32) -> (i32, i32) {
    %c0_i32 = arith.constant 0 : i32
    %c0_i32_0 = arith.constant 0 : i32
    %c0_i32_1 = arith.constant 0 : i32
    return %c0_i32, %c0_i32_0 : i32, i32
  }
  func.func @transform_14(%arg0: i32) -> (i32, i32) {
    %c0_i32 = arith.constant 0 : i32
    %c0_i32_0 = arith.constant 0 : i32
    %c0_i32_1 = arith.constant 0 : i32
    return %c0_i32, %c0_i32_0 : i32, i32
  }
  func.func @transform_15(%arg0: i32) -> (i32, i32) {
    %c0_i32 = arith.constant 0 : i32
    %c0_i32_0 = arith.constant 0 : i32
    %c0_i32_1 = arith.constant 0 : i32
    return %c0_i32, %c0_i32_0 : i32, i32
  }
  func.func @transform_16(%arg0: i32) -> (i32, i32) {
    %c0_i32 = arith.constant 0 : i32
    %c0_i32_0 = arith.constant 0 : i32
    %c0_i32_1 = arith.constant 0 : i32
    return %c0_i32, %c0_i32_0 : i32, i32
  }
  func.func @transform_17(%arg0: i32) -> (i32, i32) {
    %c0_i32 = arith.constant 0 : i32
    %c0_i32_0 = arith.constant 0 : i32
    %c0_i32_1 = arith.constant 0 : i32
    return %c0_i32, %c0_i32_0 : i32, i32
  }
  func.func @transform_18(%arg0: i32) -> (i32, i32) {
    %c0_i32 = arith.constant 0 : i32
    %c0_i32_0 = arith.constant 0 : i32
    %c0_i32_1 = arith.constant 0 : i32
    return %c0_i32, %c0_i32_0 : i32, i32
  }
  func.func @transform_19(%arg0: i32) -> (i32, i32) {
    %c0_i32 = arith.constant 0 : i32
    %c0_i32_0 = arith.constant 0 : i32
    %c0_i32_1 = arith.constant 0 : i32
    return %c0_i32, %c0_i32_0 : i32, i32
  }
  func.func @transform_20(%arg0: i32) -> (i32, i32) {
    %c0_i32 = arith.constant 0 : i32
    %c0_i32_0 = arith.constant 0 : i32
    %c0_i32_1 = arith.constant 0 : i32
    return %c0_i32, %c0_i32_0 : i32, i32
  }
  func.func @transform_21(%arg0: i32) -> (i32, i32) {
    %c0_i32 = arith.constant 0 : i32
    %c0_i32_0 = arith.constant 0 : i32
    %c0_i32_1 = arith.constant 0 : i32
    return %c0_i32, %c0_i32_0 : i32, i32
  }
  func.func @transform_22(%arg0: i32) -> (i32, i32) {
    %c0_i32 = arith.constant 0 : i32
    %c0_i32_0 = arith.constant 0 : i32
    %c0_i32_1 = arith.constant 0 : i32
    return %c0_i32, %c0_i32_0 : i32, i32
  }
  func.func @transform_23(%arg0: i32) -> (i32, i32) {
    %c0_i32 = arith.constant 0 : i32
    %c0_i32_0 = arith.constant 0 : i32
    %c0_i32_1 = arith.constant 0 : i32
    return %c0_i32, %c0_i32_0 : i32, i32
  }
  func.func @transform_24(%arg0: i32) -> (i32, i32) {
    %c0_i32 = arith.constant 0 : i32
    %c0_i32_0 = arith.constant 0 : i32
    %c0_i32_1 = arith.constant 0 : i32
    return %c0_i32, %c0_i32_0 : i32, i32
  }
  func.func @transform_25(%arg0: i32) -> (i32, i32) {
    %c0_i32 = arith.constant 0 : i32
    %c0_i32_0 = arith.constant 0 : i32
    %c0_i32_1 = arith.constant 0 : i32
    return %c0_i32, %c0_i32_0 : i32, i32
  }
  func.func @transform_26(%arg0: i32) -> (i32, i32) {
    %c0_i32 = arith.constant 0 : i32
    %c0_i32_0 = arith.constant 0 : i32
    %c0_i32_1 = arith.constant 0 : i32
    return %c0_i32, %c0_i32_0 : i32, i32
  }
  func.func @transform_27(%arg0: i32) -> (i32, i32) {
    %c0_i32 = arith.constant 0 : i32
    %c0_i32_0 = arith.constant 0 : i32
    %c0_i32_1 = arith.constant 0 : i32
    return %c0_i32, %c0_i32_0 : i32, i32
  }
  func.func @transform_28(%arg0: i32) -> (i32, i32) {
    %c0_i32 = arith.constant 0 : i32
    %c0_i32_0 = arith.constant 0 : i32
    %c0_i32_1 = arith.constant 0 : i32
    return %c0_i32, %c0_i32_0 : i32, i32
  }
  func.func @transform_29(%arg0: i32) -> (i32, i32) {
    %c0_i32 = arith.constant 0 : i32
    %c0_i32_0 = arith.constant 0 : i32
    %c0_i32_1 = arith.constant 0 : i32
    return %c0_i32, %c0_i32_0 : i32, i32
  }
  func.func @transform_30(%arg0: i32) -> (i32, i32) {
    %c0_i32 = arith.constant 0 : i32
    %c0_i32_0 = arith.constant 0 : i32
    %c0_i32_1 = arith.constant 0 : i32
    return %c0_i32, %c0_i32_0 : i32, i32
  }
  func.func @transform_31(%arg0: i32) -> (i32, i32) {
    %c0_i32 = arith.constant 0 : i32
    %c0_i32_0 = arith.constant 0 : i32
    %c0_i32_1 = arith.constant 0 : i32
    return %c0_i32, %c0_i32_0 : i32, i32
  }
  func.func @transform_32(%arg0: i32) -> (i32, i32, i32) {
    %c0_i32 = arith.constant 0 : i32
    %c0_i32_0 = arith.constant 0 : i32
    %c0_i32_1 = arith.constant 0 : i32
    return %arg0, %c0_i32, %c0_i32_0 : i32, i32, i32
  }
}

</mosaic_0001>

<sc_bundles>
// kernel: kernel.13.cloned.1.call-start
scs
__scs_entry_jumppad:
0x0: {  	(pc) =	sbr.rel $0x88, $3  }
0x1: {  	(tag) =	ssettag $0x0;
	lr =	simm.s32 $0x1  }
0x2: {  	[smem:$0x3F75] =	sst lr;
	_ =	strace $0xD0000000  }
0x3: {  	_ = 	snop  }
0x4: {  	_ = 	snop  }
0x5: {  	_ = 	snop  }
0x6: {  	_ = 	snop  }
0x7: {  	_ = 	snop  }
__scs_overlays_trampoline_lowered:
0x8: {  	[smem:$0x3F84] =	sst s0  }
0x9: {  	[smem:$0x3F85] =	sst s1  }
0xa: {  	[smem:$0x3F86] =	sst s2  }
0xb: {  	[smem:$0x3F87] =	sst s3  }
0xc: {  	[smem:$0x3F88] =	sst s4  }
0xd: {  	[smem:$0x3F89] =	sst s5  }
0xe: {  	[smem:$0x3F8A] =	sst s6  }
0xf: {  	[smem:$0x3F8B] =	sst s7  }
0x10: {  	[smem:$0x3F8C] =	sst s8  }
0x11: {  	[smem:$0x3F8D] =	sst s9;
	s0 =	simm.s32 @!p0 $0x0  }
0x12: {  	s1 =	sld [smem:$0x3F73];
	s0 =	simm.s32 @p0 $0x1  }
0x13: {  	[smem:$0x3F8E] =	sst s0;
	s0 =	simm.s32 @!p1 $0x0  }
0x14: {  	s2 =	sld [smem:$0x3F72];
	s0 =	simm.s32 @p1 $0x1  }
0x15: {  	[smem:$0x3F8F] =	sst s0;
	s0 =	simm.s32 @!p2 $0x0  }
0x16: {  	s3 =	sld [smem:$0x3FDB];
	s0 =	simm.s32 @p2 $0x1  }
0x17: {  	s4 =	simm.s32 $0x1BF5;
	[smem:$0x3F91] =	sst s0  }
0x18: {  	s0 =	sld [smem:$0x3F74];
	_ =	swait.ge [sflag:s4], $0x0  }
0x19: {  	s7 =	sld [smem:$0x3F75]  }
0x1a: {  	s8 =	sadd.s32 $0xFFFFE003, lr  }
0x1b: {  	s9 =	sadd.s32 $0xFFFFFEF7, lr;
	s5 =	simm.s32 $0xFFFFFFFF;
	p2 =	slt.u32 s8, $0xFFFFF086  }
0x1c: {  	p1 =	slt.u32 s9, $0xF7A;
	s5 =	simm.s32 @!p2 $0x0  }
0x1d: {  	s5 =	simm.s32 @p1 $0x1;
	p0 =	seq.s32 s7, s2  }
0x1e: {  	s7 =	smul.u32 @!p0 $0xF7A, s2;
	p2 =	seq.s32 @!p0 s5, $0x0  }
0x1f: {  	s9 =	smul.u32 $0xF7A, s1;
	s8 =	simm.s32 @!p0 $0x1BF5;
	p2 =	por !p2, p0  }
0x20: {  	[sflag:s8] =	ssyncset.s32 @!p0 $0xFFFFF086;
	s6 =	sadd.s32 @!p0 s3, s7;
	s7 =	simm.s32 @!p0 $0x108  }
0x21: {  	s3 =	sadd.s32 s3, s9;
	s6 =	sadd.s32 @!p0 $0x88, s6;
	s7 =	simm.s32 @p2 $0x1082  }
0x22: {  	[simem:s7], [sflag:s8] =	dma.local @!p0 [hbm:s6], $0xF7A  }
0x23: {  	s9 =	sor.u32 $0xD0000000, s2;
	s6 =	simm.s32 $0x108;
	_ =	swait.ge @!p0 [sflag:s8], $0x0  }
0x24: {  	s3 =	sadd.s32 $0x88, s3;
	s6 =	simm.s32 @!p1 $0x1082;
	[sflag:s4] =	ssyncset.s32 $0xFFFFF086  }
0x25: {  	[simem:s6], [sflag:s4] =	dma.local [hbm:s3], $0xF7A  }
0x26: {  	[smem:$0x3F75] =	sst s1;
	(tag) =	ssettag s2;
	_ =	strace s9  }
0x27: {  	s1 =	sld [smem:$0x3F85]  }
0x28: {  	s2 =	sld [smem:$0x3F86]  }
0x29: {  	s4 =	sld [smem:$0x3F88]  }
0x2a: {  	p0 =	seq.s32 s5, $0x0;
	s5 =	sld [smem:$0x3F89]  }
0x2b: {  	s6 =	sld [smem:$0x3F8A]  }
0x2c: {  	s7 =	sld [smem:$0x3F8B]  }
0x2d: {  	s3 =	simm.s32 $0x108;
	s8 =	sld [smem:$0x3F8C]  }
0x2e: {  	s3 =	simm.s32 @!p0 $0x1082;
	s9 =	sld [smem:$0x3F8D]  }
0x2f: {  	lr =	sadd.s32 s0, s3;
	s0 =	sld [smem:$0x3F84]  }
0x30: {  	s3 =	sld [smem:$0x3F87]  }
0x31: {  	[smem:$0x3F90] =	sst s10  }
0x32: {  	s10 =	sld [smem:$0x3F8E];
	_ =	sdelay $0x3  }
0x33: {  	p0 =	seq.s32 s10, $0x1;
	s10 =	sld [smem:$0x3F90];
	_ =	sdelay $0x3  }
0x34: {  	[smem:$0x3F90] =	sst s10  }
0x35: {  	s10 =	sld [smem:$0x3F8F];
	_ =	sdelay $0x3  }
0x36: {  	p1 =	seq.s32 s10, $0x1;
	s10 =	sld [smem:$0x3F90];
	_ =	sdelay $0x3  }
0x37: {  	[smem:$0x3F90] =	sst s10  }
0x38: {  	s10 =	sld [smem:$0x3F91]  }
0x39: {  	_ = 	snop;
	(pc) =	sbr.ind lr, $3  }
0x3a: {  	_ = 	snop  }
0x3b: {  	_ = 	snop  }
0x3c: {  	p2 =	seq.s32 s10, $0x1;
	s10 =	sld [smem:$0x3F90]  }
0x3d: {  	_ =	shalt  }
0x3e: {  	_ =	shalt  }
0x3f: {  	_ =	shalt  }
0x40: {  	_ =	shalt  }
0x41: {  	_ =	shalt  }
0x42: {  	_ =	shalt  }
0x43: {  	_ =	shalt  }
0x44: {  	_ =	shalt  }
0x45: {  	_ =	shalt  }
0x46: {  	_ =	shalt  }
0x47: {  	_ =	shalt  }
0x48: {  	_ =	shalt  }
0x49: {  	_ =	shalt  }
0x4a: {  	_ =	shalt  }
0x4b: {  	_ =	shalt  }
0x4c: {  	_ =	shalt  }
0x4d: {  	_ =	shalt  }
0x4e: {  	_ =	shalt  }
0x4f: {  	_ =	shalt  }
0x50: {  	_ =	shalt  }
0x51: {  	_ =	shalt  }
0x52: {  	_ =	shalt  }
0x53: {  	_ =	shalt  }
0x54: {  	_ =	shalt  }
0x55: {  	_ =	shalt  }
0x56: {  	_ =	shalt  }
0x57: {  	_ =	shalt  }
0x58: {  	_ =	shalt  }
0x59: {  	_ =	shalt  }
0x5a: {  	_ =	shalt  }
0x5b: {  	_ =	shalt  }
0x5c: {  	_ =	shalt  }
0x5d: {  	_ =	shalt  }
0x5e: {  	_ =	shalt  }
0x5f: {  	_ =	shalt  }
0x60: {  	_ =	shalt  }
0x61: {  	_ =	shalt  }
0x62: {  	_ =	shalt  }
0x63: {  	_ =	shalt  }
0x64: {  	_ =	shalt  }
0x65: {  	_ =	shalt  }
0x66: {  	_ =	shalt  }
0x67: {  	_ =	shalt  }
0x68: {  	_ =	shalt  }
0x69: {  	_ =	shalt  }
0x6a: {  	_ =	shalt  }
0x6b: {  	_ =	shalt  }
0x6c: {  	_ =	shalt  }
0x6d: {  	_ =	shalt  }
0x6e: {  	_ =	shalt  }
0x6f: {  	_ =	shalt  }
0x70: {  	_ =	shalt  }
0x71: {  	_ =	shalt  }
0x72: {  	_ =	shalt  }
0x73: {  	_ =	shalt  }
0x74: {  	_ =	shalt  }
0x75: {  	_ =	shalt  }
0x76: {  	_ =	shalt  }
0x77: {  	_ =	shalt  }
0x78: {  	_ =	shalt  }
0x79: {  	_ =	shalt  }
0x7a: {  	_ =	shalt  }
0x7b: {  	_ =	shalt  }
0x7c: {  	_ =	shalt  }
0x7d: {  	_ =	shalt  }
0x7e: {  	_ =	shalt  }
0x7f: {  	_ =	shalt  }
0x80: {  	_ =	shalt  }
0x81: {  	_ =	shalt  }
0x82: {  	_ =	shalt  }
0x83: {  	_ =	shalt  }
0x84: {  	_ =	shalt  }
0x85: {  	_ =	shalt  }
0x86: {  	_ =	shalt  }
0x87: {  	_ =	shalt  }
.Lfunc_end0:
.L_simem_size_0:
called_computation_lowered:
.L_overlay_start_0:
0x88: {  	s2 =	sld [smem:$0x3FD9]  }
0x89: {  	s3 =	sld [smem:$0x3FFE];
	_ =	sdelay $0x1  }
0x8a: {  	s1 =	srdreg.scid  }
0x8b: {  	s0 =	sand.u32 $0x1, s1  }
0x8c: {  	s17 =	sshll.u32 s0, $0xA;
	s2 =	sadd.s32 s3, s2  }
0x8d: {  	s2 =	sadd.s32 s2, s17  }
0x8e: {  	[smem:$0x3F9C] =	sst s2  }
0x8f: {  	_ = 	snop  }
0x90: {  	s2 =	sld [smem:$0x3FD0];
	(tm) =	ssettm $0x1  }
0x91: {  	s18 =	sld [smem:$0x3FFB];
	_ =	sdelay $0x3  }
0x92: {  	_ =	strace s18  }
0x93: {  	s3 =	sld [smem:$0x3FFC];
	_ =	sdelay $0x3  }
0x94: {  	_ =	strace s3  }
0x95: {  	s3 =	sld [smem:$0x3FFD];
	_ =	sdelay $0x3  }
0x96: {  	_ =	strace s3  }
0x97: {  	_ =	strace $0x8FFFFFFF  }
0x98: {  	s19 =	sld [smem:$0x3FDB];
	_ =	sdelay $0x1  }
0x99: {  	s4 =	simm.s32 $_scs_section_size  }
0x9a: {  	s5 =	simm.s32 $_size__tile_overlayer_lowered;
	s6 =	simm.s32 $_tile_overlayer_lowered  }
0x9b: {  	s22 =	simm.s32 $0x1BFF;
	s21 =	sshll.u32 s6, $0x1;
	s3 =	sadd.s32 s4, s19  }
0x9c: {  	s7 =	simm.s32 $0x0;
	s20 =	sshll.u32 s5, $0x1;
	s5 =	sadd.s32 s21, s3  }
0x9d: {  	[timem:s7], [sflag:s22] =	dma.local [hbm:s5], s20  }
0x9e: {  	_ =	swait.ge [sflag:s22], s20  }
0x9f: {  	s4 =	ssub.s32 $0x0, s20;
	[sflag:s22] =	ssyncset.done $0x0  }
0xa0: {  	[sflag:s22] =	ssyncadd.s32 s4;
	_ =	sdelay $0x1  }
0xa1: {  	s23 =	simm.s32 $0x1B8B  }
0xa2: {  	_ =	swait.ge [sflag:s23], $0x1  }
0xa3: {  	[sflag:s23] =	ssyncset.done $0x0  }
0xa4: {  	s25 =	simm.s32 $0x1B8E;
	s24 =	sld [smem:$0x3FFE];
	[sflag:s23] =	ssyncadd.s32 $0xFFFFFFFF  }
0xa5: {  	s26 =	simm.s32 $execute0_lowered;
	[smem:$0x3FD2] =	sst s25  }
0xa6: {  	s5 =	sshll.u32 s26, $0x1;
	_ =	strace $0x80000046;
	[dreg:$0x1] =	wrdreg $0xFFFFFFFF  }
0xa7: {  	s28 =	simm.s32 $_size_execute0_lowered;
	s3 =	sadd.s32 s3, s5;
	[dreg:$0x0] =	wrdreg $0x0  }
0xa8: {  	s5 =	sshll.u32 s28, $0x1;
	[dreg:$0x2] =	wrdreg s3  }
0xa9: {  	[dreg:$0x3] =	wrdreg s5  }
0xaa: {  	[dreg:$0x4] =	wrdreg $0xC0  }
0xab: {  	_ =	task [dreg:s7], $0x5FFFF  }
0xac: {  	[dreg:$0x1] =	wrdreg $0xFFFFFFFF  }
0xad: {  	[dreg:$0x0] =	wrdreg $0x60  }
0xae: {  	[dreg:$0x2] =	wrdreg s24  }
0xaf: {  	[dreg:$0x3] =	wrdreg s2  }
0xb0: {  	[dreg:$0x4] =	wrdreg $0x90800  }
0xb1: {  	[dreg:$0x5] =	wrdreg $0x1E0800  }
0xb2: {  	[dreg:$0x6] =	wrdreg $0x9  }
0xb3: {  	_ =	task.clear_ibuf [dreg:s7], $0x7FFFF;
	_ =	strace $0x90000046  }
0xb4: {  	s29 =	simm.s32 $0x9;
	_ =	strace $0x80000048  }
0xb5: {  	_ =	swait.ge [sflag:s29], $0x1  }
0xb6: {  	[sflag:s29] =	ssyncadd.s32 $0xFFFFFFFF  }
0xb7: {  	_ =	strace $0x90000048  }
0xb8: {  	_ =	sfence  }
0xb9: {  	s30 =	sld [smem:$0x0];
	_ =	sdelay $0x2  }
0xba: {  	s31 =	sshll.u32 s1, $0xD;
	s1 =	sshrl.u32 s1, $0x2  }
0xbb: {  	s3 =	sand.u32 $0x4000, s31;
	s1 =	sadd.s32 s1, s30  }
0xbc: {  	s0 =	sor.u32 s3, s0;
	s1 =	sshll.u32 s1, $0x11  }
0xbd: {  	s0 =	sor.u32 s1, s0  }
0xbe: {  	s0 =	sadd.s32 $0x8F2B, s0  }
0xbf: {  	[sflag:s0] =	ssyncadd.remote.s32 $0x1  }
0xc0: {  	_ =	sfence.sel $0xFFFF  }
0xc1: {  	[dreg:$0x0] =	wrdreg $0xFFFFFFFF;
	(pc) =	sbr.abs _section_cstart, $3  }
0xc2: {  	[dreg:$0x1] =	wrdreg $0xFFFFFFFF  }
0xc3: {  	_ =	task.clear_ibuf [dreg:s7], $0x2FFFF;
	_ =	strace $0x9FFFFFFF  }
0xc4: {  	(tm) =	ssettm $0x7FFFFFFF  }
0xc5: {  	_ =	shalt  }
tec
execute0_lowered:
.L_overlay_start_1:
0x0: {  	(tag) =	ssettag $0x1  }
0x1: {  	s7 =	rddreg [dreg:$0x0]  }
0x2: {  	s2 =	rddreg [dreg:$0x1];
	s0 =	stileid.u32  }
0x3: {  	s3 =	rddreg [dreg:$0x2];
	s20 =	smul.u32 $0x2A00, s0  }
0x4: {  	s4 =	rddreg [dreg:$0x3];
	s14 =	smul.u32 $0x54000, s0  }
0x5: {  	s5 =	srdreg.scid;
	s28 =	simm.s32 $0x0;
	s24 =	smul.u32 $0x300, s0  }
0x6: {  	s8 =	sand.u32 $0x1, s5;
	s6 =	sshll.u32 s0, $0x1;
	s25 =	smul.u32 $0x280, s0  }
0x7: {  	s5 =	simm.s32 $0x0;
	s12 =	sadd.s32 $0x6FC00, s7;
	s19 =	smul.u32 $0xC00, s0  }
0x8: {  	s31 =	sshll.u32 s0, $0x6;
	p0 =	sgt.u32 s0, $0x3;
	s6 =	sor.u32 s8, s6  }
0x9: {  	[smem:$0x7FF] =	sst s5;
	s11 =	smul.u32 $0x2A000, s8;
	s13 =	sshll.u32 s8, $0x4  }
0xa: {  	s8 =	ssub.s32 $0x2, s8;
	s9 =	smul.u32 $0x500, s6;
	_ =	strace $0x80000047  }
0xb: {  	s6 =	sadd.s32 $0x1BC00, s7;
	s10 =	sadd.s32 s20, s7;
	s13 =	sadd.s32 s13, s7  }
0xc: {  	s22 =	sshrl.u32 s8, $0x1;
	s23 =	sshrl.u32 s14, $0x2;
	s18 =	sadd.s32 s24, s4  }
0xd: {  	s26 =	sadd.s32 $0x200, s25;
	s30 =	sshrl.u32 s19, $0x2;
	s14 =	sor.u32 $0x1C02, s31  }
0xe: {  	s19 =	simm.s32 $0x9000;
	s15 =	sadd.s32 s11, s7;
	s16 =	ssub.s32 s8, s22  }
0xf: {  	s17 =	sadd.s32 s23, s3;
	s11 =	sshrl.u32 s24, $0x3;
	s21 =	sshrl.u32 s26, $0x3  }
0x10: {  	s23 =	sadd.s32 $0x70200, s13;
	s25 =	sadd.s32 s30, s4;
	s24 =	smul.u32 $0xC0, s0  }
0x11: {  	s22 =	sshrl.u32 s26, $0x2;
	s18 =	sshrl.u32 @!p0 s18, $0x3;
	s9 =	sadd.s32 s9, s7  }
0x12: {  	s7 =	sadd.s32 $0x45C00, s10;
	s10 =	sadd.s32 s12, s11;
	s11 =	sadd.s32 s26, s4  }
0x13: {  	s12 =	sadd.s32 s12, s21;
	s29 =	sadd.s32 $0x70E00, s15;
	s13 =	smax.u32 s16, $0x1  }
0x14: {  	s15 =	sshrl.u32 s17, $0x3;
	s16 =	simm.s32 $0x2;
	s17 =	simm.s32 $0x2800  }
0x15: {  	s21 =	simm.s32 $0x80;
	s22 =	sadd.s32 @p0 s22, s23;
	s25 =	sshrl.u32 @!p0 s25, $0x3  }
0x16: {  	s26 =	simm.s32 $0x1;
	s8 =	sadd.s32 $0x7C00, s9;
	s9 =	sadd.s32 $0x11C00, s9  }
0x17: {  	s20 =	sadd.s32 s20, s29;
	s23 =	sadd.s32 @!p0 s24, s23;
	s24 =	simm.s32 $0x5000  }
.LBB2_1:
0x18: {  	[spmem:s15], [sflag:s14] =	dma.local [hbm:s7], $0x2A00  }
0x19: {  	_ =	swait.ge [sflag:s16], $0x2A00  }
0x1a: {  	[sflag:s16] =	ssyncset.done $0x0  }
0x1b: {  	[sflag:s16] =	ssyncadd.s32 $0xFFFFD600  }
0x1c: {  	[tilespmem:s5], [sflag:$0x2] =	stream.linear.gather [hbm4b:s8+s5], $0x2780, $0x38;
	[tilespmem:$0x1E320] =	vst v63  }
0x1d: {  	_ =	swait.ge [sflag:s16], $0x2780  }
0x1e: {  	[sflag:s16] =	ssyncset.done $0x0  }
0x1f: {  	[sflag:s16] =	ssyncadd.s32 $0xFFFFD880  }
0x20: {  	[tilespmem:s17], [sflag:$0x2] =	stream.linear.gather [hbm4b:s9+s5], $0x2780, $0x38;
	[tilespmem:$0x1E320] =	vst v63  }
0x21: {  	_ =	swait.ge [sflag:s16], $0x2780  }
0x22: {  	[sflag:s16] =	ssyncset.done $0x0  }
0x23: {  	s29 =	sshrl.u32 @p0 s11, $0x3;
	s30 =	simm.s32 @p0 $0x2;
	[sflag:s16] =	ssyncadd.s32 $0xFFFFD880  }
0x24: {  	[spmem:s29], [sflag:s14] =	dma.local @p0 [hbm:s12], $0x50  }
0x25: {  	_ =	swait.ge @p0 [sflag:s30], $0x50  }
0x26: {  	[sflag:s30] =	ssyncset.done @p0 $0x0  }
0x27: {  	[sflag:s30] =	ssyncadd.s32 @p0 $0xFFFFFFB0;
	s30 =	simm.s32 @!p0 $0x2  }
0x28: {  	[spmem:s18], [sflag:s14] =	dma.local @!p0 [hbm:s10], $0x60  }
0x29: {  	_ =	swait.ge @!p0 [sflag:s30], $0x60  }
0x2a: {  	[sflag:s30] =	ssyncset.done @!p0 $0x0  }
0x2b: {  	[sflag:s30] =	ssyncadd.s32 @!p0 $0xFFFFFFA0  }
0x2c: {  	[tilespmem:s19], [sflag:$0x2] =	stream.linear.gather [hbm4b:s2+s5], $0x80, $0x38;
	[tilespmem:$0x1E320] =	vst v63  }
0x2d: {  	_ =	swait.ge [sflag:s16], $0x80  }
0x2e: {  	[sflag:s16] =	ssyncset.done $0x0  }
0x2f: {  	[sflag:s16] =	ssyncadd.s32 $0xFFFFFF80  }
0x30: {  	s30 =	simm.s32 $0x0;
	[bflag:$0x0] =	sbarrier.arrive $0xFFFF  }
0x31: {  	[tilespmem:s24], [sflag:$0x1] =	stream.indirect.gather [hbm4b:s6+s21], $0x80, s30, s21, $0xb8;
	[tilespmem:$0x1E320] =	vst v63  }
0x32: {  	_ =	swait.ge [sflag:s26], $0x4000  }
0x33: {  	[sflag:s26] =	ssyncset.done $0x0  }
0x34: {  	s30 =	simm.s32 $0x2800;
	[sflag:s26] =	ssyncadd.s32 $0xFFFFC000  }
0x35: {  	[spmem:s3] =	stream.indirect.scatter.add.f32 [tilespmem:s24], [sflag:$0x2], $0x80, s30, s21, $0xb8;
	[tilespmem:$0x1E320] =	vst v63  }
0x36: {  	_ =	swait.ge [sflag:s16], $0x4000  }
0x37: {  	[sflag:s16] =	ssyncset.done $0x0  }
0x38: {  	[sflag:s16] =	ssyncadd.s32 $0xFFFFC000  }
0x39: {  	[spmem:s4] =	stream.indirect.scatter.add.f32 [tilespmem:s19], [sflag:$0x2], $0x1, s30, s21, $0xb8;
	[tilespmem:$0x1E320] =	vst v63  }
0x3a: {  	_ =	swait.ge [sflag:s16], $0x80  }
0x3b: {  	s31 =	simm.s32 $0x400;
	s30 =	simm.s32 $0x200;
	[sflag:s16] =	ssyncset.done $0x0  }
.LBB2_2:
0x3c: {  	s0 =	sshra.s32 s30, $0x2  }
0x3d: {  	[sflag:s16] =	ssyncadd.s32 $0xFFFFFF80;
	s30 =	smov.u32 s31;
	s1 =	sadd.s32 $0x200, s31  }
0x3e: {  	[tilespmem:s24], [sflag:$0x1] =	stream.indirect.gather [hbm4b:s6+s21], $0x80, s0, s21, $0xb8;
	[tilespmem:$0x1E320] =	vst v63  }
0x3f: {  	p1 =	sne.s32 s31, $0x9C00;
	_ =	swait.ge [sflag:s26], $0x4000  }
0x40: {  	[sflag:s26] =	ssyncset.done $0x0  }
0x41: {  	s0 =	sadd.s32 $0x2800, s0;
	[sflag:s26] =	ssyncadd.s32 $0xFFFFC000  }
0x42: {  	[spmem:s3] =	stream.indirect.scatter.add.f32 [tilespmem:s24], [sflag:$0x2], $0x80, s0, s21, $0xb8;
	[tilespmem:$0x1E320] =	vst v63  }
0x43: {  	_ =	swait.ge [sflag:s16], $0x4000  }
.Ltmp0:
0x44: {  	[sflag:s16] =	ssyncset.done $0x0;
	(pc) =	sbr.rel @p1 .LBB2_2-.Ltmp0, $4  }
0x45: {  	[sflag:s16] =	ssyncadd.s32 $0xFFFFC000  }
0x46: {  	[spmem:s4] =	stream.indirect.scatter.add.f32 [tilespmem:s19], [sflag:$0x2], $0x1, s0, s21, $0xb8;
	[tilespmem:$0x1E320] =	vst v63  }
0x47: {  	_ =	swait.ge [sflag:s16], $0x80  }
0x48: {  	s31 =	smov.u32 s1;
	[sflag:s16] =	ssyncset.done $0x0  }
0x49: {  	s0 =	sshra.s32 s30, $0x2;
	[sflag:s16] =	ssyncadd.s32 $0xFFFFFF80  }
0x4a: {  	[tilespmem:s24], [sflag:$0x1] =	stream.indirect.gather [hbm4b:s6+s21], $0x80, s0, s21, $0xb8;
	[tilespmem:$0x1E320] =	vst v63  }
0x4b: {  	_ =	swait.ge [sflag:s26], $0x4000  }
0x4c: {  	[sflag:s26] =	ssyncset.done $0x0  }
0x4d: {  	s0 =	sadd.s32 $0x2800, s0;
	[sflag:s26] =	ssyncadd.s32 $0xFFFFC000  }
0x4e: {  	[spmem:s3] =	stream.indirect.scatter.add.f32 [tilespmem:s24], [sflag:$0x2], $0x80, s0, s21, $0xb8;
	[tilespmem:$0x1E320] =	vst v63  }
0x4f: {  	_ =	swait.ge [sflag:s16], $0x4000  }
0x50: {  	[sflag:s16] =	ssyncset.done $0x0  }
0x51: {  	[sflag:s16] =	ssyncadd.s32 $0xFFFFC000  }
0x52: {  	[spmem:s4] =	stream.indirect.scatter.add.f32 [tilespmem:s19], [sflag:$0x2], $0x1, s0, s21, $0xb8;
	[tilespmem:$0x1E320] =	vst v63  }
0x53: {  	_ =	swait.ge [sflag:s16], $0x80  }
0x54: {  	[sflag:s16] =	ssyncset.done $0x0  }
0x55: {  	[sflag:s16] =	ssyncadd.s32 $0xFFFFFF80  }
0x56: {  	[bflag:$0x0] =	sbarrier.arrive $0xFFFF  }
0x57: {  	[hbm:s20], [sflag:s14] =	dma.local [spmem:s15], $0x2A00  }
0x58: {  	_ =	swait.ge [sflag:s16], $0x2A00  }
0x59: {  	s1 =	simm.s32 @p0 $0x20;
	[sflag:s16] =	ssyncset.done $0x0  }
0x5a: {  	s30 =	simm.s32 @p0 $0x10;
	s0 =	simm.s32 @p0 $0x1;
	[sflag:s16] =	ssyncadd.s32 $0xFFFFD600  }
0x5b: {  	[hbm:s22@s1], [sflag:s14] =	dma.strided @p0 [spmem:s29@s30], $0x50, s0, $0x10   }
0x5c: {  	s0 =	simm.s32 @p0 $0x2  }
0x5d: {  	s28 =	sadd.s32 $0x1, s28;
	_ =	swait.ge @p0 [sflag:s0], $0x50  }
0x5e: {  	p1 =	sne.s32 s28, s13;
	s1 =	simm.s32 @!p0 $0x20;
	[sflag:s0] =	ssyncset.done @p0 $0x0  }
0x5f: {  	s29 =	simm.s32 @!p0 $0x10;
	[sflag:s0] =	ssyncadd.s32 @p0 $0xFFFFFFB0;
	s0 =	simm.s32 @!p0 $0x1  }
0x60: {  	[hbm:s23@s1], [sflag:s14] =	dma.strided @!p0 [spmem:s25@s29], $0x60, s0, $0x10   }
.Ltmp1:
0x61: {  	_ = 	snop;
	(pc) =	sbr.rel @p1 .LBB2_1-.Ltmp1, $4  }
0x62: {  	s0 =	simm.s32 @!p0 $0x2  }
0x63: {  	_ =	swait.ge @!p0 [sflag:s0], $0x60  }
0x64: {  	[sflag:s0] =	ssyncset.done @!p0 $0x0  }
0x65: {  	[sflag:s0] =	ssyncadd.s32 @!p0 $0xFFFFFFA0  }
0x66: {  	_ =	sfence.sel $0x180000  }
0x67: {  	[bflag:$0x0] =	sbarrier.arrive $0xFFFF  }
0x68: {  	_ =	strace $0x90000047  }
0x69: {  	s0 =	stileid.u32;
	[bflag:$0x2] =	sbarrier.arrive $0xFFFF  }
0x6a: {  	p0 =	sne.s32 s0, $0x0;
	s0 =	rddreg [dreg:$0x4]  }
0x6b: {  	s0 =	sadd.s32 @!p0 $0x100000, s0  }
0x6c: {  	[sflag:s0] =	ssyncadd.tile.s32 @!p0 $0x1;
	_ =	shalt  }
.Lfunc_end2:
_tile_overlayer_lowered:
.L_overlay_start_2:
0x6d: {  	(tag) =	ssettag $0x2  }
0x6e: {  	s0 =	rddreg [dreg:$0x0];
	s2 =	stileid.u32  }
0x6f: {  	s1 =	rddreg [dreg:$0x1];
	p0 =	sne.s32 s2, $0x0  }
0x70: {  	s3 =	rddreg [dreg:$0x2];
	[bflag:$0x3] =	sbarrier.arrive $0xFFFF;
	s2 =	simm.s32 @!p0 $0x1C02  }
0x71: {  	[timem:s3], [sflag:s2] =	dma.local @!p0 [hbm:s0], s1  }
0x72: {  	s0 =	simm.s32 @!p0 $0x2  }
0x73: {  	_ =	swait.ge @!p0 [sflag:s0], s1  }
0x74: {  	s1 =	ssub.s32 @!p0 $0x0, s1;
	[sflag:s0] =	ssyncset.done @!p0 $0x0  }
0x75: {  	[sflag:s0] =	ssyncadd.s32 @!p0 s1  }
0x76: {  	[bflag:$0x3] =	sbarrier.arrive $0xFFFF  }
0x77: {  	_ =	shalt  }

// kernel: kernel.16.cloned.1.call-start
scs
__scs_entry_jumppad:
0x0: {  	(pc) =	sbr.rel $0x88, $3  }
0x1: {  	(tag) =	ssettag $0x0;
	lr =	simm.s32 $0x1  }
0x2: {  	[smem:$0x3F75] =	sst lr;
	_ =	strace $0xD0000000  }
0x3: {  	_ = 	snop  }
0x4: {  	_ = 	snop  }
0x5: {  	_ = 	snop  }
0x6: {  	_ = 	snop  }
0x7: {  	_ = 	snop  }
__scs_overlays_trampoline_lowered:
0x8: {  	[smem:$0x3F84] =	sst s0  }
0x9: {  	[smem:$0x3F85] =	sst s1  }
0xa: {  	[smem:$0x3F86] =	sst s2  }
0xb: {  	[smem:$0x3F87] =	sst s3  }
0xc: {  	[smem:$0x3F88] =	sst s4  }
0xd: {  	[smem:$0x3F89] =	sst s5  }
0xe: {  	[smem:$0x3F8A] =	sst s6  }
0xf: {  	[smem:$0x3F8B] =	sst s7  }
0x10: {  	[smem:$0x3F8C] =	sst s8  }
0x11: {  	[smem:$0x3F8D] =	sst s9;
	s0 =	simm.s32 @!p0 $0x0  }
0x12: {  	s1 =	sld [smem:$0x3F73];
	s0 =	simm.s32 @p0 $0x1  }
0x13: {  	[smem:$0x3F8E] =	sst s0;
	s0 =	simm.s32 @!p1 $0x0  }
0x14: {  	s2 =	sld [smem:$0x3F72];
	s0 =	simm.s32 @p1 $0x1  }
0x15: {  	[smem:$0x3F8F] =	sst s0;
	s0 =	simm.s32 @!p2 $0x0  }
0x16: {  	s3 =	sld [smem:$0x3FDB];
	s0 =	simm.s32 @p2 $0x1  }
0x17: {  	s4 =	simm.s32 $0x1BF5;
	[smem:$0x3F91] =	sst s0  }
0x18: {  	s0 =	sld [smem:$0x3F74];
	_ =	swait.ge [sflag:s4], $0x0  }
0x19: {  	s7 =	sld [smem:$0x3F75]  }
0x1a: {  	s8 =	sadd.s32 $0xFFFFE003, lr  }
0x1b: {  	s9 =	sadd.s32 $0xFFFFFEF7, lr;
	s5 =	simm.s32 $0xFFFFFFFF;
	p2 =	slt.u32 s8, $0xFFFFF086  }
0x1c: {  	p1 =	slt.u32 s9, $0xF7A;
	s5 =	simm.s32 @!p2 $0x0  }
0x1d: {  	s5 =	simm.s32 @p1 $0x1;
	p0 =	seq.s32 s7, s2  }
0x1e: {  	s7 =	smul.u32 @!p0 $0xF7A, s2;
	p2 =	seq.s32 @!p0 s5, $0x0  }
0x1f: {  	s9 =	smul.u32 $0xF7A, s1;
	s8 =	simm.s32 @!p0 $0x1BF5;
	p2 =	por !p2, p0  }
0x20: {  	[sflag:s8] =	ssyncset.s32 @!p0 $0xFFFFF086;
	s6 =	sadd.s32 @!p0 s3, s7;
	s7 =	simm.s32 @!p0 $0x108  }
0x21: {  	s3 =	sadd.s32 s3, s9;
	s6 =	sadd.s32 @!p0 $0x88, s6;
	s7 =	simm.s32 @p2 $0x1082  }
0x22: {  	[simem:s7], [sflag:s8] =	dma.local @!p0 [hbm:s6], $0xF7A  }
0x23: {  	s9 =	sor.u32 $0xD0000000, s2;
	s6 =	simm.s32 $0x108;
	_ =	swait.ge @!p0 [sflag:s8], $0x0  }
0x24: {  	s3 =	sadd.s32 $0x88, s3;
	s6 =	simm.s32 @!p1 $0x1082;
	[sflag:s4] =	ssyncset.s32 $0xFFFFF086  }
0x25: {  	[simem:s6], [sflag:s4] =	dma.local [hbm:s3], $0xF7A  }
0x26: {  	[smem:$0x3F75] =	sst s1;
	(tag) =	ssettag s2;
	_ =	strace s9  }
0x27: {  	s1 =	sld [smem:$0x3F85]  }
0x28: {  	s2 =	sld [smem:$0x3F86]  }
0x29: {  	s4 =	sld [smem:$0x3F88]  }
0x2a: {  	p0 =	seq.s32 s5, $0x0;
	s5 =	sld [smem:$0x3F89]  }
0x2b: {  	s6 =	sld [smem:$0x3F8A]  }
0x2c: {  	s7 =	sld [smem:$0x3F8B]  }
0x2d: {  	s3 =	simm.s32 $0x108;
	s8 =	sld [smem:$0x3F8C]  }
0x2e: {  	s3 =	simm.s32 @!p0 $0x1082;
	s9 =	sld [smem:$0x3F8D]  }
0x2f: {  	lr =	sadd.s32 s0, s3;
	s0 =	sld [smem:$0x3F84]  }
0x30: {  	s3 =	sld [smem:$0x3F87]  }
0x31: {  	[smem:$0x3F90] =	sst s10  }
0x32: {  	s10 =	sld [smem:$0x3F8E];
	_ =	sdelay $0x3  }
0x33: {  	p0 =	seq.s32 s10, $0x1;
	s10 =	sld [smem:$0x3F90];
	_ =	sdelay $0x3  }
0x34: {  	[smem:$0x3F90] =	sst s10  }
0x35: {  	s10 =	sld [smem:$0x3F8F];
	_ =	sdelay $0x3  }
0x36: {  	p1 =	seq.s32 s10, $0x1;
	s10 =	sld [smem:$0x3F90];
	_ =	sdelay $0x3  }
0x37: {  	[smem:$0x3F90] =	sst s10  }
0x38: {  	s10 =	sld [smem:$0x3F91]  }
0x39: {  	_ = 	snop;
	(pc) =	sbr.ind lr, $3  }
0x3a: {  	_ = 	snop  }
0x3b: {  	_ = 	snop  }
0x3c: {  	p2 =	seq.s32 s10, $0x1;
	s10 =	sld [smem:$0x3F90]  }
0x3d: {  	_ =	shalt  }
0x3e: {  	_ =	shalt  }
0x3f: {  	_ =	shalt  }
0x40: {  	_ =	shalt  }
0x41: {  	_ =	shalt  }
0x42: {  	_ =	shalt  }
0x43: {  	_ =	shalt  }
0x44: {  	_ =	shalt  }
0x45: {  	_ =	shalt  }
0x46: {  	_ =	shalt  }
0x47: {  	_ =	shalt  }
0x48: {  	_ =	shalt  }
0x49: {  	_ =	shalt  }
0x4a: {  	_ =	shalt  }
0x4b: {  	_ =	shalt  }
0x4c: {  	_ =	shalt  }
0x4d: {  	_ =	shalt  }
0x4e: {  	_ =	shalt  }
0x4f: {  	_ =	shalt  }
0x50: {  	_ =	shalt  }
0x51: {  	_ =	shalt  }
0x52: {  	_ =	shalt  }
0x53: {  	_ =	shalt  }
0x54: {  	_ =	shalt  }
0x55: {  	_ =	shalt  }
0x56: {  	_ =	shalt  }
0x57: {  	_ =	shalt  }
0x58: {  	_ =	shalt  }
0x59: {  	_ =	shalt  }
0x5a: {  	_ =	shalt  }
0x5b: {  	_ =	shalt  }
0x5c: {  	_ =	shalt  }
0x5d: {  	_ =	shalt  }
0x5e: {  	_ =	shalt  }
0x5f: {  	_ =	shalt  }
0x60: {  	_ =	shalt  }
0x61: {  	_ =	shalt  }
0x62: {  	_ =	shalt  }
0x63: {  	_ =	shalt  }
0x64: {  	_ =	shalt  }
0x65: {  	_ =	shalt  }
0x66: {  	_ =	shalt  }
0x67: {  	_ =	shalt  }
0x68: {  	_ =	shalt  }
0x69: {  	_ =	shalt  }
0x6a: {  	_ =	shalt  }
0x6b: {  	_ =	shalt  }
0x6c: {  	_ =	shalt  }
0x6d: {  	_ =	shalt  }
0x6e: {  	_ =	shalt  }
0x6f: {  	_ =	shalt  }
0x70: {  	_ =	shalt  }
0x71: {  	_ =	shalt  }
0x72: {  	_ =	shalt  }
0x73: {  	_ =	shalt  }
0x74: {  	_ =	shalt  }
0x75: {  	_ =	shalt  }
0x76: {  	_ =	shalt  }
0x77: {  	_ =	shalt  }
0x78: {  	_ =	shalt  }
0x79: {  	_ =	shalt  }
0x7a: {  	_ =	shalt  }
0x7b: {  	_ =	shalt  }
0x7c: {  	_ =	shalt  }
0x7d: {  	_ =	shalt  }
0x7e: {  	_ =	shalt  }
0x7f: {  	_ =	shalt  }
0x80: {  	_ =	shalt  }
0x81: {  	_ =	shalt  }
0x82: {  	_ =	shalt  }
0x83: {  	_ =	shalt  }
0x84: {  	_ =	shalt  }
0x85: {  	_ =	shalt  }
0x86: {  	_ =	shalt  }
0x87: {  	_ =	shalt  }
.Lfunc_end0:
.L_simem_size_0:
called_computation.1_lowered:
.L_overlay_start_0:
0x88: {  	s2 =	sld [smem:$0x3FD9]  }
0x89: {  	s3 =	sld [smem:$0x3FFE];
	_ =	sdelay $0x1  }
0x8a: {  	s1 =	srdreg.scid  }
0x8b: {  	s0 =	sand.u32 $0x1, s1  }
0x8c: {  	s16 =	sshll.u32 s0, $0xA;
	s2 =	sadd.s32 s3, s2  }
0x8d: {  	s2 =	sadd.s32 s2, s16  }
0x8e: {  	[smem:$0x3F9C] =	sst s2  }
0x8f: {  	_ = 	snop  }
0x90: {  	(tm) =	ssettm $0x1  }
0x91: {  	s17 =	sld [smem:$0x3FFB];
	_ =	sdelay $0x3  }
0x92: {  	_ =	strace s17  }
0x93: {  	s2 =	sld [smem:$0x3FFC];
	_ =	sdelay $0x3  }
0x94: {  	_ =	strace s2  }
0x95: {  	s2 =	sld [smem:$0x3FFD];
	_ =	sdelay $0x3  }
0x96: {  	_ =	strace s2  }
0x97: {  	_ =	strace $0x8FFFFFFF  }
0x98: {  	s18 =	sld [smem:$0x3FDB];
	_ =	sdelay $0x1  }
0x99: {  	s19 =	simm.s32 $_scs_section_size  }
0x9a: {  	s4 =	simm.s32 $_size__tile_overlayer_lowered;
	s5 =	simm.s32 $_tile_overlayer_lowered  }
0x9b: {  	s22 =	simm.s32 $0x1BFF;
	s21 =	sshll.u32 s5, $0x1;
	s2 =	sadd.s32 s19, s18  }
0x9c: {  	s6 =	simm.s32 $0x0;
	s20 =	sshll.u32 s4, $0x1;
	s4 =	sadd.s32 s21, s2  }
0x9d: {  	[timem:s6], [sflag:s22] =	dma.local [hbm:s4], s20  }
0x9e: {  	_ =	swait.ge [sflag:s22], s20  }
0x9f: {  	s3 =	ssub.s32 $0x0, s20;
	[sflag:s22] =	ssyncset.done $0x0  }
0xa0: {  	[sflag:s22] =	ssyncadd.s32 s3;
	_ =	sdelay $0x1  }
0xa1: {  	s23 =	simm.s32 $0x1B8B  }
0xa2: {  	_ =	swait.ge [sflag:s23], $0x1  }
0xa3: {  	[sflag:s23] =	ssyncset.done $0x0  }
0xa4: {  	s25 =	simm.s32 $0x1B8E;
	s24 =	sld [smem:$0x3FFE];
	[sflag:s23] =	ssyncadd.s32 $0xFFFFFFFF  }
0xa5: {  	s26 =	simm.s32 $execute0_lowered;
	[smem:$0x3FD2] =	sst s25  }
0xa6: {  	s4 =	sshll.u32 s26, $0x1;
	_ =	strace $0x80000049;
	[dreg:$0x1] =	wrdreg $0xFFFFFFFF  }
0xa7: {  	s28 =	simm.s32 $_size_execute0_lowered;
	s2 =	sadd.s32 s2, s4;
	[dreg:$0x0] =	wrdreg $0x0  }
0xa8: {  	s4 =	sshll.u32 s28, $0x1;
	[dreg:$0x2] =	wrdreg s2  }
0xa9: {  	[dreg:$0x3] =	wrdreg s4  }
0xaa: {  	[dreg:$0x4] =	wrdreg $0xC0  }
0xab: {  	_ =	task [dreg:s6], $0x5FFFF  }
0xac: {  	[dreg:$0x1] =	wrdreg $0xFFFFFFFF  }
0xad: {  	[dreg:$0x0] =	wrdreg $0x60  }
0xae: {  	[dreg:$0x2] =	wrdreg s24  }
0xaf: {  	[dreg:$0x3] =	wrdreg $0x90000  }
0xb0: {  	[dreg:$0x4] =	wrdreg $0x9  }
0xb1: {  	_ =	task.clear_ibuf [dreg:s6], $0x5FFFF;
	_ =	strace $0x90000049  }
0xb2: {  	s29 =	simm.s32 $0x9;
	_ =	strace $0x8000004B  }
0xb3: {  	_ =	swait.ge [sflag:s29], $0x1  }
0xb4: {  	[sflag:s29] =	ssyncadd.s32 $0xFFFFFFFF  }
0xb5: {  	_ =	strace $0x9000004B  }
0xb6: {  	_ =	sfence  }
0xb7: {  	s30 =	sld [smem:$0x0];
	_ =	sdelay $0x2  }
0xb8: {  	s31 =	sshll.u32 s1, $0xD;
	s1 =	sshrl.u32 s1, $0x2  }
0xb9: {  	s3 =	sand.u32 $0x4000, s31;
	s1 =	sadd.s32 s1, s30  }
0xba: {  	s0 =	sor.u32 s3, s0;
	s1 =	sshll.u32 s1, $0x11  }
0xbb: {  	s0 =	sor.u32 s1, s0  }
0xbc: {  	s0 =	sadd.s32 $0x8F2B, s0  }
0xbd: {  	[sflag:s0] =	ssyncadd.remote.s32 $0x1  }
0xbe: {  	_ =	sfence.sel $0xFFFF  }
0xbf: {  	[dreg:$0x0] =	wrdreg $0xFFFFFFFF;
	(pc) =	sbr.abs _section_cstart, $3  }
0xc0: {  	[dreg:$0x1] =	wrdreg $0xFFFFFFFF  }
0xc1: {  	_ =	task.clear_ibuf [dreg:s6], $0x2FFFF;
	_ =	strace $0x9FFFFFFF  }
0xc2: {  	(tm) =	ssettm $0x7FFFFFFF  }
0xc3: {  	_ =	shalt  }
tec
execute0_lowered:
.L_overlay_start_1:
0x0: {  	(tag) =	ssettag $0x1  }
0x1: {  	s5 =	rddreg [dreg:$0x0]  }
0x2: {  	s2 =	rddreg [dreg:$0x1];
	s1 =	stileid.u32  }
0x3: {  	s3 =	srdreg.scid;
	s0 =	rddreg [dreg:$0x2];
	s13 =	simm.s32 $0x80  }
0x4: {  	s14 =	simm.s32 $0x5000;
	s15 =	simm.s32 $0x1;
	s6 =	sand.u32 $0x1, s3  }
0x5: {  	s4 =	sshll.u32 s1, $0x1;
	s3 =	simm.s32 $0x0;
	s16 =	smul.u32 $0x2A00, s1  }
0x6: {  	s8 =	smul.u32 $0x54000, s1;
	s31 =	sshll.u32 s1, $0x6;
	s4 =	sor.u32 s6, s4  }
0x7: {  	[smem:$0x7FF] =	sst s3;
	s10 =	smul.u32 $0x2A000, s6;
	s6 =	ssub.s32 $0x2, s6  }
0x8: {  	s7 =	smul.u32 $0x500, s4;
	_ =	strace $0x8000004A;
	s4 =	sadd.s32 $0x1BC00, s5  }
0x9: {  	s9 =	sadd.s32 s16, s5;
	s11 =	sshrl.u32 s6, $0x1;
	s8 =	sshrl.u32 s8, $0x2  }
0xa: {  	s10 =	sadd.s32 s10, s5;
	s11 =	ssub.s32 s6, s11;
	s12 =	sadd.s32 s8, s2  }
0xb: {  	s7 =	sadd.s32 s7, s5;
	s5 =	sadd.s32 $0x45C00, s9;
	s17 =	sadd.s32 $0x6FC00, s10  }
0xc: {  	s8 =	smax.u32 s11, $0x1;
	s9 =	sor.u32 $0x1C02, s31;
	s10 =	sshrl.u32 s12, $0x3  }
0xd: {  	s11 =	simm.s32 $0x2;
	s12 =	simm.s32 $0x2800;
	s6 =	sadd.s32 $0x7C00, s7  }
0xe: {  	s7 =	sadd.s32 $0x11C00, s7;
	s16 =	sadd.s32 s16, s17;
	s17 =	simm.s32 $0x0  }
.LBB2_1:
0xf: {  	[spmem:s10], [sflag:s9] =	dma.local [hbm:s5], $0x2A00  }
0x10: {  	_ =	swait.ge [sflag:s11], $0x2A00  }
0x11: {  	[sflag:s11] =	ssyncset.done $0x0  }
0x12: {  	[sflag:s11] =	ssyncadd.s32 $0xFFFFD600  }
0x13: {  	[tilespmem:s3], [sflag:$0x2] =	stream.linear.gather [hbm4b:s6+s3], $0x2780, $0x38;
	[tilespmem:$0x1E000] =	vst v63  }
0x14: {  	_ =	swait.ge [sflag:s11], $0x2780  }
0x15: {  	[sflag:s11] =	ssyncset.done $0x0  }
0x16: {  	[sflag:s11] =	ssyncadd.s32 $0xFFFFD880  }
0x17: {  	[tilespmem:s12], [sflag:$0x2] =	stream.linear.gather [hbm4b:s7+s3], $0x2780, $0x38;
	[tilespmem:$0x1E000] =	vst v63  }
0x18: {  	_ =	swait.ge [sflag:s11], $0x2780  }
0x19: {  	[sflag:s11] =	ssyncset.done $0x0  }
0x1a: {  	[sflag:s11] =	ssyncadd.s32 $0xFFFFD880  }
0x1b: {  	s18 =	simm.s32 $0x0;
	[bflag:$0x0] =	sbarrier.arrive $0xFFFF  }
0x1c: {  	[tilespmem:s14], [sflag:$0x1] =	stream.indirect.gather [hbm4b:s4+s13], $0x80, s18, s13, $0xb8;
	[tilespmem:$0x1E000] =	vst v63  }
0x1d: {  	_ =	swait.ge [sflag:s15], $0x4000  }
0x1e: {  	[sflag:s15] =	ssyncset.done $0x0  }
0x1f: {  	s31 =	simm.s32 $0x2800;
	[sflag:s15] =	ssyncadd.s32 $0xFFFFC000  }
0x20: {  	[spmem:s2] =	stream.indirect.scatter.add.f32 [tilespmem:s14], [sflag:$0x2], $0x80, s31, s13, $0xb8;
	[tilespmem:$0x1E000] =	vst v63  }
0x21: {  	_ =	swait.ge [sflag:s11], $0x4000  }
0x22: {  	s19 =	simm.s32 $0x400;
	s18 =	simm.s32 $0x200;
	[sflag:s11] =	ssyncset.done $0x0  }
.LBB2_2:
0x23: {  	s20 =	sshra.s32 s18, $0x2  }
0x24: {  	[sflag:s11] =	ssyncadd.s32 $0xFFFFC000;
	s18 =	smov.u32 s19;
	s21 =	sadd.s32 $0x200, s19  }
0x25: {  	[tilespmem:s14], [sflag:$0x1] =	stream.indirect.gather [hbm4b:s4+s13], $0x80, s20, s13, $0xb8;
	[tilespmem:$0x1E000] =	vst v63  }
0x26: {  	p0 =	sne.s32 s19, $0x9C00;
	_ =	swait.ge [sflag:s15], $0x4000  }
.Ltmp0:
0x27: {  	[sflag:s15] =	ssyncset.done $0x0;
	(pc) =	sbr.rel @p0 .LBB2_2-.Ltmp0, $4  }
0x28: {  	s19 =	sadd.s32 $0x2800, s20;
	[sflag:s15] =	ssyncadd.s32 $0xFFFFC000  }
0x29: {  	[spmem:s2] =	stream.indirect.scatter.add.f32 [tilespmem:s14], [sflag:$0x2], $0x80, s19, s13, $0xb8;
	[tilespmem:$0x1E000] =	vst v63  }
0x2a: {  	_ =	swait.ge [sflag:s11], $0x4000  }
0x2b: {  	s19 =	smov.u32 s21;
	[sflag:s11] =	ssyncset.done $0x0  }
0x2c: {  	s18 =	sshra.s32 s18, $0x2;
	[sflag:s11] =	ssyncadd.s32 $0xFFFFC000  }
0x2d: {  	[tilespmem:s14], [sflag:$0x1] =	stream.indirect.gather [hbm4b:s4+s13], $0x80, s18, s13, $0xb8;
	[tilespmem:$0x1E000] =	vst v63  }
0x2e: {  	_ =	swait.ge [sflag:s15], $0x4000  }
0x2f: {  	[sflag:s15] =	ssyncset.done $0x0  }
0x30: {  	s18 =	sadd.s32 $0x2800, s18;
	[sflag:s15] =	ssyncadd.s32 $0xFFFFC000  }
0x31: {  	[spmem:s2] =	stream.indirect.scatter.add.f32 [tilespmem:s14], [sflag:$0x2], $0x80, s18, s13, $0xb8;
	[tilespmem:$0x1E000] =	vst v63  }
0x32: {  	_ =	swait.ge [sflag:s11], $0x4000  }
0x33: {  	s17 =	sadd.s32 $0x1, s17;
	[sflag:s11] =	ssyncset.done $0x0  }
0x34: {  	p0 =	sne.s32 s17, s8;
	[sflag:s11] =	ssyncadd.s32 $0xFFFFC000  }
.Ltmp1:
0x35: {  	[bflag:$0x0] =	sbarrier.arrive $0xFFFF;
	(pc) =	sbr.rel @p0 .LBB2_1-.Ltmp1, $4  }
0x36: {  	[hbm:s16], [sflag:s9] =	dma.local [spmem:s10], $0x2A00  }
0x37: {  	_ =	swait.ge [sflag:s11], $0x2A00  }
0x38: {  	[sflag:s11] =	ssyncset.done $0x0  }
0x39: {  	[sflag:s11] =	ssyncadd.s32 $0xFFFFD600  }
0x3a: {  	_ =	sfence.sel $0x180000  }
0x3b: {  	[bflag:$0x0] =	sbarrier.arrive $0xFFFF  }
0x3c: {  	p0 =	sne.s32 s1, $0x0;
	_ =	strace $0x9000004A  }
0x3d: {  	s0 =	sadd.s32 @!p0 $0x100000, s0;
	[bflag:$0x2] =	sbarrier.arrive $0xFFFF  }
0x3e: {  	[sflag:s0] =	ssyncadd.tile.s32 @!p0 $0x1;
	_ =	shalt  }
.Lfunc_end2:
_tile_overlayer_lowered:
.L_overlay_start_2:
0x3f: {  	(tag) =	ssettag $0x2  }
0x40: {  	s0 =	rddreg [dreg:$0x0];
	s2 =	stileid.u32  }
0x41: {  	s1 =	rddreg [dreg:$0x1];
	p0 =	sne.s32 s2, $0x0  }
0x42: {  	s3 =	rddreg [dreg:$0x2];
	[bflag:$0x3] =	sbarrier.arrive $0xFFFF;
	s2 =	simm.s32 @!p0 $0x1C02  }
0x43: {  	[timem:s3], [sflag:s2] =	dma.local @!p0 [hbm:s0], s1  }
0x44: {  	s0 =	simm.s32 @!p0 $0x2  }
0x45: {  	_ =	swait.ge @!p0 [sflag:s0], s1  }
0x46: {  	s1 =	ssub.s32 @!p0 $0x0, s1;
	[sflag:s0] =	ssyncset.done @!p0 $0x0  }
0x47: {  	[sflag:s0] =	ssyncadd.s32 @!p0 s1  }
0x48: {  	[bflag:$0x3] =	sbarrier.arrive $0xFFFF  }
0x49: {  	_ =	shalt  }

// kernel: kernel.19.cloned.1.call-start
scs
__scs_entry_jumppad:
0x0: {  	(pc) =	sbr.rel $0x88, $3  }
0x1: {  	(tag) =	ssettag $0x0;
	lr =	simm.s32 $0x1  }
0x2: {  	[smem:$0x3F75] =	sst lr;
	_ =	strace $0xD0000000  }
0x3: {  	_ = 	snop  }
0x4: {  	_ = 	snop  }
0x5: {  	_ = 	snop  }
0x6: {  	_ = 	snop  }
0x7: {  	_ = 	snop  }
__scs_overlays_trampoline_lowered:
0x8: {  	[smem:$0x3F84] =	sst s0  }
0x9: {  	[smem:$0x3F85] =	sst s1  }
0xa: {  	[smem:$0x3F86] =	sst s2  }
0xb: {  	[smem:$0x3F87] =	sst s3  }
0xc: {  	[smem:$0x3F88] =	sst s4  }
0xd: {  	[smem:$0x3F89] =	sst s5  }
0xe: {  	[smem:$0x3F8A] =	sst s6  }
0xf: {  	[smem:$0x3F8B] =	sst s7  }
0x10: {  	[smem:$0x3F8C] =	sst s8  }
0x11: {  	[smem:$0x3F8D] =	sst s9;
	s0 =	simm.s32 @!p0 $0x0  }
0x12: {  	s1 =	sld [smem:$0x3F73];
	s0 =	simm.s32 @p0 $0x1  }
0x13: {  	[smem:$0x3F8E] =	sst s0;
	s0 =	simm.s32 @!p1 $0x0  }
0x14: {  	s2 =	sld [smem:$0x3F72];
	s0 =	simm.s32 @p1 $0x1  }
0x15: {  	[smem:$0x3F8F] =	sst s0;
	s0 =	simm.s32 @!p2 $0x0  }
0x16: {  	s3 =	sld [smem:$0x3FDB];
	s0 =	simm.s32 @p2 $0x1  }
0x17: {  	s4 =	simm.s32 $0x1BF5;
	[smem:$0x3F91] =	sst s0  }
0x18: {  	s0 =	sld [smem:$0x3F74];
	_ =	swait.ge [sflag:s4], $0x0  }
0x19: {  	s7 =	sld [smem:$0x3F75]  }
0x1a: {  	s8 =	sadd.s32 $0xFFFFE003, lr  }
0x1b: {  	s9 =	sadd.s32 $0xFFFFFEF7, lr;
	s5 =	simm.s32 $0xFFFFFFFF;
	p2 =	slt.u32 s8, $0xFFFFF086  }
0x1c: {  	p1 =	slt.u32 s9, $0xF7A;
	s5 =	simm.s32 @!p2 $0x0  }
0x1d: {  	s5 =	simm.s32 @p1 $0x1;
	p0 =	seq.s32 s7, s2  }
0x1e: {  	s7 =	smul.u32 @!p0 $0xF7A, s2;
	p2 =	seq.s32 @!p0 s5, $0x0  }
0x1f: {  	s9 =	smul.u32 $0xF7A, s1;
	s8 =	simm.s32 @!p0 $0x1BF5;
	p2 =	por !p2, p0  }
0x20: {  	[sflag:s8] =	ssyncset.s32 @!p0 $0xFFFFF086;
	s6 =	sadd.s32 @!p0 s3, s7;
	s7 =	simm.s32 @!p0 $0x108  }
0x21: {  	s3 =	sadd.s32 s3, s9;
	s6 =	sadd.s32 @!p0 $0x88, s6;
	s7 =	simm.s32 @p2 $0x1082  }
0x22: {  	[simem:s7], [sflag:s8] =	dma.local @!p0 [hbm:s6], $0xF7A  }
0x23: {  	s9 =	sor.u32 $0xD0000000, s2;
	s6 =	simm.s32 $0x108;
	_ =	swait.ge @!p0 [sflag:s8], $0x0  }
0x24: {  	s3 =	sadd.s32 $0x88, s3;
	s6 =	simm.s32 @!p1 $0x1082;
	[sflag:s4] =	ssyncset.s32 $0xFFFFF086  }
0x25: {  	[simem:s6], [sflag:s4] =	dma.local [hbm:s3], $0xF7A  }
0x26: {  	[smem:$0x3F75] =	sst s1;
	(tag) =	ssettag s2;
	_ =	strace s9  }
0x27: {  	s1 =	sld [smem:$0x3F85]  }
0x28: {  	s2 =	sld [smem:$0x3F86]  }
0x29: {  	s4 =	sld [smem:$0x3F88]  }
0x2a: {  	p0 =	seq.s32 s5, $0x0;
	s5 =	sld [smem:$0x3F89]  }
0x2b: {  	s6 =	sld [smem:$0x3F8A]  }
0x2c: {  	s7 =	sld [smem:$0x3F8B]  }
0x2d: {  	s3 =	simm.s32 $0x108;
	s8 =	sld [smem:$0x3F8C]  }
0x2e: {  	s3 =	simm.s32 @!p0 $0x1082;
	s9 =	sld [smem:$0x3F8D]  }
0x2f: {  	lr =	sadd.s32 s0, s3;
	s0 =	sld [smem:$0x3F84]  }
0x30: {  	s3 =	sld [smem:$0x3F87]  }
0x31: {  	[smem:$0x3F90] =	sst s10  }
0x32: {  	s10 =	sld [smem:$0x3F8E];
	_ =	sdelay $0x3  }
0x33: {  	p0 =	seq.s32 s10, $0x1;
	s10 =	sld [smem:$0x3F90];
	_ =	sdelay $0x3  }
0x34: {  	[smem:$0x3F90] =	sst s10  }
0x35: {  	s10 =	sld [smem:$0x3F8F];
	_ =	sdelay $0x3  }
0x36: {  	p1 =	seq.s32 s10, $0x1;
	s10 =	sld [smem:$0x3F90];
	_ =	sdelay $0x3  }
0x37: {  	[smem:$0x3F90] =	sst s10  }
0x38: {  	s10 =	sld [smem:$0x3F91]  }
0x39: {  	_ = 	snop;
	(pc) =	sbr.ind lr, $3  }
0x3a: {  	_ = 	snop  }
0x3b: {  	_ = 	snop  }
0x3c: {  	p2 =	seq.s32 s10, $0x1;
	s10 =	sld [smem:$0x3F90]  }
0x3d: {  	_ =	shalt  }
0x3e: {  	_ =	shalt  }
0x3f: {  	_ =	shalt  }
0x40: {  	_ =	shalt  }
0x41: {  	_ =	shalt  }
0x42: {  	_ =	shalt  }
0x43: {  	_ =	shalt  }
0x44: {  	_ =	shalt  }
0x45: {  	_ =	shalt  }
0x46: {  	_ =	shalt  }
0x47: {  	_ =	shalt  }
0x48: {  	_ =	shalt  }
0x49: {  	_ =	shalt  }
0x4a: {  	_ =	shalt  }
0x4b: {  	_ =	shalt  }
0x4c: {  	_ =	shalt  }
0x4d: {  	_ =	shalt  }
0x4e: {  	_ =	shalt  }
0x4f: {  	_ =	shalt  }
0x50: {  	_ =	shalt  }
0x51: {  	_ =	shalt  }
0x52: {  	_ =	shalt  }
0x53: {  	_ =	shalt  }
0x54: {  	_ =	shalt  }
0x55: {  	_ =	shalt  }
0x56: {  	_ =	shalt  }
0x57: {  	_ =	shalt  }
0x58: {  	_ =	shalt  }
0x59: {  	_ =	shalt  }
0x5a: {  	_ =	shalt  }
0x5b: {  	_ =	shalt  }
0x5c: {  	_ =	shalt  }
0x5d: {  	_ =	shalt  }
0x5e: {  	_ =	shalt  }
0x5f: {  	_ =	shalt  }
0x60: {  	_ =	shalt  }
0x61: {  	_ =	shalt  }
0x62: {  	_ =	shalt  }
0x63: {  	_ =	shalt  }
0x64: {  	_ =	shalt  }
0x65: {  	_ =	shalt  }
0x66: {  	_ =	shalt  }
0x67: {  	_ =	shalt  }
0x68: {  	_ =	shalt  }
0x69: {  	_ =	shalt  }
0x6a: {  	_ =	shalt  }
0x6b: {  	_ =	shalt  }
0x6c: {  	_ =	shalt  }
0x6d: {  	_ =	shalt  }
0x6e: {  	_ =	shalt  }
0x6f: {  	_ =	shalt  }
0x70: {  	_ =	shalt  }
0x71: {  	_ =	shalt  }
0x72: {  	_ =	shalt  }
0x73: {  	_ =	shalt  }
0x74: {  	_ =	shalt  }
0x75: {  	_ =	shalt  }
0x76: {  	_ =	shalt  }
0x77: {  	_ =	shalt  }
0x78: {  	_ =	shalt  }
0x79: {  	_ =	shalt  }
0x7a: {  	_ =	shalt  }
0x7b: {  	_ =	shalt  }
0x7c: {  	_ =	shalt  }
0x7d: {  	_ =	shalt  }
0x7e: {  	_ =	shalt  }
0x7f: {  	_ =	shalt  }
0x80: {  	_ =	shalt  }
0x81: {  	_ =	shalt  }
0x82: {  	_ =	shalt  }
0x83: {  	_ =	shalt  }
0x84: {  	_ =	shalt  }
0x85: {  	_ =	shalt  }
0x86: {  	_ =	shalt  }
0x87: {  	_ =	shalt  }
.Lfunc_end0:
.L_simem_size_0:
called_computation.2_lowered:
.L_overlay_start_0:
0x88: {  	s2 =	sld [smem:$0x3FD9]  }
0x89: {  	s3 =	sld [smem:$0x3FFE];
	_ =	sdelay $0x1  }
0x8a: {  	s1 =	srdreg.scid  }
0x8b: {  	s0 =	sand.u32 $0x1, s1  }
0x8c: {  	s16 =	sshll.u32 s0, $0xA;
	s2 =	sadd.s32 s3, s2  }
0x8d: {  	s2 =	sadd.s32 s2, s16  }
0x8e: {  	[smem:$0x3F9C] =	sst s2  }
0x8f: {  	_ = 	snop  }
0x90: {  	(tm) =	ssettm $0x1  }
0x91: {  	s17 =	sld [smem:$0x3FFB];
	_ =	sdelay $0x3  }
0x92: {  	_ =	strace s17  }
0x93: {  	s2 =	sld [smem:$0x3FFC];
	_ =	sdelay $0x3  }
0x94: {  	_ =	strace s2  }
0x95: {  	s2 =	sld [smem:$0x3FFD];
	_ =	sdelay $0x3  }
0x96: {  	_ =	strace s2  }
0x97: {  	_ =	strace $0x8FFFFFFF  }
0x98: {  	s18 =	sld [smem:$0x3FDB];
	_ =	sdelay $0x1  }
0x99: {  	s19 =	simm.s32 $_scs_section_size  }
0x9a: {  	s4 =	simm.s32 $_size__tile_overlayer_lowered;
	s5 =	simm.s32 $_tile_overlayer_lowered  }
0x9b: {  	s22 =	simm.s32 $0x1BFF;
	s21 =	sshll.u32 s5, $0x1;
	s2 =	sadd.s32 s19, s18  }
0x9c: {  	s6 =	simm.s32 $0x0;
	s20 =	sshll.u32 s4, $0x1;
	s4 =	sadd.s32 s21, s2  }
0x9d: {  	[timem:s6], [sflag:s22] =	dma.local [hbm:s4], s20  }
0x9e: {  	_ =	swait.ge [sflag:s22], s20  }
0x9f: {  	s3 =	ssub.s32 $0x0, s20;
	[sflag:s22] =	ssyncset.done $0x0  }
0xa0: {  	[sflag:s22] =	ssyncadd.s32 s3;
	_ =	sdelay $0x1  }
0xa1: {  	s23 =	simm.s32 $0x1B8B  }
0xa2: {  	_ =	swait.ge [sflag:s23], $0x1  }
0xa3: {  	[sflag:s23] =	ssyncset.done $0x0  }
0xa4: {  	s25 =	simm.s32 $0x1B8E;
	s24 =	sld [smem:$0x3FFE];
	[sflag:s23] =	ssyncadd.s32 $0xFFFFFFFF  }
0xa5: {  	s26 =	simm.s32 $execute0_lowered;
	[smem:$0x3FD2] =	sst s25  }
0xa6: {  	s4 =	sshll.u32 s26, $0x1;
	_ =	strace $0x8000004C;
	[dreg:$0x1] =	wrdreg $0xFFFFFFFF  }
0xa7: {  	s28 =	simm.s32 $_size_execute0_lowered;
	s2 =	sadd.s32 s2, s4;
	[dreg:$0x0] =	wrdreg $0x0  }
0xa8: {  	s4 =	sshll.u32 s28, $0x1;
	[dreg:$0x2] =	wrdreg s2  }
0xa9: {  	[dreg:$0x3] =	wrdreg s4  }
0xaa: {  	[dreg:$0x4] =	wrdreg $0xC0  }
0xab: {  	_ =	task [dreg:s6], $0x5FFFF  }
0xac: {  	[dreg:$0x1] =	wrdreg $0xFFFFFFFF  }
0xad: {  	[dreg:$0x0] =	wrdreg $0x60  }
0xae: {  	[dreg:$0x2] =	wrdreg s24  }
0xaf: {  	[dreg:$0x3] =	wrdreg $0x90000  }
0xb0: {  	[dreg:$0x4] =	wrdreg $0x9  }
0xb1: {  	_ =	task.clear_ibuf [dreg:s6], $0x5FFFF;
	_ =	strace $0x9000004C  }
0xb2: {  	s29 =	simm.s32 $0x9;
	_ =	strace $0x8000004E  }
0xb3: {  	_ =	swait.ge [sflag:s29], $0x1  }
0xb4: {  	[sflag:s29] =	ssyncadd.s32 $0xFFFFFFFF  }
0xb5: {  	_ =	strace $0x9000004E  }
0xb6: {  	_ =	sfence  }
0xb7: {  	s30 =	sld [smem:$0x0];
	_ =	sdelay $0x2  }
0xb8: {  	s31 =	sshll.u32 s1, $0xD;
	s1 =	sshrl.u32 s1, $0x2  }
0xb9: {  	s3 =	sand.u32 $0x4000, s31;
	s1 =	sadd.s32 s1, s30  }
0xba: {  	s0 =	sor.u32 s3, s0;
	s1 =	sshll.u32 s1, $0x11  }
0xbb: {  	s0 =	sor.u32 s1, s0  }
0xbc: {  	s0 =	sadd.s32 $0x8F2B, s0  }
0xbd: {  	[sflag:s0] =	ssyncadd.remote.s32 $0x1  }
0xbe: {  	_ =	sfence.sel $0xFFFF  }
0xbf: {  	[dreg:$0x0] =	wrdreg $0xFFFFFFFF;
	(pc) =	sbr.abs _section_cstart, $3  }
0xc0: {  	[dreg:$0x1] =	wrdreg $0xFFFFFFFF  }
0xc1: {  	_ =	task.clear_ibuf [dreg:s6], $0x2FFFF;
	_ =	strace $0x9FFFFFFF  }
0xc2: {  	(tm) =	ssettm $0x7FFFFFFF  }
0xc3: {  	_ =	shalt  }
tec
execute0_lowered:
.L_overlay_start_1:
0x0: {  	(tag) =	ssettag $0x1  }
0x1: {  	s5 =	rddreg [dreg:$0x0]  }
0x2: {  	s2 =	rddreg [dreg:$0x1];
	s1 =	stileid.u32  }
0x3: {  	s3 =	srdreg.scid;
	s0 =	rddreg [dreg:$0x2];
	s13 =	simm.s32 $0x80  }
0x4: {  	s14 =	simm.s32 $0x5000;
	s15 =	simm.s32 $0x1;
	s6 =	sand.u32 $0x1, s3  }
0x5: {  	s4 =	sshll.u32 s1, $0x1;
	s3 =	simm.s32 $0x0;
	s16 =	smul.u32 $0x2A00, s1  }
0x6: {  	s8 =	smul.u32 $0x54000, s1;
	s31 =	sshll.u32 s1, $0x6;
	s4 =	sor.u32 s6, s4  }
0x7: {  	[smem:$0x7FF] =	sst s3;
	s10 =	smul.u32 $0x2A000, s6;
	s6 =	ssub.s32 $0x2, s6  }
0x8: {  	s7 =	smul.u32 $0x500, s4;
	_ =	strace $0x8000004D;
	s4 =	sadd.s32 $0x1BC00, s5  }
0x9: {  	s9 =	sadd.s32 s16, s5;
	s11 =	sshrl.u32 s6, $0x1;
	s8 =	sshrl.u32 s8, $0x2  }
0xa: {  	s10 =	sadd.s32 s10, s5;
	s11 =	ssub.s32 s6, s11;
	s12 =	sadd.s32 s8, s2  }
0xb: {  	s7 =	sadd.s32 s7, s5;
	s5 =	sadd.s32 $0x45C00, s9;
	s17 =	sadd.s32 $0x6FC00, s10  }
0xc: {  	s8 =	smax.u32 s11, $0x1;
	s9 =	sor.u32 $0x1C02, s31;
	s10 =	sshrl.u32 s12, $0x3  }
0xd: {  	s11 =	simm.s32 $0x2;
	s12 =	simm.s32 $0x2800;
	s6 =	sadd.s32 $0x7C00, s7  }
0xe: {  	s7 =	sadd.s32 $0x11C00, s7;
	s16 =	sadd.s32 s16, s17;
	s17 =	simm.s32 $0x0  }
.LBB2_1:
0xf: {  	[spmem:s10], [sflag:s9] =	dma.local [hbm:s5], $0x2A00  }
0x10: {  	_ =	swait.ge [sflag:s11], $0x2A00  }
0x11: {  	[sflag:s11] =	ssyncset.done $0x0  }
0x12: {  	[sflag:s11] =	ssyncadd.s32 $0xFFFFD600  }
0x13: {  	[tilespmem:s3], [sflag:$0x2] =	stream.linear.gather [hbm4b:s6+s3], $0x2780, $0x38;
	[tilespmem:$0x1E000] =	vst v63  }
0x14: {  	_ =	swait.ge [sflag:s11], $0x2780  }
0x15: {  	[sflag:s11] =	ssyncset.done $0x0  }
0x16: {  	[sflag:s11] =	ssyncadd.s32 $0xFFFFD880  }
0x17: {  	[tilespmem:s12], [sflag:$0x2] =	stream.linear.gather [hbm4b:s7+s3], $0x2780, $0x38;
	[tilespmem:$0x1E000] =	vst v63  }
0x18: {  	_ =	swait.ge [sflag:s11], $0x2780  }
0x19: {  	[sflag:s11] =	ssyncset.done $0x0  }
0x1a: {  	[sflag:s11] =	ssyncadd.s32 $0xFFFFD880  }
0x1b: {  	s18 =	simm.s32 $0x0;
	[bflag:$0x0] =	sbarrier.arrive $0xFFFF  }
0x1c: {  	[tilespmem:s14], [sflag:$0x1] =	stream.indirect.gather [hbm4b:s4+s13], $0x80, s18, s13, $0xb8;
	[tilespmem:$0x1E000] =	vst v63  }
0x1d: {  	_ =	swait.ge [sflag:s15], $0x4000  }
0x1e: {  	[sflag:s15] =	ssyncset.done $0x0  }
0x1f: {  	s31 =	simm.s32 $0x2800;
	[sflag:s15] =	ssyncadd.s32 $0xFFFFC000  }
0x20: {  	[spmem:s2] =	stream.indirect.scatter.add.f32 [tilespmem:s14], [sflag:$0x2], $0x80, s31, s13, $0xb8;
	[tilespmem:$0x1E000] =	vst v63  }
0x21: {  	_ =	swait.ge [sflag:s11], $0x4000  }
0x22: {  	s19 =	simm.s32 $0x400;
	s18 =	simm.s32 $0x200;
	[sflag:s11] =	ssyncset.done $0x0  }
.LBB2_2:
0x23: {  	s20 =	sshra.s32 s18, $0x2  }
0x24: {  	[sflag:s11] =	ssyncadd.s32 $0xFFFFC000;
	s18 =	smov.u32 s19;
	s21 =	sadd.s32 $0x200, s19  }
0x25: {  	[tilespmem:s14], [sflag:$0x1] =	stream.indirect.gather [hbm4b:s4+s13], $0x80, s20, s13, $0xb8;
	[tilespmem:$0x1E000] =	vst v63  }
0x26: {  	p0 =	sne.s32 s19, $0x9C00;
	_ =	swait.ge [sflag:s15], $0x4000  }
.Ltmp0:
0x27: {  	[sflag:s15] =	ssyncset.done $0x0;
	(pc) =	sbr.rel @p0 .LBB2_2-.Ltmp0, $4  }
0x28: {  	s19 =	sadd.s32 $0x2800, s20;
	[sflag:s15] =	ssyncadd.s32 $0xFFFFC000  }
0x29: {  	[spmem:s2] =	stream.indirect.scatter.add.f32 [tilespmem:s14], [sflag:$0x2], $0x80, s19, s13, $0xb8;
	[tilespmem:$0x1E000] =	vst v63  }
0x2a: {  	_ =	swait.ge [sflag:s11], $0x4000  }
0x2b: {  	s19 =	smov.u32 s21;
	[sflag:s11] =	ssyncset.done $0x0  }
0x2c: {  	s18 =	sshra.s32 s18, $0x2;
	[sflag:s11] =	ssyncadd.s32 $0xFFFFC000  }
0x2d: {  	[tilespmem:s14], [sflag:$0x1] =	stream.indirect.gather [hbm4b:s4+s13], $0x80, s18, s13, $0xb8;
	[tilespmem:$0x1E000] =	vst v63  }
0x2e: {  	_ =	swait.ge [sflag:s15], $0x4000  }
0x2f: {  	[sflag:s15] =	ssyncset.done $0x0  }
0x30: {  	s18 =	sadd.s32 $0x2800, s18;
	[sflag:s15] =	ssyncadd.s32 $0xFFFFC000  }
0x31: {  	[spmem:s2] =	stream.indirect.scatter.add.f32 [tilespmem:s14], [sflag:$0x2], $0x80, s18, s13, $0xb8;
	[tilespmem:$0x1E000] =	vst v63  }
0x32: {  	_ =	swait.ge [sflag:s11], $0x4000  }
0x33: {  	s17 =	sadd.s32 $0x1, s17;
	[sflag:s11] =	ssyncset.done $0x0  }
0x34: {  	p0 =	sne.s32 s17, s8;
	[sflag:s11] =	ssyncadd.s32 $0xFFFFC000  }
.Ltmp1:
0x35: {  	[bflag:$0x0] =	sbarrier.arrive $0xFFFF;
	(pc) =	sbr.rel @p0 .LBB2_1-.Ltmp1, $4  }
0x36: {  	[hbm:s16], [sflag:s9] =	dma.local [spmem:s10], $0x2A00  }
0x37: {  	_ =	swait.ge [sflag:s11], $0x2A00  }
0x38: {  	[sflag:s11] =	ssyncset.done $0x0  }
0x39: {  	[sflag:s11] =	ssyncadd.s32 $0xFFFFD600  }
0x3a: {  	_ =	sfence.sel $0x180000  }
0x3b: {  	[bflag:$0x0] =	sbarrier.arrive $0xFFFF  }
0x3c: {  	p0 =	sne.s32 s1, $0x0;
	_ =	strace $0x9000004D  }
0x3d: {  	s0 =	sadd.s32 @!p0 $0x100000, s0;
	[bflag:$0x2] =	sbarrier.arrive $0xFFFF  }
0x3e: {  	[sflag:s0] =	ssyncadd.tile.s32 @!p0 $0x1;
	_ =	shalt  }
.Lfunc_end2:
_tile_overlayer_lowered:
.L_overlay_start_2:
0x3f: {  	(tag) =	ssettag $0x2  }
0x40: {  	s0 =	rddreg [dreg:$0x0];
	s2 =	stileid.u32  }
0x41: {  	s1 =	rddreg [dreg:$0x1];
	p0 =	sne.s32 s2, $0x0  }
0x42: {  	s3 =	rddreg [dreg:$0x2];
	[bflag:$0x3] =	sbarrier.arrive $0xFFFF;
	s2 =	simm.s32 @!p0 $0x1C02  }
0x43: {  	[timem:s3], [sflag:s2] =	dma.local @!p0 [hbm:s0], s1  }
0x44: {  	s0 =	simm.s32 @!p0 $0x2  }
0x45: {  	_ =	swait.ge @!p0 [sflag:s0], s1  }
0x46: {  	s1 =	ssub.s32 @!p0 $0x0, s1;
	[sflag:s0] =	ssyncset.done @!p0 $0x0  }
0x47: {  	[sflag:s0] =	ssyncadd.s32 @!p0 s1  }
0x48: {  	[bflag:$0x3] =	sbarrier.arrive $0xFFFF  }
0x49: {  	_ =	shalt  }

// kernel: kernel.22.cloned.1.call-start
scs
__scs_entry_jumppad:
0x0: {  	(pc) =	sbr.rel $0x88, $3  }
0x1: {  	(tag) =	ssettag $0x0;
	lr =	simm.s32 $0x1  }
0x2: {  	[smem:$0x3F75] =	sst lr;
	_ =	strace $0xD0000000  }
0x3: {  	_ = 	snop  }
0x4: {  	_ = 	snop  }
0x5: {  	_ = 	snop  }
0x6: {  	_ = 	snop  }
0x7: {  	_ = 	snop  }
__scs_overlays_trampoline_lowered:
0x8: {  	[smem:$0x3F84] =	sst s0  }
0x9: {  	[smem:$0x3F85] =	sst s1  }
0xa: {  	[smem:$0x3F86] =	sst s2  }
0xb: {  	[smem:$0x3F87] =	sst s3  }
0xc: {  	[smem:$0x3F88] =	sst s4  }
0xd: {  	[smem:$0x3F89] =	sst s5  }
0xe: {  	[smem:$0x3F8A] =	sst s6  }
0xf: {  	[smem:$0x3F8B] =	sst s7  }
0x10: {  	[smem:$0x3F8C] =	sst s8  }
0x11: {  	[smem:$0x3F8D] =	sst s9;
	s0 =	simm.s32 @!p0 $0x0  }
0x12: {  	s1 =	sld [smem:$0x3F73];
	s0 =	simm.s32 @p0 $0x1  }
0x13: {  	[smem:$0x3F8E] =	sst s0;
	s0 =	simm.s32 @!p1 $0x0  }
0x14: {  	s2 =	sld [smem:$0x3F72];
	s0 =	simm.s32 @p1 $0x1  }
0x15: {  	[smem:$0x3F8F] =	sst s0;
	s0 =	simm.s32 @!p2 $0x0  }
0x16: {  	s3 =	sld [smem:$0x3FDB];
	s0 =	simm.s32 @p2 $0x1  }
0x17: {  	s4 =	simm.s32 $0x1BF5;
	[smem:$0x3F91] =	sst s0  }
0x18: {  	s0 =	sld [smem:$0x3F74];
	_ =	swait.ge [sflag:s4], $0x0  }
0x19: {  	s7 =	sld [smem:$0x3F75]  }
0x1a: {  	s8 =	sadd.s32 $0xFFFFE003, lr  }
0x1b: {  	s9 =	sadd.s32 $0xFFFFFEF7, lr;
	s5 =	simm.s32 $0xFFFFFFFF;
	p2 =	slt.u32 s8, $0xFFFFF086  }
0x1c: {  	p1 =	slt.u32 s9, $0xF7A;
	s5 =	simm.s32 @!p2 $0x0  }
0x1d: {  	s5 =	simm.s32 @p1 $0x1;
	p0 =	seq.s32 s7, s2  }
0x1e: {  	s7 =	smul.u32 @!p0 $0xF7A, s2;
	p2 =	seq.s32 @!p0 s5, $0x0  }
0x1f: {  	s9 =	smul.u32 $0xF7A, s1;
	s8 =	simm.s32 @!p0 $0x1BF5;
	p2 =	por !p2, p0  }
0x20: {  	[sflag:s8] =	ssyncset.s32 @!p0 $0xFFFFF086;
	s6 =	sadd.s32 @!p0 s3, s7;
	s7 =	simm.s32 @!p0 $0x108  }
0x21: {  	s3 =	sadd.s32 s3, s9;
	s6 =	sadd.s32 @!p0 $0x88, s6;
	s7 =	simm.s32 @p2 $0x1082  }
0x22: {  	[simem:s7], [sflag:s8] =	dma.local @!p0 [hbm:s6], $0xF7A  }
0x23: {  	s9 =	sor.u32 $0xD0000000, s2;
	s6 =	simm.s32 $0x108;
	_ =	swait.ge @!p0 [sflag:s8], $0x0  }
0x24: {  	s3 =	sadd.s32 $0x88, s3;
	s6 =	simm.s32 @!p1 $0x1082;
	[sflag:s4] =	ssyncset.s32 $0xFFFFF086  }
0x25: {  	[simem:s6], [sflag:s4] =	dma.local [hbm:s3], $0xF7A  }
0x26: {  	[smem:$0x3F75] =	sst s1;
	(tag) =	ssettag s2;
	_ =	strace s9  }
0x27: {  	s1 =	sld [smem:$0x3F85]  }
0x28: {  	s2 =	sld [smem:$0x3F86]  }
0x29: {  	s4 =	sld [smem:$0x3F88]  }
0x2a: {  	p0 =	seq.s32 s5, $0x0;
	s5 =	sld [smem:$0x3F89]  }
0x2b: {  	s6 =	sld [smem:$0x3F8A]  }
0x2c: {  	s7 =	sld [smem:$0x3F8B]  }
0x2d: {  	s3 =	simm.s32 $0x108;
	s8 =	sld [smem:$0x3F8C]  }
0x2e: {  	s3 =	simm.s32 @!p0 $0x1082;
	s9 =	sld [smem:$0x3F8D]  }
0x2f: {  	lr =	sadd.s32 s0, s3;
	s0 =	sld [smem:$0x3F84]  }
0x30: {  	s3 =	sld [smem:$0x3F87]  }
0x31: {  	[smem:$0x3F90] =	sst s10  }
0x32: {  	s10 =	sld [smem:$0x3F8E];
	_ =	sdelay $0x3  }
0x33: {  	p0 =	seq.s32 s10, $0x1;
	s10 =	sld [smem:$0x3F90];
	_ =	sdelay $0x3  }
0x34: {  	[smem:$0x3F90] =	sst s10  }
0x35: {  	s10 =	sld [smem:$0x3F8F];
	_ =	sdelay $0x3  }
0x36: {  	p1 =	seq.s32 s10, $0x1;
	s10 =	sld [smem:$0x3F90];
	_ =	sdelay $0x3  }
0x37: {  	[smem:$0x3F90] =	sst s10  }
0x38: {  	s10 =	sld [smem:$0x3F91]  }
0x39: {  	_ = 	snop;
	(pc) =	sbr.ind lr, $3  }
0x3a: {  	_ = 	snop  }
0x3b: {  	_ = 	snop  }
0x3c: {  	p2 =	seq.s32 s10, $0x1;
	s10 =	sld [smem:$0x3F90]  }
0x3d: {  	_ =	shalt  }
0x3e: {  	_ =	shalt  }
0x3f: {  	_ =	shalt  }
0x40: {  	_ =	shalt  }
0x41: {  	_ =	shalt  }
0x42: {  	_ =	shalt  }
0x43: {  	_ =	shalt  }
0x44: {  	_ =	shalt  }
0x45: {  	_ =	shalt  }
0x46: {  	_ =	shalt  }
0x47: {  	_ =	shalt  }
0x48: {  	_ =	shalt  }
0x49: {  	_ =	shalt  }
0x4a: {  	_ =	shalt  }
0x4b: {  	_ =	shalt  }
0x4c: {  	_ =	shalt  }
0x4d: {  	_ =	shalt  }
0x4e: {  	_ =	shalt  }
0x4f: {  	_ =	shalt  }
0x50: {  	_ =	shalt  }
0x51: {  	_ =	shalt  }
0x52: {  	_ =	shalt  }
0x53: {  	_ =	shalt  }
0x54: {  	_ =	shalt  }
0x55: {  	_ =	shalt  }
0x56: {  	_ =	shalt  }
0x57: {  	_ =	shalt  }
0x58: {  	_ =	shalt  }
0x59: {  	_ =	shalt  }
0x5a: {  	_ =	shalt  }
0x5b: {  	_ =	shalt  }
0x5c: {  	_ =	shalt  }
0x5d: {  	_ =	shalt  }
0x5e: {  	_ =	shalt  }
0x5f: {  	_ =	shalt  }
0x60: {  	_ =	shalt  }
0x61: {  	_ =	shalt  }
0x62: {  	_ =	shalt  }
0x63: {  	_ =	shalt  }
0x64: {  	_ =	shalt  }
0x65: {  	_ =	shalt  }
0x66: {  	_ =	shalt  }
0x67: {  	_ =	shalt  }
0x68: {  	_ =	shalt  }
0x69: {  	_ =	shalt  }
0x6a: {  	_ =	shalt  }
0x6b: {  	_ =	shalt  }
0x6c: {  	_ =	shalt  }
0x6d: {  	_ =	shalt  }
0x6e: {  	_ =	shalt  }
0x6f: {  	_ =	shalt  }
0x70: {  	_ =	shalt  }
0x71: {  	_ =	shalt  }
0x72: {  	_ =	shalt  }
0x73: {  	_ =	shalt  }
0x74: {  	_ =	shalt  }
0x75: {  	_ =	shalt  }
0x76: {  	_ =	shalt  }
0x77: {  	_ =	shalt  }
0x78: {  	_ =	shalt  }
0x79: {  	_ =	shalt  }
0x7a: {  	_ =	shalt  }
0x7b: {  	_ =	shalt  }
0x7c: {  	_ =	shalt  }
0x7d: {  	_ =	shalt  }
0x7e: {  	_ =	shalt  }
0x7f: {  	_ =	shalt  }
0x80: {  	_ =	shalt  }
0x81: {  	_ =	shalt  }
0x82: {  	_ =	shalt  }
0x83: {  	_ =	shalt  }
0x84: {  	_ =	shalt  }
0x85: {  	_ =	shalt  }
0x86: {  	_ =	shalt  }
0x87: {  	_ =	shalt  }
.Lfunc_end0:
.L_simem_size_0:
called_computation.3_lowered:
.L_overlay_start_0:
0x88: {  	s2 =	sld [smem:$0x3FD9]  }
0x89: {  	s3 =	sld [smem:$0x3FFE];
	_ =	sdelay $0x1  }
0x8a: {  	s1 =	srdreg.scid  }
0x8b: {  	s0 =	sand.u32 $0x1, s1  }
0x8c: {  	s16 =	sshll.u32 s0, $0xA;
	s2 =	sadd.s32 s3, s2  }
0x8d: {  	s2 =	sadd.s32 s2, s16  }
0x8e: {  	[smem:$0x3F9C] =	sst s2  }
0x8f: {  	_ = 	snop  }
0x90: {  	(tm) =	ssettm $0x1  }
0x91: {  	s17 =	sld [smem:$0x3FFB];
	_ =	sdelay $0x3  }
0x92: {  	_ =	strace s17  }
0x93: {  	s2 =	sld [smem:$0x3FFC];
	_ =	sdelay $0x3  }
0x94: {  	_ =	strace s2  }
0x95: {  	s2 =	sld [smem:$0x3FFD];
	_ =	sdelay $0x3  }
0x96: {  	_ =	strace s2  }
0x97: {  	_ =	strace $0x8FFFFFFF  }
0x98: {  	s18 =	sld [smem:$0x3FDB];
	_ =	sdelay $0x1  }
0x99: {  	s19 =	simm.s32 $_scs_section_size  }
0x9a: {  	s4 =	simm.s32 $_size__tile_overlayer_lowered;
	s5 =	simm.s32 $_tile_overlayer_lowered  }
0x9b: {  	s22 =	simm.s32 $0x1BFF;
	s21 =	sshll.u32 s5, $0x1;
	s2 =	sadd.s32 s19, s18  }
0x9c: {  	s6 =	simm.s32 $0x0;
	s20 =	sshll.u32 s4, $0x1;
	s4 =	sadd.s32 s21, s2  }
0x9d: {  	[timem:s6], [sflag:s22] =	dma.local [hbm:s4], s20  }
0x9e: {  	_ =	swait.ge [sflag:s22], s20  }
0x9f: {  	s3 =	ssub.s32 $0x0, s20;
	[sflag:s22] =	ssyncset.done $0x0  }
0xa0: {  	[sflag:s22] =	ssyncadd.s32 s3;
	_ =	sdelay $0x1  }
0xa1: {  	s23 =	simm.s32 $0x1B8B  }
0xa2: {  	_ =	swait.ge [sflag:s23], $0x1  }
0xa3: {  	[sflag:s23] =	ssyncset.done $0x0  }
0xa4: {  	s25 =	simm.s32 $0x1B8E;
	s24 =	sld [smem:$0x3FFE];
	[sflag:s23] =	ssyncadd.s32 $0xFFFFFFFF  }
0xa5: {  	s26 =	simm.s32 $execute0_lowered;
	[smem:$0x3FD2] =	sst s25  }
0xa6: {  	s4 =	sshll.u32 s26, $0x1;
	_ =	strace $0x8000004F;
	[dreg:$0x1] =	wrdreg $0xFFFFFFFF  }
0xa7: {  	s28 =	simm.s32 $_size_execute0_lowered;
	s2 =	sadd.s32 s2, s4;
	[dreg:$0x0] =	wrdreg $0x0  }
0xa8: {  	s4 =	sshll.u32 s28, $0x1;
	[dreg:$0x2] =	wrdreg s2  }
0xa9: {  	[dreg:$0x3] =	wrdreg s4  }
0xaa: {  	[dreg:$0x4] =	wrdreg $0xC0  }
0xab: {  	_ =	task [dreg:s6], $0x5FFFF  }
0xac: {  	[dreg:$0x1] =	wrdreg $0xFFFFFFFF  }
0xad: {  	[dreg:$0x0] =	wrdreg $0x60  }
0xae: {  	[dreg:$0x2] =	wrdreg s24  }
0xaf: {  	[dreg:$0x3] =	wrdreg $0x90000  }
0xb0: {  	[dreg:$0x4] =	wrdreg $0x9  }
0xb1: {  	_ =	task.clear_ibuf [dreg:s6], $0x5FFFF;
	_ =	strace $0x9000004F  }
0xb2: {  	s29 =	simm.s32 $0x9;
	_ =	strace $0x80000051  }
0xb3: {  	_ =	swait.ge [sflag:s29], $0x1  }
0xb4: {  	[sflag:s29] =	ssyncadd.s32 $0xFFFFFFFF  }
0xb5: {  	_ =	strace $0x90000051  }
0xb6: {  	_ =	sfence  }
0xb7: {  	s30 =	sld [smem:$0x0];
	_ =	sdelay $0x2  }
0xb8: {  	s31 =	sshll.u32 s1, $0xD;
	s1 =	sshrl.u32 s1, $0x2  }
0xb9: {  	s3 =	sand.u32 $0x4000, s31;
	s1 =	sadd.s32 s1, s30  }
0xba: {  	s0 =	sor.u32 s3, s0;
	s1 =	sshll.u32 s1, $0x11  }
0xbb: {  	s0 =	sor.u32 s1, s0  }
0xbc: {  	s0 =	sadd.s32 $0x8F2B, s0  }
0xbd: {  	[sflag:s0] =	ssyncadd.remote.s32 $0x1  }
0xbe: {  	_ =	sfence.sel $0xFFFF  }
0xbf: {  	[dreg:$0x0] =	wrdreg $0xFFFFFFFF;
	(pc) =	sbr.abs _section_cstart, $3  }
0xc0: {  	[dreg:$0x1] =	wrdreg $0xFFFFFFFF  }
0xc1: {  	_ =	task.clear_ibuf [dreg:s6], $0x2FFFF;
	_ =	strace $0x9FFFFFFF  }
0xc2: {  	(tm) =	ssettm $0x7FFFFFFF  }
0xc3: {  	_ =	shalt  }
tec
execute0_lowered:
.L_overlay_start_1:
0x0: {  	(tag) =	ssettag $0x1  }
0x1: {  	s5 =	rddreg [dreg:$0x0]  }
0x2: {  	s1 =	srdreg.scid;
	s0 =	stileid.u32  }
0x3: {  	s2 =	rddreg [dreg:$0x1];
	s3 =	simm.s32 $0x0;
	s13 =	simm.s32 $0x80  }
0x4: {  	s14 =	simm.s32 $0x5000;
	s15 =	simm.s32 $0x1;
	s6 =	sand.u32 $0x1, s1  }
0x5: {  	s4 =	sshll.u32 s0, $0x1;
	s1 =	rddreg [dreg:$0x2];
	s11 =	smul.u32 $0x54000, s0  }
0x6: {  	[smem:$0x7FF] =	sst s3;
	s9 =	sadd.s32 $0x45C00, s5;
	s16 =	smul.u32 $0x2A00, s0  }
0x7: {  	s31 =	sshll.u32 s0, $0x6;
	s4 =	sor.u32 s6, s4;
	_ =	strace $0x80000050  }
0x8: {  	s8 =	smul.u32 $0x2A000, s6;
	s10 =	ssub.s32 $0x2, s6;
	p0 =	seq.s32 s6, $0x1  }
0x9: {  	s7 =	smul.u32 $0x500, s4;
	s4 =	sadd.s32 $0x1BC00, s5;
	s29 =	sshrl.u32 s10, $0x1  }
0xa: {  	s30 =	sshrl.u32 s11, $0x2;
	s8 =	sadd.s32 s8, s5;
	s10 =	ssub.s32 s10, s29  }
0xb: {  	s11 =	sadd.s32 s30, s2;
	s12 =	smov.u32 s4;
	s7 =	sadd.s32 s7, s5  }
0xc: {  	s17 =	sadd.s32 $0xEEE00, s8;
	s12 =	smov.u32 @p0 s9;
	s9 =	sor.u32 $0x1C02, s31  }
0xd: {  	s5 =	sadd.s32 $0x7C00, s7;
	s6 =	sadd.s32 $0x11C00, s7;
	s7 =	smax.u32 s10, $0x1  }
0xe: {  	s8 =	sadd.s32 s12, s16;
	s10 =	sshrl.u32 s11, $0x3;
	s11 =	simm.s32 $0x2  }
0xf: {  	s12 =	simm.s32 $0x2800;
	s16 =	sadd.s32 s16, s17;
	s17 =	simm.s32 $0x0  }
.LBB2_1:
0x10: {  	[spmem:s10], [sflag:s9] =	dma.local [hbm:s8], $0x2A00  }
0x11: {  	_ =	swait.ge [sflag:s11], $0x2A00  }
0x12: {  	[sflag:s11] =	ssyncset.done $0x0  }
0x13: {  	[sflag:s11] =	ssyncadd.s32 $0xFFFFD600  }
0x14: {  	[tilespmem:s3], [sflag:$0x2] =	stream.linear.gather [hbm4b:s5+s3], $0x2780, $0x38;
	[tilespmem:$0x1E000] =	vst v63  }
0x15: {  	_ =	swait.ge [sflag:s11], $0x2780  }
0x16: {  	[sflag:s11] =	ssyncset.done $0x0  }
0x17: {  	[sflag:s11] =	ssyncadd.s32 $0xFFFFD880  }
0x18: {  	[tilespmem:s12], [sflag:$0x2] =	stream.linear.gather [hbm4b:s6+s3], $0x2780, $0x38;
	[tilespmem:$0x1E000] =	vst v63  }
0x19: {  	_ =	swait.ge [sflag:s11], $0x2780  }
0x1a: {  	[sflag:s11] =	ssyncset.done $0x0  }
0x1b: {  	[sflag:s11] =	ssyncadd.s32 $0xFFFFD880  }
0x1c: {  	s18 =	simm.s32 $0x0;
	[bflag:$0x0] =	sbarrier.arrive $0xFFFF  }
0x1d: {  	[tilespmem:s14], [sflag:$0x1] =	stream.indirect.gather [hbm4b:s4+s13], $0x80, s18, s13, $0xb8;
	[tilespmem:$0x1E000] =	vst v63  }
0x1e: {  	_ =	swait.ge [sflag:s15], $0x4000  }
0x1f: {  	[sflag:s15] =	ssyncset.done $0x0  }
0x20: {  	s31 =	simm.s32 $0x2800;
	[sflag:s15] =	ssyncadd.s32 $0xFFFFC000  }
0x21: {  	[spmem:s2] =	stream.indirect.scatter.add.f32 [tilespmem:s14], [sflag:$0x2], $0x80, s31, s13, $0xb8;
	[tilespmem:$0x1E000] =	vst v63  }
0x22: {  	_ =	swait.ge [sflag:s11], $0x4000  }
0x23: {  	s19 =	simm.s32 $0x400;
	s18 =	simm.s32 $0x200;
	[sflag:s11] =	ssyncset.done $0x0  }
.LBB2_2:
0x24: {  	s20 =	sshra.s32 s18, $0x2  }
0x25: {  	[sflag:s11] =	ssyncadd.s32 $0xFFFFC000;
	s18 =	smov.u32 s19;
	s21 =	sadd.s32 $0x200, s19  }
0x26: {  	[tilespmem:s14], [sflag:$0x1] =	stream.indirect.gather [hbm4b:s4+s13], $0x80, s20, s13, $0xb8;
	[tilespmem:$0x1E000] =	vst v63  }
0x27: {  	p0 =	sne.s32 s19, $0x9C00;
	_ =	swait.ge [sflag:s15], $0x4000  }
.Ltmp0:
0x28: {  	[sflag:s15] =	ssyncset.done $0x0;
	(pc) =	sbr.rel @p0 .LBB2_2-.Ltmp0, $4  }
0x29: {  	s19 =	sadd.s32 $0x2800, s20;
	[sflag:s15] =	ssyncadd.s32 $0xFFFFC000  }
0x2a: {  	[spmem:s2] =	stream.indirect.scatter.add.f32 [tilespmem:s14], [sflag:$0x2], $0x80, s19, s13, $0xb8;
	[tilespmem:$0x1E000] =	vst v63  }
0x2b: {  	_ =	swait.ge [sflag:s11], $0x4000  }
0x2c: {  	s19 =	smov.u32 s21;
	[sflag:s11] =	ssyncset.done $0x0  }
0x2d: {  	s18 =	sshra.s32 s18, $0x2;
	[sflag:s11] =	ssyncadd.s32 $0xFFFFC000  }
0x2e: {  	[tilespmem:s14], [sflag:$0x1] =	stream.indirect.gather [hbm4b:s4+s13], $0x80, s18, s13, $0xb8;
	[tilespmem:$0x1E000] =	vst v63  }
0x2f: {  	_ =	swait.ge [sflag:s15], $0x4000  }
0x30: {  	[sflag:s15] =	ssyncset.done $0x0  }
0x31: {  	s18 =	sadd.s32 $0x2800, s18;
	[sflag:s15] =	ssyncadd.s32 $0xFFFFC000  }
0x32: {  	[spmem:s2] =	stream.indirect.scatter.add.f32 [tilespmem:s14], [sflag:$0x2], $0x80, s18, s13, $0xb8;
	[tilespmem:$0x1E000] =	vst v63  }
0x33: {  	_ =	swait.ge [sflag:s11], $0x4000  }
0x34: {  	s17 =	sadd.s32 $0x1, s17;
	[sflag:s11] =	ssyncset.done $0x0  }
0x35: {  	p0 =	sne.s32 s17, s7;
	[sflag:s11] =	ssyncadd.s32 $0xFFFFC000  }
.Ltmp1:
0x36: {  	[bflag:$0x0] =	sbarrier.arrive $0xFFFF;
	(pc) =	sbr.rel @p0 .LBB2_1-.Ltmp1, $4  }
0x37: {  	[hbm:s16], [sflag:s9] =	dma.local [spmem:s10], $0x2A00  }
0x38: {  	_ =	swait.ge [sflag:s11], $0x2A00  }
0x39: {  	[sflag:s11] =	ssyncset.done $0x0  }
0x3a: {  	[sflag:s11] =	ssyncadd.s32 $0xFFFFD600  }
0x3b: {  	_ =	sfence.sel $0x180000  }
0x3c: {  	[bflag:$0x0] =	sbarrier.arrive $0xFFFF  }
0x3d: {  	p0 =	sne.s32 s0, $0x0;
	_ =	strace $0x90000050  }
0x3e: {  	s0 =	sadd.s32 @!p0 $0x100000, s1;
	[bflag:$0x2] =	sbarrier.arrive $0xFFFF  }
0x3f: {  	[sflag:s0] =	ssyncadd.tile.s32 @!p0 $0x1;
	_ =	shalt  }
.Lfunc_end2:
_tile_overlayer_lowered:
.L_overlay_start_2:
0x40: {  	(tag) =	ssettag $0x2  }
0x41: {  	s0 =	rddreg [dreg:$0x0];
	s2 =	stileid.u32  }
0x42: {  	s1 =	rddreg [dreg:$0x1];
	p0 =	sne.s32 s2, $0x0  }
0x43: {  	s3 =	rddreg [dreg:$0x2];
	[bflag:$0x3] =	sbarrier.arrive $0xFFFF;
	s2 =	simm.s32 @!p0 $0x1C02  }
0x44: {  	[timem:s3], [sflag:s2] =	dma.local @!p0 [hbm:s0], s1  }
0x45: {  	s0 =	simm.s32 @!p0 $0x2  }
0x46: {  	_ =	swait.ge @!p0 [sflag:s0], s1  }
0x47: {  	s1 =	ssub.s32 @!p0 $0x0, s1;
	[sflag:s0] =	ssyncset.done @!p0 $0x0  }
0x48: {  	[sflag:s0] =	ssyncadd.s32 @!p0 s1  }
0x49: {  	[bflag:$0x3] =	sbarrier.arrive $0xFFFF  }
0x4a: {  	_ =	shalt  }

// kernel: kernel.25.cloned.1.call-start
scs
__scs_entry_jumppad:
0x0: {  	(pc) =	sbr.rel $0x88, $3  }
0x1: {  	(tag) =	ssettag $0x0;
	lr =	simm.s32 $0x1  }
0x2: {  	[smem:$0x3F75] =	sst lr;
	_ =	strace $0xD0000000  }
0x3: {  	_ = 	snop  }
0x4: {  	_ = 	snop  }
0x5: {  	_ = 	snop  }
0x6: {  	_ = 	snop  }
0x7: {  	_ = 	snop  }
__scs_overlays_trampoline_lowered:
0x8: {  	[smem:$0x3F84] =	sst s0  }
0x9: {  	[smem:$0x3F85] =	sst s1  }
0xa: {  	[smem:$0x3F86] =	sst s2  }
0xb: {  	[smem:$0x3F87] =	sst s3  }
0xc: {  	[smem:$0x3F88] =	sst s4  }
0xd: {  	[smem:$0x3F89] =	sst s5  }
0xe: {  	[smem:$0x3F8A] =	sst s6  }
0xf: {  	[smem:$0x3F8B] =	sst s7  }
0x10: {  	[smem:$0x3F8C] =	sst s8  }
0x11: {  	[smem:$0x3F8D] =	sst s9;
	s0 =	simm.s32 @!p0 $0x0  }
0x12: {  	s1 =	sld [smem:$0x3F73];
	s0 =	simm.s32 @p0 $0x1  }
0x13: {  	[smem:$0x3F8E] =	sst s0;
	s0 =	simm.s32 @!p1 $0x0  }
0x14: {  	s2 =	sld [smem:$0x3F72];
	s0 =	simm.s32 @p1 $0x1  }
0x15: {  	[smem:$0x3F8F] =	sst s0;
	s0 =	simm.s32 @!p2 $0x0  }
0x16: {  	s3 =	sld [smem:$0x3FDB];
	s0 =	simm.s32 @p2 $0x1  }
0x17: {  	s4 =	simm.s32 $0x1BF5;
	[smem:$0x3F91] =	sst s0  }
0x18: {  	s0 =	sld [smem:$0x3F74];
	_ =	swait.ge [sflag:s4], $0x0  }
0x19: {  	s7 =	sld [smem:$0x3F75]  }
0x1a: {  	s8 =	sadd.s32 $0xFFFFE003, lr  }
0x1b: {  	s9 =	sadd.s32 $0xFFFFFEF7, lr;
	s5 =	simm.s32 $0xFFFFFFFF;
	p2 =	slt.u32 s8, $0xFFFFF086  }
0x1c: {  	p1 =	slt.u32 s9, $0xF7A;
	s5 =	simm.s32 @!p2 $0x0  }
0x1d: {  	s5 =	simm.s32 @p1 $0x1;
	p0 =	seq.s32 s7, s2  }
0x1e: {  	s7 =	smul.u32 @!p0 $0xF7A, s2;
	p2 =	seq.s32 @!p0 s5, $0x0  }
0x1f: {  	s9 =	smul.u32 $0xF7A, s1;
	s8 =	simm.s32 @!p0 $0x1BF5;
	p2 =	por !p2, p0  }
0x20: {  	[sflag:s8] =	ssyncset.s32 @!p0 $0xFFFFF086;
	s6 =	sadd.s32 @!p0 s3, s7;
	s7 =	simm.s32 @!p0 $0x108  }
0x21: {  	s3 =	sadd.s32 s3, s9;
	s6 =	sadd.s32 @!p0 $0x88, s6;
	s7 =	simm.s32 @p2 $0x1082  }
0x22: {  	[simem:s7], [sflag:s8] =	dma.local @!p0 [hbm:s6], $0xF7A  }
0x23: {  	s9 =	sor.u32 $0xD0000000, s2;
	s6 =	simm.s32 $0x108;
	_ =	swait.ge @!p0 [sflag:s8], $0x0  }
0x24: {  	s3 =	sadd.s32 $0x88, s3;
	s6 =	simm.s32 @!p1 $0x1082;
	[sflag:s4] =	ssyncset.s32 $0xFFFFF086  }
0x25: {  	[simem:s6], [sflag:s4] =	dma.local [hbm:s3], $0xF7A  }
0x26: {  	[smem:$0x3F75] =	sst s1;
	(tag) =	ssettag s2;
	_ =	strace s9  }
0x27: {  	s1 =	sld [smem:$0x3F85]  }
0x28: {  	s2 =	sld [smem:$0x3F86]  }
0x29: {  	s4 =	sld [smem:$0x3F88]  }
0x2a: {  	p0 =	seq.s32 s5, $0x0;
	s5 =	sld [smem:$0x3F89]  }
0x2b: {  	s6 =	sld [smem:$0x3F8A]  }
0x2c: {  	s7 =	sld [smem:$0x3F8B]  }
0x2d: {  	s3 =	simm.s32 $0x108;
	s8 =	sld [smem:$0x3F8C]  }
0x2e: {  	s3 =	simm.s32 @!p0 $0x1082;
	s9 =	sld [smem:$0x3F8D]  }
0x2f: {  	lr =	sadd.s32 s0, s3;
	s0 =	sld [smem:$0x3F84]  }
0x30: {  	s3 =	sld [smem:$0x3F87]  }
0x31: {  	[smem:$0x3F90] =	sst s10  }
0x32: {  	s10 =	sld [smem:$0x3F8E];
	_ =	sdelay $0x3  }
0x33: {  	p0 =	seq.s32 s10, $0x1;
	s10 =	sld [smem:$0x3F90];
	_ =	sdelay $0x3  }
0x34: {  	[smem:$0x3F90] =	sst s10  }
0x35: {  	s10 =	sld [smem:$0x3F8F];
	_ =	sdelay $0x3  }
0x36: {  	p1 =	seq.s32 s10, $0x1;
	s10 =	sld [smem:$0x3F90];
	_ =	sdelay $0x3  }
0x37: {  	[smem:$0x3F90] =	sst s10  }
0x38: {  	s10 =	sld [smem:$0x3F91]  }
0x39: {  	_ = 	snop;
	(pc) =	sbr.ind lr, $3  }
0x3a: {  	_ = 	snop  }
0x3b: {  	_ = 	snop  }
0x3c: {  	p2 =	seq.s32 s10, $0x1;
	s10 =	sld [smem:$0x3F90]  }
0x3d: {  	_ =	shalt  }
0x3e: {  	_ =	shalt  }
0x3f: {  	_ =	shalt  }
0x40: {  	_ =	shalt  }
0x41: {  	_ =	shalt  }
0x42: {  	_ =	shalt  }
0x43: {  	_ =	shalt  }
0x44: {  	_ =	shalt  }
0x45: {  	_ =	shalt  }
0x46: {  	_ =	shalt  }
0x47: {  	_ =	shalt  }
0x48: {  	_ =	shalt  }
0x49: {  	_ =	shalt  }
0x4a: {  	_ =	shalt  }
0x4b: {  	_ =	shalt  }
0x4c: {  	_ =	shalt  }
0x4d: {  	_ =	shalt  }
0x4e: {  	_ =	shalt  }
0x4f: {  	_ =	shalt  }
0x50: {  	_ =	shalt  }
0x51: {  	_ =	shalt  }
0x52: {  	_ =	shalt  }
0x53: {  	_ =	shalt  }
0x54: {  	_ =	shalt  }
0x55: {  	_ =	shalt  }
0x56: {  	_ =	shalt  }
0x57: {  	_ =	shalt  }
0x58: {  	_ =	shalt  }
0x59: {  	_ =	shalt  }
0x5a: {  	_ =	shalt  }
0x5b: {  	_ =	shalt  }
0x5c: {  	_ =	shalt  }
0x5d: {  	_ =	shalt  }
0x5e: {  	_ =	shalt  }
0x5f: {  	_ =	shalt  }
0x60: {  	_ =	shalt  }
0x61: {  	_ =	shalt  }
0x62: {  	_ =	shalt  }
0x63: {  	_ =	shalt  }
0x64: {  	_ =	shalt  }
0x65: {  	_ =	shalt  }
0x66: {  	_ =	shalt  }
0x67: {  	_ =	shalt  }
0x68: {  	_ =	shalt  }
0x69: {  	_ =	shalt  }
0x6a: {  	_ =	shalt  }
0x6b: {  	_ =	shalt  }
0x6c: {  	_ =	shalt  }
0x6d: {  	_ =	shalt  }
0x6e: {  	_ =	shalt  }
0x6f: {  	_ =	shalt  }
0x70: {  	_ =	shalt  }
0x71: {  	_ =	shalt  }
0x72: {  	_ =	shalt  }
0x73: {  	_ =	shalt  }
0x74: {  	_ =	shalt  }
0x75: {  	_ =	shalt  }
0x76: {  	_ =	shalt  }
0x77: {  	_ =	shalt  }
0x78: {  	_ =	shalt  }
0x79: {  	_ =	shalt  }
0x7a: {  	_ =	shalt  }
0x7b: {  	_ =	shalt  }
0x7c: {  	_ =	shalt  }
0x7d: {  	_ =	shalt  }
0x7e: {  	_ =	shalt  }
0x7f: {  	_ =	shalt  }
0x80: {  	_ =	shalt  }
0x81: {  	_ =	shalt  }
0x82: {  	_ =	shalt  }
0x83: {  	_ =	shalt  }
0x84: {  	_ =	shalt  }
0x85: {  	_ =	shalt  }
0x86: {  	_ =	shalt  }
0x87: {  	_ =	shalt  }
.Lfunc_end0:
.L_simem_size_0:
called_computation.4_lowered:
.L_overlay_start_0:
0x88: {  	s2 =	sld [smem:$0x3FD9]  }
0x89: {  	s3 =	sld [smem:$0x3FFE];
	_ =	sdelay $0x1  }
0x8a: {  	s1 =	srdreg.scid  }
0x8b: {  	s0 =	sand.u32 $0x1, s1  }
0x8c: {  	s17 =	sshll.u32 s0, $0xA;
	s2 =	sadd.s32 s3, s2  }
0x8d: {  	s2 =	sadd.s32 s2, s17  }
0x8e: {  	[smem:$0x3F9C] =	sst s2  }
0x8f: {  	_ = 	snop  }
0x90: {  	(tm) =	ssettm $0x1  }
0x91: {  	s18 =	sld [smem:$0x3FFB];
	_ =	sdelay $0x3  }
0x92: {  	_ =	strace s18  }
0x93: {  	s2 =	sld [smem:$0x3FFC];
	_ =	sdelay $0x3  }
0x94: {  	_ =	strace s2  }
0x95: {  	s2 =	sld [smem:$0x3FFD];
	_ =	sdelay $0x3  }
0x96: {  	_ =	strace s2  }
0x97: {  	_ =	strace $0x8FFFFFFF  }
0x98: {  	s19 =	sld [smem:$0x3FDB];
	_ =	sdelay $0x1  }
0x99: {  	s20 =	simm.s32 $_scs_section_size  }
0x9a: {  	s4 =	simm.s32 $_size__tile_overlayer_lowered;
	s5 =	simm.s32 $_tile_overlayer_lowered  }
0x9b: {  	s6 =	simm.s32 $0x1BFF;
	s21 =	sshll.u32 s5, $0x1;
	s3 =	sadd.s32 s20, s19  }
0x9c: {  	s22 =	simm.s32 $0x0;
	s4 =	sshll.u32 s4, $0x1;
	s5 =	sadd.s32 s21, s3  }
0x9d: {  	[timem:s22], [sflag:s6] =	dma.local [hbm:s5], s4  }
0x9e: {  	_ =	swait.ge [sflag:s6], s4  }
0x9f: {  	s4 =	ssub.s32 $0x0, s4;
	[sflag:s6] =	ssyncset.done $0x0  }
0xa0: {  	[sflag:s6] =	ssyncadd.s32 s4;
	_ =	sdelay $0x1  }
0xa1: {  	s23 =	simm.s32 $0x1B8B  }
0xa2: {  	_ =	swait.ge [sflag:s23], $0x1  }
0xa3: {  	[sflag:s23] =	ssyncset.done $0x0  }
0xa4: {  	[sflag:s23] =	ssyncadd.s32 $0xFFFFFFFF  }
0xa5: {  	s4 =	sld [smem:$0x0]  }
0xa6: {  	s5 =	sand.u32 $0xFFFFFFFE, s1  }
0xa7: {  	p0 =	sne.s32 s1, s5  }
0xa8: {  	s5 =	sshll.u32 @p0 s5, $0xE  }
0xa9: {  	s5 =	sadd.s32 @p0 $0x11B8D, s5;
	s6 =	sshll.u32 @p0 s4, $0x11  }
0xaa: {  	s5 =	sor.u32 @p0 s6, s5  }
0xab: {  	[sflag:s5] =	ssyncadd.remote.s32 @p0 $0x1;
	_ =	sdelay $0x1  }
0xac: {  	s5 =	simm.s32 @p0 $0x1B8D  }
0xad: {  	_ =	swait.eq @p0 [sflag:s5], $0x1  }
0xae: {  	[sflag:s5] =	ssyncadd.s32 @p0 $0xFFFFFFFF  }
0xaf: {  	s6 =	sshll.u32 @!p0 s1, $0xE  }
0xb0: {  	s6 =	sor.u32 @!p0 $0x4000, s6;
	s5 =	simm.s32 @!p0 $0x1B8D  }
0xb1: {  	s4 =	sshll.u32 @!p0 s4, $0x11;
	s6 =	sadd.s32 @!p0 $0x11B8D, s6;
	_ =	swait.eq @!p0 [sflag:s5], $0x1  }
0xb2: {  	s4 =	sor.u32 @!p0 s4, s6;
	[sflag:s5] =	ssyncadd.s32 @!p0 $0xFFFFFFFF  }
0xb3: {  	s25 =	simm.s32 $0x1B8E;
	s24 =	sld [smem:$0x3FFE];
	[sflag:s4] =	ssyncadd.remote.s32 @!p0 $0x1  }
0xb4: {  	s26 =	simm.s32 $execute0_lowered;
	[smem:$0x3FD2] =	sst s25  }
0xb5: {  	s5 =	sshll.u32 s26, $0x1;
	_ =	strace $0x80000052;
	[dreg:$0x1] =	wrdreg $0xFFFFFFFF  }
0xb6: {  	s28 =	simm.s32 $_size_execute0_lowered;
	s3 =	sadd.s32 s3, s5;
	[dreg:$0x0] =	wrdreg $0x0  }
0xb7: {  	s5 =	sshll.u32 s28, $0x1;
	[dreg:$0x2] =	wrdreg s3  }
0xb8: {  	[dreg:$0x3] =	wrdreg s5  }
0xb9: {  	[dreg:$0x4] =	wrdreg $0xC0  }
0xba: {  	_ =	task [dreg:s22], $0x5FFFF  }
0xbb: {  	[dreg:$0x1] =	wrdreg $0xFFFFFFFF  }
0xbc: {  	[dreg:$0x0] =	wrdreg $0x60  }
0xbd: {  	[dreg:$0x2] =	wrdreg s24  }
0xbe: {  	[dreg:$0x3] =	wrdreg $0x90000  }
0xbf: {  	[dreg:$0x4] =	wrdreg $0xA  }
0xc0: {  	_ =	task.clear_ibuf [dreg:s22], $0x5FFFF;
	_ =	strace $0x90000052  }
0xc1: {  	s29 =	simm.s32 $0xA;
	_ =	strace $0x80000054  }
0xc2: {  	_ =	swait.ge [sflag:s29], $0x1  }
0xc3: {  	[sflag:s29] =	ssyncadd.s32 $0xFFFFFFFF  }
0xc4: {  	_ =	strace $0x90000054  }
0xc5: {  	_ =	sfence  }
0xc6: {  	s30 =	sld [smem:$0x0];
	_ =	sdelay $0x2  }
0xc7: {  	s31 =	sshll.u32 s1, $0xD;
	s1 =	sshrl.u32 s1, $0x2  }
0xc8: {  	s4 =	sand.u32 $0x4000, s31;
	s1 =	sadd.s32 s1, s30  }
0xc9: {  	s0 =	sor.u32 s4, s0;
	s1 =	sshll.u32 s1, $0x11  }
0xca: {  	s0 =	sor.u32 s1, s0  }
0xcb: {  	s0 =	sadd.s32 $0x8F2B, s0  }
0xcc: {  	[sflag:s0] =	ssyncadd.remote.s32 $0x1  }
0xcd: {  	_ =	sfence.sel $0xFFFF  }
0xce: {  	[dreg:$0x0] =	wrdreg $0xFFFFFFFF;
	(pc) =	sbr.abs _section_cstart, $3  }
0xcf: {  	[dreg:$0x1] =	wrdreg $0xFFFFFFFF  }
0xd0: {  	_ =	task.clear_ibuf [dreg:s22], $0x2FFFF;
	_ =	strace $0x9FFFFFFF  }
0xd1: {  	(tm) =	ssettm $0x7FFFFFFF  }
tec
execute0_lowered:
.L_overlay_start_1:
0x0: {  	(tag) =	ssettag $0x1  }
0x1: {  	s5 =	rddreg [dreg:$0x0]  }
0x2: {  	s1 =	srdreg.scid;
	s0 =	stileid.u32  }
0x3: {  	s2 =	rddreg [dreg:$0x1];
	s3 =	simm.s32 $0x0;
	s13 =	simm.s32 $0x80  }
0x4: {  	s14 =	simm.s32 $0x5000;
	s15 =	simm.s32 $0x1;
	s6 =	sand.u32 $0x1, s1  }
0x5: {  	s4 =	sshll.u32 s0, $0x1;
	s1 =	rddreg [dreg:$0x2];
	s11 =	smul.u32 $0x54000, s0  }
0x6: {  	[smem:$0x7FF] =	sst s3;
	s9 =	sadd.s32 $0x45C00, s5;
	s16 =	smul.u32 $0x2A00, s0  }
0x7: {  	s31 =	sshll.u32 s0, $0x6;
	s4 =	sor.u32 s6, s4;
	_ =	strace $0x80000053  }
0x8: {  	s8 =	smul.u32 $0x2A000, s6;
	s10 =	ssub.s32 $0x2, s6;
	p0 =	seq.s32 s6, $0x1  }
0x9: {  	s7 =	smul.u32 $0x500, s4;
	s4 =	sadd.s32 $0x6FC00, s5;
	s29 =	sshrl.u32 s10, $0x1  }
0xa: {  	s30 =	sshrl.u32 s11, $0x2;
	s8 =	sadd.s32 s8, s5;
	s10 =	ssub.s32 s10, s29  }
0xb: {  	s11 =	sadd.s32 s30, s2;
	s12 =	smov.u32 s4;
	s7 =	sadd.s32 s7, s5  }
0xc: {  	s17 =	sadd.s32 $0x142E00, s8;
	s12 =	smov.u32 @p0 s9;
	s9 =	sor.u32 $0x1C02, s31  }
0xd: {  	s5 =	sadd.s32 $0x7C00, s7;
	s6 =	sadd.s32 $0x11C00, s7;
	s7 =	smax.u32 s10, $0x1  }
0xe: {  	s8 =	sadd.s32 s12, s16;
	s10 =	sshrl.u32 s11, $0x3;
	s11 =	simm.s32 $0x2  }
0xf: {  	s12 =	simm.s32 $0x2800;
	s16 =	sadd.s32 s16, s17;
	s17 =	simm.s32 $0x0  }
.LBB2_1:
0x10: {  	[spmem:s10], [sflag:s9] =	dma.local [hbm:s8], $0x2A00  }
0x11: {  	_ =	swait.ge [sflag:s11], $0x2A00  }
0x12: {  	[sflag:s11] =	ssyncset.done $0x0  }
0x13: {  	[sflag:s11] =	ssyncadd.s32 $0xFFFFD600  }
0x14: {  	[tilespmem:s3], [sflag:$0x2] =	stream.linear.gather [hbm4b:s5+s3], $0x2780, $0x38;
	[tilespmem:$0x1E000] =	vst v63  }
0x15: {  	_ =	swait.ge [sflag:s11], $0x2780  }
0x16: {  	[sflag:s11] =	ssyncset.done $0x0  }
0x17: {  	[sflag:s11] =	ssyncadd.s32 $0xFFFFD880  }
0x18: {  	[tilespmem:s12], [sflag:$0x2] =	stream.linear.gather [hbm4b:s6+s3], $0x2780, $0x38;
	[tilespmem:$0x1E000] =	vst v63  }
0x19: {  	_ =	swait.ge [sflag:s11], $0x2780  }
0x1a: {  	[sflag:s11] =	ssyncset.done $0x0  }
0x1b: {  	[sflag:s11] =	ssyncadd.s32 $0xFFFFD880  }
0x1c: {  	s18 =	simm.s32 $0x0;
	[bflag:$0x0] =	sbarrier.arrive $0xFFFF  }
0x1d: {  	[tilespmem:s14], [sflag:$0x1] =	stream.indirect.gather [hbm4b:s4+s13], $0x80, s18, s13, $0xb8;
	[tilespmem:$0x1E000] =	vst v63  }
0x1e: {  	_ =	swait.ge [sflag:s15], $0x4000  }
0x1f: {  	[sflag:s15] =	ssyncset.done $0x0  }
0x20: {  	s31 =	simm.s32 $0x2800;
	[sflag:s15] =	ssyncadd.s32 $0xFFFFC000  }
0x21: {  	[spmem:s2] =	stream.indirect.scatter.add.f32 [tilespmem:s14], [sflag:$0x2], $0x80, s31, s13, $0xb8;
	[tilespmem:$0x1E000] =	vst v63  }
0x22: {  	_ =	swait.ge [sflag:s11], $0x4000  }
0x23: {  	s19 =	simm.s32 $0x400;
	s18 =	simm.s32 $0x200;
	[sflag:s11] =	ssyncset.done $0x0  }
.LBB2_2:
0x24: {  	s20 =	sshra.s32 s18, $0x2  }
0x25: {  	[sflag:s11] =	ssyncadd.s32 $0xFFFFC000;
	s18 =	smov.u32 s19;
	s21 =	sadd.s32 $0x200, s19  }
0x26: {  	[tilespmem:s14], [sflag:$0x1] =	stream.indirect.gather [hbm4b:s4+s13], $0x80, s20, s13, $0xb8;
	[tilespmem:$0x1E000] =	vst v63  }
0x27: {  	p0 =	sne.s32 s19, $0x9C00;
	_ =	swait.ge [sflag:s15], $0x4000  }
.Ltmp0:
0x28: {  	[sflag:s15] =	ssyncset.done $0x0;
	(pc) =	sbr.rel @p0 .LBB2_2-.Ltmp0, $4  }
0x29: {  	s19 =	sadd.s32 $0x2800, s20;
	[sflag:s15] =	ssyncadd.s32 $0xFFFFC000  }
0x2a: {  	[spmem:s2] =	stream.indirect.scatter.add.f32 [tilespmem:s14], [sflag:$0x2], $0x80, s19, s13, $0xb8;
	[tilespmem:$0x1E000] =	vst v63  }
0x2b: {  	_ =	swait.ge [sflag:s11], $0x4000  }
0x2c: {  	s19 =	smov.u32 s21;
	[sflag:s11] =	ssyncset.done $0x0  }
0x2d: {  	s18 =	sshra.s32 s18, $0x2;
	[sflag:s11] =	ssyncadd.s32 $0xFFFFC000  }
0x2e: {  	[tilespmem:s14], [sflag:$0x1] =	stream.indirect.gather [hbm4b:s4+s13], $0x80, s18, s13, $0xb8;
	[tilespmem:$0x1E000] =	vst v63  }
0x2f: {  	_ =	swait.ge [sflag:s15], $0x4000  }
0x30: {  	[sflag:s15] =	ssyncset.done $0x0  }
0x31: {  	s18 =	sadd.s32 $0x2800, s18;
	[sflag:s15] =	ssyncadd.s32 $0xFFFFC000  }
0x32: {  	[spmem:s2] =	stream.indirect.scatter.add.f32 [tilespmem:s14], [sflag:$0x2], $0x80, s18, s13, $0xb8;
	[tilespmem:$0x1E000] =	vst v63  }
0x33: {  	_ =	swait.ge [sflag:s11], $0x4000  }
0x34: {  	s17 =	sadd.s32 $0x1, s17;
	[sflag:s11] =	ssyncset.done $0x0  }
0x35: {  	p0 =	sne.s32 s17, s7;
	[sflag:s11] =	ssyncadd.s32 $0xFFFFC000  }
.Ltmp1:
0x36: {  	[bflag:$0x0] =	sbarrier.arrive $0xFFFF;
	(pc) =	sbr.rel @p0 .LBB2_1-.Ltmp1, $4  }
0x37: {  	[hbm:s16], [sflag:s9] =	dma.local [spmem:s10], $0x2A00  }
0x38: {  	_ =	swait.ge [sflag:s11], $0x2A00  }
0x39: {  	[sflag:s11] =	ssyncset.done $0x0  }
0x3a: {  	[sflag:s11] =	ssyncadd.s32 $0xFFFFD600  }
0x3b: {  	_ =	sfence.sel $0x180000  }
0x3c: {  	[bflag:$0x0] =	sbarrier.arrive $0xFFFF  }
0x3d: {  	p0 =	sne.s32 s0, $0x0;
	_ =	strace $0x90000053  }
0x3e: {  	s0 =	sadd.s32 @!p0 $0x100000, s1;
	[bflag:$0x2] =	sbarrier.arrive $0xFFFF  }
0x3f: {  	[sflag:s0] =	ssyncadd.tile.s32 @!p0 $0x1;
	_ =	shalt  }
.Lfunc_end2:
_tile_overlayer_lowered:
.L_overlay_start_2:
0x40: {  	(tag) =	ssettag $0x2  }
0x41: {  	s0 =	rddreg [dreg:$0x0];
	s2 =	stileid.u32  }
0x42: {  	s1 =	rddreg [dreg:$0x1];
	p0 =	sne.s32 s2, $0x0  }
0x43: {  	s3 =	rddreg [dreg:$0x2];
	[bflag:$0x3] =	sbarrier.arrive $0xFFFF;
	s2 =	simm.s32 @!p0 $0x1C02  }
0x44: {  	[timem:s3], [sflag:s2] =	dma.local @!p0 [hbm:s0], s1  }
0x45: {  	s0 =	simm.s32 @!p0 $0x2  }
0x46: {  	_ =	swait.ge @!p0 [sflag:s0], s1  }
0x47: {  	s1 =	ssub.s32 @!p0 $0x0, s1;
	[sflag:s0] =	ssyncset.done @!p0 $0x0  }
0x48: {  	[sflag:s0] =	ssyncadd.s32 @!p0 s1  }
0x49: {  	[bflag:$0x3] =	sbarrier.arrive $0xFFFF  }
0x4a: {  	_ =	shalt  }

</sc_bundles>
